<compile_context>
chip_gen: v7x
topology: tpu7x:2x2x1
jax: 0.10.2.dev20260603
libtpu: 0.0.44.dev20260713+nightly
codegen_flags: <defaults>
</compile_context>

<pallas_src>
import functools

import jax
import jax.numpy as jnp
from jax import lax
from jax.experimental import pallas as pl
from jax.experimental.pallas import tpu as pltpu
from jax.experimental.pallas import tpu_sc as plsc

_NUM_CORES = 2
_NUM_SUBCORES = 16
_NUM_WORKERS = _NUM_CORES * _NUM_SUBCORES
_LANES = 16
_BB = 128
_DG = 8
_TPAD = 133


@functools.partial(jax.jit, static_argnames=("bsz", "seq", "d"))
def _sc_gather(idx, table, *, bsz, seq, d):
    n_bblocks = bsz // _BB
    n_units = seq * n_bblocks
    units_per_w = n_units // _NUM_WORKERS
    b_per_w = units_per_w * _BB
    mesh = plsc.VectorSubcoreMesh(core_axis_name="c", subcore_axis_name="s")

    @functools.partial(
        pl.kernel,
        mesh=mesh,
        out_type=jax.ShapeDtypeStruct(
            (seq, d // _DG, n_bblocks, _DG, _BB), table.dtype),
        scratch_types=[
            pltpu.VMEM((b_per_w,), jnp.int32),
            pltpu.VMEM((_BB, d), table.dtype),
            pltpu.VMEM((_BB, d), table.dtype),
            pltpu.VMEM((d // _DG, _DG, _TPAD), table.dtype),
            pltpu.VMEM((d // _DG, _DG, _TPAD), table.dtype),
            pltpu.SemaphoreType.DMA,
            pltpu.SemaphoreType.DMA,
            pltpu.SemaphoreType.DMA,
            pltpu.SemaphoreType.DMA,
        ],
        compiler_params=pltpu.CompilerParams(
            use_tc_tiling_on_sc=False, needs_layout_passes=False),
    )
    def run(idx_hbm, table_hbm, out_hbm, idx_v, rows0, rows1, t0, t1,
            sem_g0, sem_g1, sem_s0, sem_s1):
        wid = lax.axis_index("s") * _NUM_CORES + lax.axis_index("c")
        base = wid * b_per_w
        pltpu.sync_copy(idx_hbm.at[pl.ds(base, b_per_w)], idx_v)

        rows = (rows0, rows1)
        tbufs = (t0, t1)
        sem_g = (sem_g0, sem_g1)
        sem_s = (sem_s0, sem_s1)
        iota16 = lax.iota(jnp.int32, _LANES)
        nq = d // _LANES
        dg_vecs = [(16 * q + iota16) // _DG for q in range(nq)]
        dd_vecs = [(16 * q + iota16) % _DG for q in range(nq)]

        def start_gather(i, b):
            off = pl.multiple_of(i * _BB, _BB)
            pltpu.async_copy(
                table_hbm.at[idx_v.at[pl.ds(off, _BB)]], rows[b], sem_g[b])

        def wait_gather(i, b):
            off = pl.multiple_of(i * _BB, _BB)
            pltpu.make_async_copy(
                table_hbm.at[idx_v.at[pl.ds(off, _BB)]],
                rows[b], sem_g[b]).wait()

        def out_slice(i):
            u = wid * units_per_w + i
            return out_hbm.at[u // n_bblocks, :, u % n_bblocks]

        start_gather(0, 0)

        def group(g, carry):
            for b in range(2):
                i = g * 2 + b

                @pl.when(i + 1 < units_per_w)
                def _():
                    start_gather(i + 1, 1 - b)

                wait_gather(i, b)

                @pl.when(i >= 2)
                def _():
                    pltpu.make_async_copy(
                        tbufs[b].at[:, :, pl.ds(0, _BB)],
                        out_hbm.at[0, :, 0], sem_s[b]).wait()

                def bbg_body(bbg, c, _b=b):
                    for j in range(16):
                        bbi = bbg * 16 + j
                        bb_vec = bbi + jnp.zeros((_LANES,), jnp.int32)
                        for q in range(nq):
                            vec = rows[_b][bbi, pl.ds(16 * q, 16)]
                            plsc.store_scatter(
                                tbufs[_b],
                                [dg_vecs[q], dd_vecs[q], bb_vec], vec)
                    return c

                lax.fori_loop(0, _BB // 16, bbg_body, 0)

                pltpu.async_copy(
                    tbufs[b].at[:, :, pl.ds(0, _BB)], out_slice(i), sem_s[b])
            return carry

        lax.fori_loop(0, units_per_w // 2, group, 0)
        for b in range(2):
            pltpu.make_async_copy(
                tbufs[b].at[:, :, pl.ds(0, _BB)],
                out_hbm.at[0, :, 0], sem_s[b]).wait()

    return run(idx, table)


def kernel(token_ids, embedding_matrix):
    bsz, seq = token_ids.shape
    b = bsz * seq
    v, d = embedding_matrix.shape
    idx_t = token_ids.T.reshape(b).astype(jnp.int32) * 2
    table128 = jnp.pad(embedding_matrix, ((0, 0), (0, 128 - d)))
    table_lin = table128.reshape(2 * v, d)
    out5 = _sc_gather(idx_t, table_lin, bsz=bsz, seq=seq, d=d)
    return out5.transpose(2, 4, 0, 1, 3).reshape(bsz, seq, d)

# --- scband reference (transcript-rebuilt; emitter-appended) ---
"""Pipeline reference for scband-embedding-62792421867716 (READ-ONLY COPY).

The authoritative reference and input builder live on the scoring server;
editing this copy changes nothing except your own understanding.
"""

import jax, jax.numpy as jnp
import numpy as np

NUM_EMBEDDINGS = 1000000
EMBEDDING_DIM = 64
BATCH = 4096
SEQ = 200

def setup_inputs(seed: int = 0) -> dict:
    key = jax.random.key(seed)
    k_idx, k_w = jax.random.split(key)
    token_ids = jax.random.randint(k_idx, (BATCH, SEQ), 0, NUM_EMBEDDINGS, dtype=jnp.int64 if jax.config.jax_enable_x64 else jnp.int32)
    # truncated normal init, mean=0, std=1, a=-3, b=3
    embedding_matrix = jax.random.truncated_normal(k_w, -3.0, 3.0, (NUM_EMBEDDINGS, EMBEDDING_DIM), dtype=jnp.float32)
    return {"token_ids": token_ids, "embedding_matrix": embedding_matrix}

def reference(token_ids, embedding_matrix):
    # equivalent to self.embedding_matrix[token_ids]
    return jnp.take(embedding_matrix, token_ids, axis=0)

if __name__ == "__main__":
    import jax
    _d = setup_inputs()
    print(jax.jit(kernel)(*tuple(_d.values())))

</pallas_src>

<mosaic_0001>
#map = affine_map<(d0, d1) -> (0)>
#map1 = affine_map<(d0, d1) -> (0, 0)>
#map2 = affine_map<(d0, d1) -> (0, 0, 0, 0, 0)>
module attributes {stable_mosaic.version = 14 : i64} {
  func.func @run(%arg0: i32, %arg1: i32, %arg2: memref<819200xi32, #tpu.memory_space<hbm>>, %arg3: memref<2000000x64xf32, #tpu.memory_space<hbm>>, %arg4: memref<200x8x32x8x128xf32, #tpu.memory_space<hbm>>, %arg5: memref<25600xi32, #tpu.memory_space<vmem>>, %arg6: memref<128x64xf32, #tpu.memory_space<vmem>>, %arg7: memref<128x64xf32, #tpu.memory_space<vmem>>, %arg8: memref<8x8x133xf32, #tpu.memory_space<vmem>>, %arg9: memref<8x8x133xf32, #tpu.memory_space<vmem>>, %arg10: memref<!tpu.dma_semaphore, #tpu.memory_space<semaphore_mem>>, %arg11: memref<!tpu.dma_semaphore, #tpu.memory_space<semaphore_mem>>, %arg12: memref<!tpu.dma_semaphore, #tpu.memory_space<semaphore_mem>>, %arg13: memref<!tpu.dma_semaphore, #tpu.memory_space<semaphore_mem>>) attributes {dimension_semantics = [#tpu.dimension_semantics<core_parallel>, #tpu.dimension_semantics<subcore_parallel>], iteration_bounds = array<i64: 2, 16>, scalar_prefetch = 0 : i64, scratch_operands = 9 : i64, tpu.core_type = #tpu.core_type<sc_vector_subcore>, window_params = [{transform_indices = #map}, {transform_indices = #map1}, {transform_indices = #map2}]} {
    %mul3A = arith.constant 2 : i32
    %mul3A_0 = arith.muli %arg1, %mul3A : i32
    %add3A = arith.addi %mul3A_0, %arg0 : i32
    %mul3A_1 = arith.constant 25600 : i32
    %mul3A_2 = arith.muli %add3A, %mul3A_1 : i32
    "tpu.region"() ({
      %run_scoped3A = tpu.sem_alloc : memref<!tpu.dma_semaphore, #tpu.memory_space<semaphore_mem>>
      %dma_start3A_277 = tpu.memref_slice %arg2[%mul3A_2] : memref<819200xi32, #tpu.memory_space<hbm>> -> memref<25600xi32, #tpu.memory_space<hbm>>
      %dma_start3A_278 = tpu.memref_slice %arg2[%mul3A_2] : memref<819200xi32, #tpu.memory_space<hbm>> -> memref<25600xi32, #tpu.memory_space<hbm>>
      tpu.enqueue_dma source(%dma_start3A_278 : memref<25600xi32, #tpu.memory_space<hbm>>) target(%arg5 : memref<25600xi32, #tpu.memory_space<vmem>>) target_semaphore(%run_scoped3A : memref<!tpu.dma_semaphore, #tpu.memory_space<semaphore_mem>>)
      %dma_wait3A_279 = tpu.memref_slice %arg2[%mul3A_2] : memref<819200xi32, #tpu.memory_space<hbm>> -> memref<25600xi32, #tpu.memory_space<hbm>>
      %dma_wait3A_280 = tpu.memref_slice %arg2[%mul3A_2] : memref<819200xi32, #tpu.memory_space<hbm>> -> memref<25600xi32, #tpu.memory_space<hbm>>
      tpu.wait_dma2 semaphore(%run_scoped3A : memref<!tpu.dma_semaphore, #tpu.memory_space<semaphore_mem>>) src(%dma_wait3A_280 : memref<25600xi32, #tpu.memory_space<hbm>>) dst(%arg5 : memref<25600xi32, #tpu.memory_space<vmem>>)
      tpu.yield
    }) : () -> ()
    %iota3A = tpu.iota {dimensions = array<i32: 0>} : vector<16xi32>
    %add3A_3 = arith.constant 0 : i32
    %add3A_4 = vector.broadcast %add3A_3 : i32 to vector<16xi32>
    %add3A_5 = arith.addi %add3A_4, %iota3A : vector<16xi32>
    %jit3A = arith.constant 8 : i32
    %div3A = vector.broadcast %jit3A : i32 to vector<16xi32>
    %div3A_6 = arith.divsi %add3A_5, %div3A : vector<16xi32>
    %sign3A = arith.constant 0 : i32
    %sign3A_7 = vector.broadcast %sign3A : i32 to vector<16xi32>
    %sign3A_8 = arith.cmpi sgt, %add3A_5, %sign3A_7 : vector<16xi32>
    %sign3A_9 = arith.extui %sign3A_8 : vector<16xi1> to vector<16xi32>
    %sign3A_10 = arith.constant 0 : i32
    %sign3A_11 = vector.broadcast %sign3A_10 : i32 to vector<16xi32>
    %sign3A_12 = arith.cmpi slt, %add3A_5, %sign3A_11 : vector<16xi32>
    %sign3A_13 = arith.extui %sign3A_12 : vector<16xi1> to vector<16xi32>
    %sign3A_14 = arith.subi %sign3A_9, %sign3A_13 : vector<16xi32>
    %sign3A_15 = arith.constant 0 : i32
    %sign3A_16 = arith.cmpi sgt, %jit3A, %sign3A_15 : i32
    %sign3A_17 = arith.extui %sign3A_16 : i1 to i32
    %sign3A_18 = arith.constant 0 : i32
    %sign3A_19 = arith.cmpi slt, %jit3A, %sign3A_18 : i32
    %sign3A_20 = arith.extui %sign3A_19 : i1 to i32
    %sign3A_21 = arith.subi %sign3A_17, %sign3A_20 : i32
    %ne3A = vector.broadcast %sign3A_21 : i32 to vector<16xi32>
    %ne3A_22 = arith.cmpi ne, %sign3A_14, %ne3A : vector<16xi32>
    %rem3A = vector.broadcast %jit3A : i32 to vector<16xi32>
    %rem3A_23 = arith.remsi %add3A_5, %rem3A : vector<16xi32>
    %ne3A_24 = arith.constant 0 : i32
    %ne3A_25 = vector.broadcast %ne3A_24 : i32 to vector<16xi32>
    %ne3A_26 = arith.cmpi ne, %rem3A_23, %ne3A_25 : vector<16xi32>
    %and3A = arith.andi %ne3A_22, %ne3A_26 : vector<16xi1>
    %sub3A = arith.constant 1 : i32
    %sub3A_27 = vector.broadcast %sub3A : i32 to vector<16xi32>
    %sub3A_28 = arith.subi %div3A_6, %sub3A_27 : vector<16xi32>
    %select_n3A = arith.select %and3A, %sub3A_28, %div3A_6 : vector<16xi1>, vector<16xi32>
    %add3A_29 = arith.constant 16 : i32
    %add3A_30 = vector.broadcast %add3A_29 : i32 to vector<16xi32>
    %add3A_31 = arith.addi %add3A_30, %iota3A : vector<16xi32>
    %jit3A_32 = arith.constant 8 : i32
    %div3A_33 = vector.broadcast %jit3A_32 : i32 to vector<16xi32>
    %div3A_34 = arith.divsi %add3A_31, %div3A_33 : vector<16xi32>
    %sign3A_35 = arith.constant 0 : i32
    %sign3A_36 = vector.broadcast %sign3A_35 : i32 to vector<16xi32>
    %sign3A_37 = arith.cmpi sgt, %add3A_31, %sign3A_36 : vector<16xi32>
    %sign3A_38 = arith.extui %sign3A_37 : vector<16xi1> to vector<16xi32>
    %sign3A_39 = arith.constant 0 : i32
    %sign3A_40 = vector.broadcast %sign3A_39 : i32 to vector<16xi32>
    %sign3A_41 = arith.cmpi slt, %add3A_31, %sign3A_40 : vector<16xi32>
    %sign3A_42 = arith.extui %sign3A_41 : vector<16xi1> to vector<16xi32>
    %sign3A_43 = arith.subi %sign3A_38, %sign3A_42 : vector<16xi32>
    %sign3A_44 = arith.constant 0 : i32
    %sign3A_45 = arith.cmpi sgt, %jit3A_32, %sign3A_44 : i32
    %sign3A_46 = arith.extui %sign3A_45 : i1 to i32
    %sign3A_47 = arith.constant 0 : i32
    %sign3A_48 = arith.cmpi slt, %jit3A_32, %sign3A_47 : i32
    %sign3A_49 = arith.extui %sign3A_48 : i1 to i32
    %sign3A_50 = arith.subi %sign3A_46, %sign3A_49 : i32
    %ne3A_51 = vector.broadcast %sign3A_50 : i32 to vector<16xi32>
    %ne3A_52 = arith.cmpi ne, %sign3A_43, %ne3A_51 : vector<16xi32>
    %rem3A_53 = vector.broadcast %jit3A_32 : i32 to vector<16xi32>
    %rem3A_54 = arith.remsi %add3A_31, %rem3A_53 : vector<16xi32>
    %ne3A_55 = arith.constant 0 : i32
    %ne3A_56 = vector.broadcast %ne3A_55 : i32 to vector<16xi32>
    %ne3A_57 = arith.cmpi ne, %rem3A_54, %ne3A_56 : vector<16xi32>
    %and3A_58 = arith.andi %ne3A_52, %ne3A_57 : vector<16xi1>
    %sub3A_59 = arith.constant 1 : i32
    %sub3A_60 = vector.broadcast %sub3A_59 : i32 to vector<16xi32>
    %sub3A_61 = arith.subi %div3A_34, %sub3A_60 : vector<16xi32>
    %select_n3A_62 = arith.select %and3A_58, %sub3A_61, %div3A_34 : vector<16xi1>, vector<16xi32>
    %add3A_63 = arith.constant 32 : i32
    %add3A_64 = vector.broadcast %add3A_63 : i32 to vector<16xi32>
    %add3A_65 = arith.addi %add3A_64, %iota3A : vector<16xi32>
    %jit3A_66 = arith.constant 8 : i32
    %div3A_67 = vector.broadcast %jit3A_66 : i32 to vector<16xi32>
    %div3A_68 = arith.divsi %add3A_65, %div3A_67 : vector<16xi32>
    %sign3A_69 = arith.constant 0 : i32
    %sign3A_70 = vector.broadcast %sign3A_69 : i32 to vector<16xi32>
    %sign3A_71 = arith.cmpi sgt, %add3A_65, %sign3A_70 : vector<16xi32>
    %sign3A_72 = arith.extui %sign3A_71 : vector<16xi1> to vector<16xi32>
    %sign3A_73 = arith.constant 0 : i32
    %sign3A_74 = vector.broadcast %sign3A_73 : i32 to vector<16xi32>
    %sign3A_75 = arith.cmpi slt, %add3A_65, %sign3A_74 : vector<16xi32>
    %sign3A_76 = arith.extui %sign3A_75 : vector<16xi1> to vector<16xi32>
    %sign3A_77 = arith.subi %sign3A_72, %sign3A_76 : vector<16xi32>
    %sign3A_78 = arith.constant 0 : i32
    %sign3A_79 = arith.cmpi sgt, %jit3A_66, %sign3A_78 : i32
    %sign3A_80 = arith.extui %sign3A_79 : i1 to i32
    %sign3A_81 = arith.constant 0 : i32
    %sign3A_82 = arith.cmpi slt, %jit3A_66, %sign3A_81 : i32
    %sign3A_83 = arith.extui %sign3A_82 : i1 to i32
    %sign3A_84 = arith.subi %sign3A_80, %sign3A_83 : i32
    %ne3A_85 = vector.broadcast %sign3A_84 : i32 to vector<16xi32>
    %ne3A_86 = arith.cmpi ne, %sign3A_77, %ne3A_85 : vector<16xi32>
    %rem3A_87 = vector.broadcast %jit3A_66 : i32 to vector<16xi32>
    %rem3A_88 = arith.remsi %add3A_65, %rem3A_87 : vector<16xi32>
    %ne3A_89 = arith.constant 0 : i32
    %ne3A_90 = vector.broadcast %ne3A_89 : i32 to vector<16xi32>
    %ne3A_91 = arith.cmpi ne, %rem3A_88, %ne3A_90 : vector<16xi32>
    %and3A_92 = arith.andi %ne3A_86, %ne3A_91 : vector<16xi1>
    %sub3A_93 = arith.constant 1 : i32
    %sub3A_94 = vector.broadcast %sub3A_93 : i32 to vector<16xi32>
    %sub3A_95 = arith.subi %div3A_68, %sub3A_94 : vector<16xi32>
    %select_n3A_96 = arith.select %and3A_92, %sub3A_95, %div3A_68 : vector<16xi1>, vector<16xi32>
    %add3A_97 = arith.constant 48 : i32
    %add3A_98 = vector.broadcast %add3A_97 : i32 to vector<16xi32>
    %add3A_99 = arith.addi %add3A_98, %iota3A : vector<16xi32>
    %jit3A_100 = arith.constant 8 : i32
    %div3A_101 = vector.broadcast %jit3A_100 : i32 to vector<16xi32>
    %div3A_102 = arith.divsi %add3A_99, %div3A_101 : vector<16xi32>
    %sign3A_103 = arith.constant 0 : i32
    %sign3A_104 = vector.broadcast %sign3A_103 : i32 to vector<16xi32>
    %sign3A_105 = arith.cmpi sgt, %add3A_99, %sign3A_104 : vector<16xi32>
    %sign3A_106 = arith.extui %sign3A_105 : vector<16xi1> to vector<16xi32>
    %sign3A_107 = arith.constant 0 : i32
    %sign3A_108 = vector.broadcast %sign3A_107 : i32 to vector<16xi32>
    %sign3A_109 = arith.cmpi slt, %add3A_99, %sign3A_108 : vector<16xi32>
    %sign3A_110 = arith.extui %sign3A_109 : vector<16xi1> to vector<16xi32>
    %sign3A_111 = arith.subi %sign3A_106, %sign3A_110 : vector<16xi32>
    %sign3A_112 = arith.constant 0 : i32
    %sign3A_113 = arith.cmpi sgt, %jit3A_100, %sign3A_112 : i32
    %sign3A_114 = arith.extui %sign3A_113 : i1 to i32
    %sign3A_115 = arith.constant 0 : i32
    %sign3A_116 = arith.cmpi slt, %jit3A_100, %sign3A_115 : i32
    %sign3A_117 = arith.extui %sign3A_116 : i1 to i32
    %sign3A_118 = arith.subi %sign3A_114, %sign3A_117 : i32
    %ne3A_119 = vector.broadcast %sign3A_118 : i32 to vector<16xi32>
    %ne3A_120 = arith.cmpi ne, %sign3A_111, %ne3A_119 : vector<16xi32>
    %rem3A_121 = vector.broadcast %jit3A_100 : i32 to vector<16xi32>
    %rem3A_122 = arith.remsi %add3A_99, %rem3A_121 : vector<16xi32>
    %ne3A_123 = arith.constant 0 : i32
    %ne3A_124 = vector.broadcast %ne3A_123 : i32 to vector<16xi32>
    %ne3A_125 = arith.cmpi ne, %rem3A_122, %ne3A_124 : vector<16xi32>
    %and3A_126 = arith.andi %ne3A_120, %ne3A_125 : vector<16xi1>
    %sub3A_127 = arith.constant 1 : i32
    %sub3A_128 = vector.broadcast %sub3A_127 : i32 to vector<16xi32>
    %sub3A_129 = arith.subi %div3A_102, %sub3A_128 : vector<16xi32>
    %select_n3A_130 = arith.select %and3A_126, %sub3A_129, %div3A_102 : vector<16xi1>, vector<16xi32>
    %add3A_131 = arith.constant 0 : i32
    %add3A_132 = vector.broadcast %add3A_131 : i32 to vector<16xi32>
    %add3A_133 = arith.addi %add3A_132, %iota3A : vector<16xi32>
    %jit3A_134 = arith.constant 8 : i32
    %eq3A = arith.constant 0 : i32
    %eq3A_135 = arith.cmpi eq, %jit3A_134, %eq3A : i32
    %jit3A_136 = arith.constant 1 : i32
    %select_n3A_137 = arith.select %eq3A_135, %jit3A_136, %jit3A_134 : i32
    %rem3A_138 = vector.broadcast %select_n3A_137 : i32 to vector<16xi32>
    %rem3A_139 = arith.remsi %add3A_133, %rem3A_138 : vector<16xi32>
    %ne3A_140 = arith.constant 0 : i32
    %ne3A_141 = vector.broadcast %ne3A_140 : i32 to vector<16xi32>
    %ne3A_142 = arith.cmpi ne, %rem3A_139, %ne3A_141 : vector<16xi32>
    %lt3A = arith.constant 0 : i32
    %lt3A_143 = vector.broadcast %lt3A : i32 to vector<16xi32>
    %lt3A_144 = arith.cmpi slt, %rem3A_139, %lt3A_143 : vector<16xi32>
    %lt3A_145 = arith.constant 0 : i32
    %lt3A_146 = arith.cmpi slt, %select_n3A_137, %lt3A_145 : i32
    %ne3A_147 = vector.broadcast %lt3A_146 : i1 to vector<16xi1>
    %ne3A_148 = vector.broadcast %ne3A_147 : vector<16xi1> to vector<16xi1>
    %ne3A_149 = arith.xori %lt3A_144, %ne3A_148 : vector<16xi1>
    %and3A_150 = arith.andi %ne3A_149, %ne3A_142 : vector<16xi1>
    %add3A_151 = vector.broadcast %select_n3A_137 : i32 to vector<16xi32>
    %add3A_152 = arith.addi %rem3A_139, %add3A_151 : vector<16xi32>
    %select_n3A_153 = arith.select %and3A_150, %add3A_152, %rem3A_139 : vector<16xi1>, vector<16xi32>
    %add3A_154 = arith.constant 16 : i32
    %add3A_155 = vector.broadcast %add3A_154 : i32 to vector<16xi32>
    %add3A_156 = arith.addi %add3A_155, %iota3A : vector<16xi32>
    %jit3A_157 = arith.constant 8 : i32
    %eq3A_158 = arith.constant 0 : i32
    %eq3A_159 = arith.cmpi eq, %jit3A_157, %eq3A_158 : i32
    %jit3A_160 = arith.constant 1 : i32
    %select_n3A_161 = arith.select %eq3A_159, %jit3A_160, %jit3A_157 : i32
    %rem3A_162 = vector.broadcast %select_n3A_161 : i32 to vector<16xi32>
    %rem3A_163 = arith.remsi %add3A_156, %rem3A_162 : vector<16xi32>
    %ne3A_164 = arith.constant 0 : i32
    %ne3A_165 = vector.broadcast %ne3A_164 : i32 to vector<16xi32>
    %ne3A_166 = arith.cmpi ne, %rem3A_163, %ne3A_165 : vector<16xi32>
    %lt3A_167 = arith.constant 0 : i32
    %lt3A_168 = vector.broadcast %lt3A_167 : i32 to vector<16xi32>
    %lt3A_169 = arith.cmpi slt, %rem3A_163, %lt3A_168 : vector<16xi32>
    %lt3A_170 = arith.constant 0 : i32
    %lt3A_171 = arith.cmpi slt, %select_n3A_161, %lt3A_170 : i32
    %ne3A_172 = vector.broadcast %lt3A_171 : i1 to vector<16xi1>
    %ne3A_173 = vector.broadcast %ne3A_172 : vector<16xi1> to vector<16xi1>
    %ne3A_174 = arith.xori %lt3A_169, %ne3A_173 : vector<16xi1>
    %and3A_175 = arith.andi %ne3A_174, %ne3A_166 : vector<16xi1>
    %add3A_176 = vector.broadcast %select_n3A_161 : i32 to vector<16xi32>
    %add3A_177 = arith.addi %rem3A_163, %add3A_176 : vector<16xi32>
    %select_n3A_178 = arith.select %and3A_175, %add3A_177, %rem3A_163 : vector<16xi1>, vector<16xi32>
    %add3A_179 = arith.constant 32 : i32
    %add3A_180 = vector.broadcast %add3A_179 : i32 to vector<16xi32>
    %add3A_181 = arith.addi %add3A_180, %iota3A : vector<16xi32>
    %jit3A_182 = arith.constant 8 : i32
    %eq3A_183 = arith.constant 0 : i32
    %eq3A_184 = arith.cmpi eq, %jit3A_182, %eq3A_183 : i32
    %jit3A_185 = arith.constant 1 : i32
    %select_n3A_186 = arith.select %eq3A_184, %jit3A_185, %jit3A_182 : i32
    %rem3A_187 = vector.broadcast %select_n3A_186 : i32 to vector<16xi32>
    %rem3A_188 = arith.remsi %add3A_181, %rem3A_187 : vector<16xi32>
    %ne3A_189 = arith.constant 0 : i32
    %ne3A_190 = vector.broadcast %ne3A_189 : i32 to vector<16xi32>
    %ne3A_191 = arith.cmpi ne, %rem3A_188, %ne3A_190 : vector<16xi32>
    %lt3A_192 = arith.constant 0 : i32
    %lt3A_193 = vector.broadcast %lt3A_192 : i32 to vector<16xi32>
    %lt3A_194 = arith.cmpi slt, %rem3A_188, %lt3A_193 : vector<16xi32>
    %lt3A_195 = arith.constant 0 : i32
    %lt3A_196 = arith.cmpi slt, %select_n3A_186, %lt3A_195 : i32
    %ne3A_197 = vector.broadcast %lt3A_196 : i1 to vector<16xi1>
    %ne3A_198 = vector.broadcast %ne3A_197 : vector<16xi1> to vector<16xi1>
    %ne3A_199 = arith.xori %lt3A_194, %ne3A_198 : vector<16xi1>
    %and3A_200 = arith.andi %ne3A_199, %ne3A_191 : vector<16xi1>
    %add3A_201 = vector.broadcast %select_n3A_186 : i32 to vector<16xi32>
    %add3A_202 = arith.addi %rem3A_188, %add3A_201 : vector<16xi32>
    %select_n3A_203 = arith.select %and3A_200, %add3A_202, %rem3A_188 : vector<16xi1>, vector<16xi32>
    %add3A_204 = arith.constant 48 : i32
    %add3A_205 = vector.broadcast %add3A_204 : i32 to vector<16xi32>
    %add3A_206 = arith.addi %add3A_205, %iota3A : vector<16xi32>
    %jit3A_207 = arith.constant 8 : i32
    %eq3A_208 = arith.constant 0 : i32
    %eq3A_209 = arith.cmpi eq, %jit3A_207, %eq3A_208 : i32
    %jit3A_210 = arith.constant 1 : i32
    %select_n3A_211 = arith.select %eq3A_209, %jit3A_210, %jit3A_207 : i32
    %rem3A_212 = vector.broadcast %select_n3A_211 : i32 to vector<16xi32>
    %rem3A_213 = arith.remsi %add3A_206, %rem3A_212 : vector<16xi32>
    %ne3A_214 = arith.constant 0 : i32
    %ne3A_215 = vector.broadcast %ne3A_214 : i32 to vector<16xi32>
    %ne3A_216 = arith.cmpi ne, %rem3A_213, %ne3A_215 : vector<16xi32>
    %lt3A_217 = arith.constant 0 : i32
    %lt3A_218 = vector.broadcast %lt3A_217 : i32 to vector<16xi32>
    %lt3A_219 = arith.cmpi slt, %rem3A_213, %lt3A_218 : vector<16xi32>
    %lt3A_220 = arith.constant 0 : i32
    %lt3A_221 = arith.cmpi slt, %select_n3A_211, %lt3A_220 : i32
    %ne3A_222 = vector.broadcast %lt3A_221 : i1 to vector<16xi1>
    %ne3A_223 = vector.broadcast %ne3A_222 : vector<16xi1> to vector<16xi1>
    %ne3A_224 = arith.xori %lt3A_219, %ne3A_223 : vector<16xi1>
    %and3A_225 = arith.andi %ne3A_224, %ne3A_216 : vector<16xi1>
    %add3A_226 = vector.broadcast %select_n3A_211 : i32 to vector<16xi32>
    %add3A_227 = arith.addi %rem3A_213, %add3A_226 : vector<16xi32>
    %select_n3A_228 = arith.select %and3A_225, %add3A_227, %rem3A_213 : vector<16xi1>, vector<16xi32>
    %multiple_of3A = arith.constant 0 : i32
    %multiple_of3A_229 = tpu.assume_multiple %multiple_of3A, 128 : i32
    %dma_start3A = tpu.memref_slice %arg5[%multiple_of3A_229] : memref<25600xi32, #tpu.memory_space<vmem>> -> memref<128xi32, #tpu.memory_space<vmem>>
    %dma_start3A_230 = arith.constant 0 : i32
    %dma_start3A_231 = arith.constant 0 : i32
    %dma_start3A_232 = tpu.memref_slice %arg3[%dma_start3A_230, %dma_start3A_231] : memref<2000000x64xf32, #tpu.memory_space<hbm>> -> memref<2000000x64xf32, #tpu.memory_space<hbm>>
    tpu.enqueue_indirect_dma source(%dma_start3A_232 : memref<2000000x64xf32, #tpu.memory_space<hbm>>) target(%arg6 : memref<128x64xf32, #tpu.memory_space<vmem>>) offsets(%dma_start3A : memref<128xi32, #tpu.memory_space<vmem>>) semaphore(%arg10 : memref<!tpu.dma_semaphore, #tpu.memory_space<semaphore_mem>>)
    %scan3A = arith.constant 0 : i32
    %scan3A_233 = arith.constant 0 : i32
    %scan3A_234 = arith.constant 100 : i32
    %scan3A_235 = arith.addi %scan3A_233, %scan3A_234 : i32
    %scan3A_236 = arith.constant 1 : i32
    scf.for %scan3A_277 = %scan3A_233 to %scan3A_235 step %scan3A_236  : i32 {
      %mul3A_278 = arith.constant 2 : i32
      %mul3A_279 = arith.muli %scan3A_277, %mul3A_278 : i32
      %add3A_280 = arith.constant 0 : i32
      %add3A_281 = arith.addi %mul3A_279, %add3A_280 : i32
      %add3A_282 = arith.constant 1 : i32
      %add3A_283 = arith.addi %add3A_281, %add3A_282 : i32
      %lt3A_284 = arith.constant 200 : i32
      %lt3A_285 = arith.cmpi slt, %add3A_283, %lt3A_284 : i32
      %convert_element_type3A = arith.extui %lt3A_285 : i1 to i32
      %cond3A = arith.constant 0 : i32
      %cond3A_286 = arith.cmpi ne, %convert_element_type3A, %cond3A : i32
      scf.if %cond3A_286 {
        %add3A_455 = arith.constant 1 : i32
        %add3A_456 = arith.addi %add3A_281, %add3A_455 : i32
        %mul3A_457 = arith.constant 128 : i32
        %mul3A_458 = arith.muli %add3A_456, %mul3A_457 : i32
        %multiple_of3A_459 = tpu.assume_multiple %mul3A_458, 128 : i32
        %dma_start3A_460 = tpu.memref_slice %arg5[%multiple_of3A_459] : memref<25600xi32, #tpu.memory_space<vmem>> -> memref<128xi32, #tpu.memory_space<vmem>>
        %dma_start3A_461 = arith.constant 0 : i32
        %dma_start3A_462 = arith.constant 0 : i32
        %dma_start3A_463 = tpu.memref_slice %arg3[%dma_start3A_461, %dma_start3A_462] : memref<2000000x64xf32, #tpu.memory_space<hbm>> -> memref<2000000x64xf32, #tpu.memory_space<hbm>>
        tpu.enqueue_indirect_dma source(%dma_start3A_463 : memref<2000000x64xf32, #tpu.memory_space<hbm>>) target(%arg7 : memref<128x64xf32, #tpu.memory_space<vmem>>) offsets(%dma_start3A_460 : memref<128xi32, #tpu.memory_space<vmem>>) semaphore(%arg11 : memref<!tpu.dma_semaphore, #tpu.memory_space<semaphore_mem>>)
      } else {
      }
      %mul3A_287 = arith.constant 128 : i32
      %mul3A_288 = arith.muli %add3A_281, %mul3A_287 : i32
      %multiple_of3A_289 = tpu.assume_multiple %mul3A_288, 128 : i32
      %dma_wait3A_290 = tpu.memref_slice %arg5[%multiple_of3A_289] : memref<25600xi32, #tpu.memory_space<vmem>> -> memref<128xi32, #tpu.memory_space<vmem>>
      %dma_wait3A_291 = arith.constant 0 : i32
      %dma_wait3A_292 = arith.constant 0 : i32
      %dma_wait3A_293 = tpu.memref_slice %arg3[%dma_wait3A_291, %dma_wait3A_292] : memref<2000000x64xf32, #tpu.memory_space<hbm>> -> memref<2000000x64xf32, #tpu.memory_space<hbm>>
      tpu.wait_indirect_dma semaphore(%arg10 : memref<!tpu.dma_semaphore, #tpu.memory_space<semaphore_mem>>) src(%dma_wait3A_293 : memref<2000000x64xf32, #tpu.memory_space<hbm>>) dst(%arg6 : memref<128x64xf32, #tpu.memory_space<vmem>>)
      %ge3A = arith.constant 2 : i32
      %ge3A_294 = arith.cmpi sge, %add3A_281, %ge3A : i32
      %convert_element_type3A_295 = arith.extui %ge3A_294 : i1 to i32
      %cond3A_296 = arith.constant 0 : i32
      %cond3A_297 = arith.cmpi ne, %convert_element_type3A_295, %cond3A_296 : i32
      scf.if %cond3A_297 {
        %dma_wait3A_455 = arith.constant 0 : i32
        %dma_wait3A_456 = arith.constant 0 : i32
        %dma_wait3A_457 = arith.constant 0 : i32
        %dma_wait3A_458 = arith.constant 0 : i32
        %dma_wait3A_459 = arith.constant 0 : i32
        %dma_wait3A_460 = tpu.memref_slice %arg8[%dma_wait3A_457, %dma_wait3A_458, %dma_wait3A_459] : memref<8x8x133xf32, #tpu.memory_space<vmem>> -> memref<8x8x128xf32, #tpu.memory_space<vmem>>
        %dma_wait3A_461 = arith.constant 0 : i32
        %dma_wait3A_462 = arith.constant 0 : i32
        %dma_wait3A_463 = arith.constant 0 : i32
        %dma_wait3A_464 = tpu.memref_slice %arg4[%dma_wait3A_455, %dma_wait3A_461, %dma_wait3A_456, %dma_wait3A_462, %dma_wait3A_463] : memref<200x8x32x8x128xf32, #tpu.memory_space<hbm>> -> memref<1x8x1x8x128xf32, #tpu.memory_space<hbm>>
        %dma_wait3A_465 = tpu.memref_squeeze %dma_wait3A_464 : memref<1x8x1x8x128xf32, #tpu.memory_space<hbm>> -> memref<8x8x128xf32, #tpu.memory_space<hbm>>
        %dma_wait3A_466 = arith.constant 0 : i32
        %dma_wait3A_467 = arith.constant 0 : i32
        %dma_wait3A_468 = arith.constant 0 : i32
        %dma_wait3A_469 = tpu.memref_slice %arg4[%dma_wait3A_455, %dma_wait3A_466, %dma_wait3A_456, %dma_wait3A_467, %dma_wait3A_468] : memref<200x8x32x8x128xf32, #tpu.memory_space<hbm>> -> memref<1x8x1x8x128xf32, #tpu.memory_space<hbm>>
        %dma_wait3A_470 = tpu.memref_squeeze %dma_wait3A_469 : memref<1x8x1x8x128xf32, #tpu.memory_space<hbm>> -> memref<8x8x128xf32, #tpu.memory_space<hbm>>
        %dma_wait3A_471 = arith.constant 0 : i32
        %dma_wait3A_472 = arith.constant 0 : i32
        %dma_wait3A_473 = arith.constant 0 : i32
        %dma_wait3A_474 = tpu.memref_slice %arg8[%dma_wait3A_471, %dma_wait3A_472, %dma_wait3A_473] : memref<8x8x133xf32, #tpu.memory_space<vmem>> -> memref<8x8x128xf32, #tpu.memory_space<vmem>>
        tpu.wait_dma2 semaphore(%arg12 : memref<!tpu.dma_semaphore, #tpu.memory_space<semaphore_mem>>) src(%dma_wait3A_474 : memref<8x8x128xf32, #tpu.memory_space<vmem>>) dst(%dma_wait3A_470 : memref<8x8x128xf32, #tpu.memory_space<hbm>>)
      } else {
      }
      %scan3A_298 = arith.constant 0 : i32
      %scan3A_299 = arith.constant 0 : i32
      %scan3A_300 = arith.constant 8 : i32
      %scan3A_301 = arith.addi %scan3A_299, %scan3A_300 : i32
      %scan3A_302 = arith.constant 1 : i32
      scf.for %scan3A_455 = %scan3A_299 to %scan3A_301 step %scan3A_302  : i32 {
        %mul3A_456 = arith.constant 16 : i32
        %mul3A_457 = arith.muli %scan3A_455, %mul3A_456 : i32
        %add3A_458 = arith.constant 0 : i32
        %add3A_459 = arith.addi %mul3A_457, %add3A_458 : i32
        %broadcast_in_dim3A = arith.constant 0 : i32
        %broadcast_in_dim3A_460 = vector.broadcast %broadcast_in_dim3A : i32 to vector<16xi32>
        %add3A_461 = vector.broadcast %add3A_459 : i32 to vector<16xi32>
        %add3A_462 = arith.addi %add3A_461, %broadcast_in_dim3A_460 : vector<16xi32>
        %get3A = arith.index_cast %add3A_459 : i32 to index
        %get3A_463 = arith.constant 0 : index
        %get3A_464 = tpu.vector_load %arg6[%get3A, %get3A_463] {strides = array<i32>} : memref<128x64xf32, #tpu.memory_space<vmem>>, vector<16xf32>,
        tpu.vector_store_idx %arg8[%select_n3A, %select_n3A_153, %add3A_462], %get3A_464 : memref<8x8x133xf32, #tpu.memory_space<vmem>>[vector<16xi32>, vector<16xi32>, vector<16xi32>], vector<16xf32>,
        %get3A_465 = arith.index_cast %add3A_459 : i32 to index
        %get3A_466 = arith.constant 16 : index
        %get3A_467 = tpu.vector_load %arg6[%get3A_465, %get3A_466] {strides = array<i32>} : memref<128x64xf32, #tpu.memory_space<vmem>>, vector<16xf32>,
        tpu.vector_store_idx %arg8[%select_n3A_62, %select_n3A_178, %add3A_462], %get3A_467 : memref<8x8x133xf32, #tpu.memory_space<vmem>>[vector<16xi32>, vector<16xi32>, vector<16xi32>], vector<16xf32>,
        %get3A_468 = arith.index_cast %add3A_459 : i32 to index
        %get3A_469 = arith.constant 32 : index
        %get3A_470 = tpu.vector_load %arg6[%get3A_468, %get3A_469] {strides = array<i32>} : memref<128x64xf32, #tpu.memory_space<vmem>>, vector<16xf32>,
        tpu.vector_store_idx %arg8[%select_n3A_96, %select_n3A_203, %add3A_462], %get3A_470 : memref<8x8x133xf32, #tpu.memory_space<vmem>>[vector<16xi32>, vector<16xi32>, vector<16xi32>], vector<16xf32>,
        %get3A_471 = arith.index_cast %add3A_459 : i32 to index
        %get3A_472 = arith.constant 48 : index
        %get3A_473 = tpu.vector_load %arg6[%get3A_471, %get3A_472] {strides = array<i32>} : memref<128x64xf32, #tpu.memory_space<vmem>>, vector<16xf32>,
        tpu.vector_store_idx %arg8[%select_n3A_130, %select_n3A_228, %add3A_462], %get3A_473 : memref<8x8x133xf32, #tpu.memory_space<vmem>>[vector<16xi32>, vector<16xi32>, vector<16xi32>], vector<16xf32>,
        %mul3A_474 = arith.constant 16 : i32
        %mul3A_475 = arith.muli %scan3A_455, %mul3A_474 : i32
        %add3A_476 = arith.constant 1 : i32
        %add3A_477 = arith.addi %mul3A_475, %add3A_476 : i32
        %broadcast_in_dim3A_478 = arith.constant 0 : i32
        %broadcast_in_dim3A_479 = vector.broadcast %broadcast_in_dim3A_478 : i32 to vector<16xi32>
        %add3A_480 = vector.broadcast %add3A_477 : i32 to vector<16xi32>
        %add3A_481 = arith.addi %add3A_480, %broadcast_in_dim3A_479 : vector<16xi32>
        %get3A_482 = arith.index_cast %add3A_477 : i32 to index
        %get3A_483 = arith.constant 0 : index
        %get3A_484 = tpu.vector_load %arg6[%get3A_482, %get3A_483] {strides = array<i32>} : memref<128x64xf32, #tpu.memory_space<vmem>>, vector<16xf32>,
        tpu.vector_store_idx %arg8[%select_n3A, %select_n3A_153, %add3A_481], %get3A_484 : memref<8x8x133xf32, #tpu.memory_space<vmem>>[vector<16xi32>, vector<16xi32>, vector<16xi32>], vector<16xf32>,
        %get3A_485 = arith.index_cast %add3A_477 : i32 to index
        %get3A_486 = arith.constant 16 : index
        %get3A_487 = tpu.vector_load %arg6[%get3A_485, %get3A_486] {strides = array<i32>} : memref<128x64xf32, #tpu.memory_space<vmem>>, vector<16xf32>,
        tpu.vector_store_idx %arg8[%select_n3A_62, %select_n3A_178, %add3A_481], %get3A_487 : memref<8x8x133xf32, #tpu.memory_space<vmem>>[vector<16xi32>, vector<16xi32>, vector<16xi32>], vector<16xf32>,
        %get3A_488 = arith.index_cast %add3A_477 : i32 to index
        %get3A_489 = arith.constant 32 : index
        %get3A_490 = tpu.vector_load %arg6[%get3A_488, %get3A_489] {strides = array<i32>} : memref<128x64xf32, #tpu.memory_space<vmem>>, vector<16xf32>,
        tpu.vector_store_idx %arg8[%select_n3A_96, %select_n3A_203, %add3A_481], %get3A_490 : memref<8x8x133xf32, #tpu.memory_space<vmem>>[vector<16xi32>, vector<16xi32>, vector<16xi32>], vector<16xf32>,
        %get3A_491 = arith.index_cast %add3A_477 : i32 to index
        %get3A_492 = arith.constant 48 : index
        %get3A_493 = tpu.vector_load %arg6[%get3A_491, %get3A_492] {strides = array<i32>} : memref<128x64xf32, #tpu.memory_space<vmem>>, vector<16xf32>,
        tpu.vector_store_idx %arg8[%select_n3A_130, %select_n3A_228, %add3A_481], %get3A_493 : memref<8x8x133xf32, #tpu.memory_space<vmem>>[vector<16xi32>, vector<16xi32>, vector<16xi32>], vector<16xf32>,
        %mul3A_494 = arith.constant 16 : i32
        %mul3A_495 = arith.muli %scan3A_455, %mul3A_494 : i32
        %add3A_496 = arith.constant 2 : i32
        %add3A_497 = arith.addi %mul3A_495, %add3A_496 : i32
        %broadcast_in_dim3A_498 = arith.constant 0 : i32
        %broadcast_in_dim3A_499 = vector.broadcast %broadcast_in_dim3A_498 : i32 to vector<16xi32>
        %add3A_500 = vector.broadcast %add3A_497 : i32 to vector<16xi32>
        %add3A_501 = arith.addi %add3A_500, %broadcast_in_dim3A_499 : vector<16xi32>
        %get3A_502 = arith.index_cast %add3A_497 : i32 to index
        %get3A_503 = arith.constant 0 : index
        %get3A_504 = tpu.vector_load %arg6[%get3A_502, %get3A_503] {strides = array<i32>} : memref<128x64xf32, #tpu.memory_space<vmem>>, vector<16xf32>,
        tpu.vector_store_idx %arg8[%select_n3A, %select_n3A_153, %add3A_501], %get3A_504 : memref<8x8x133xf32, #tpu.memory_space<vmem>>[vector<16xi32>, vector<16xi32>, vector<16xi32>], vector<16xf32>,
        %get3A_505 = arith.index_cast %add3A_497 : i32 to index
        %get3A_506 = arith.constant 16 : index
        %get3A_507 = tpu.vector_load %arg6[%get3A_505, %get3A_506] {strides = array<i32>} : memref<128x64xf32, #tpu.memory_space<vmem>>, vector<16xf32>,
        tpu.vector_store_idx %arg8[%select_n3A_62, %select_n3A_178, %add3A_501], %get3A_507 : memref<8x8x133xf32, #tpu.memory_space<vmem>>[vector<16xi32>, vector<16xi32>, vector<16xi32>], vector<16xf32>,
        %get3A_508 = arith.index_cast %add3A_497 : i32 to index
        %get3A_509 = arith.constant 32 : index
        %get3A_510 = tpu.vector_load %arg6[%get3A_508, %get3A_509] {strides = array<i32>} : memref<128x64xf32, #tpu.memory_space<vmem>>, vector<16xf32>,
        tpu.vector_store_idx %arg8[%select_n3A_96, %select_n3A_203, %add3A_501], %get3A_510 : memref<8x8x133xf32, #tpu.memory_space<vmem>>[vector<16xi32>, vector<16xi32>, vector<16xi32>], vector<16xf32>,
        %get3A_511 = arith.index_cast %add3A_497 : i32 to index
        %get3A_512 = arith.constant 48 : index
        %get3A_513 = tpu.vector_load %arg6[%get3A_511, %get3A_512] {strides = array<i32>} : memref<128x64xf32, #tpu.memory_space<vmem>>, vector<16xf32>,
        tpu.vector_store_idx %arg8[%select_n3A_130, %select_n3A_228, %add3A_501], %get3A_513 : memref<8x8x133xf32, #tpu.memory_space<vmem>>[vector<16xi32>, vector<16xi32>, vector<16xi32>], vector<16xf32>,
        %mul3A_514 = arith.constant 16 : i32
        %mul3A_515 = arith.muli %scan3A_455, %mul3A_514 : i32
        %add3A_516 = arith.constant 3 : i32
        %add3A_517 = arith.addi %mul3A_515, %add3A_516 : i32
        %broadcast_in_dim3A_518 = arith.constant 0 : i32
        %broadcast_in_dim3A_519 = vector.broadcast %broadcast_in_dim3A_518 : i32 to vector<16xi32>
        %add3A_520 = vector.broadcast %add3A_517 : i32 to vector<16xi32>
        %add3A_521 = arith.addi %add3A_520, %broadcast_in_dim3A_519 : vector<16xi32>
        %get3A_522 = arith.index_cast %add3A_517 : i32 to index
        %get3A_523 = arith.constant 0 : index
        %get3A_524 = tpu.vector_load %arg6[%get3A_522, %get3A_523] {strides = array<i32>} : memref<128x64xf32, #tpu.memory_space<vmem>>, vector<16xf32>,
        tpu.vector_store_idx %arg8[%select_n3A, %select_n3A_153, %add3A_521], %get3A_524 : memref<8x8x133xf32, #tpu.memory_space<vmem>>[vector<16xi32>, vector<16xi32>, vector<16xi32>], vector<16xf32>,
        %get3A_525 = arith.index_cast %add3A_517 : i32 to index
        %get3A_526 = arith.constant 16 : index
        %get3A_527 = tpu.vector_load %arg6[%get3A_525, %get3A_526] {strides = array<i32>} : memref<128x64xf32, #tpu.memory_space<vmem>>, vector<16xf32>,
        tpu.vector_store_idx %arg8[%select_n3A_62, %select_n3A_178, %add3A_521], %get3A_527 : memref<8x8x133xf32, #tpu.memory_space<vmem>>[vector<16xi32>, vector<16xi32>, vector<16xi32>], vector<16xf32>,
        %get3A_528 = arith.index_cast %add3A_517 : i32 to index
        %get3A_529 = arith.constant 32 : index
        %get3A_530 = tpu.vector_load %arg6[%get3A_528, %get3A_529] {strides = array<i32>} : memref<128x64xf32, #tpu.memory_space<vmem>>, vector<16xf32>,
        tpu.vector_store_idx %arg8[%select_n3A_96, %select_n3A_203, %add3A_521], %get3A_530 : memref<8x8x133xf32, #tpu.memory_space<vmem>>[vector<16xi32>, vector<16xi32>, vector<16xi32>], vector<16xf32>,
        %get3A_531 = arith.index_cast %add3A_517 : i32 to index
        %get3A_532 = arith.constant 48 : index
        %get3A_533 = tpu.vector_load %arg6[%get3A_531, %get3A_532] {strides = array<i32>} : memref<128x64xf32, #tpu.memory_space<vmem>>, vector<16xf32>,
        tpu.vector_store_idx %arg8[%select_n3A_130, %select_n3A_228, %add3A_521], %get3A_533 : memref<8x8x133xf32, #tpu.memory_space<vmem>>[vector<16xi32>, vector<16xi32>, vector<16xi32>], vector<16xf32>,
        %mul3A_534 = arith.constant 16 : i32
        %mul3A_535 = arith.muli %scan3A_455, %mul3A_534 : i32
        %add3A_536 = arith.constant 4 : i32
        %add3A_537 = arith.addi %mul3A_535, %add3A_536 : i32
        %broadcast_in_dim3A_538 = arith.constant 0 : i32
        %broadcast_in_dim3A_539 = vector.broadcast %broadcast_in_dim3A_538 : i32 to vector<16xi32>
        %add3A_540 = vector.broadcast %add3A_537 : i32 to vector<16xi32>
        %add3A_541 = arith.addi %add3A_540, %broadcast_in_dim3A_539 : vector<16xi32>
        %get3A_542 = arith.index_cast %add3A_537 : i32 to index
        %get3A_543 = arith.constant 0 : index
        %get3A_544 = tpu.vector_load %arg6[%get3A_542, %get3A_543] {strides = array<i32>} : memref<128x64xf32, #tpu.memory_space<vmem>>, vector<16xf32>,
        tpu.vector_store_idx %arg8[%select_n3A, %select_n3A_153, %add3A_541], %get3A_544 : memref<8x8x133xf32, #tpu.memory_space<vmem>>[vector<16xi32>, vector<16xi32>, vector<16xi32>], vector<16xf32>,
        %get3A_545 = arith.index_cast %add3A_537 : i32 to index
        %get3A_546 = arith.constant 16 : index
        %get3A_547 = tpu.vector_load %arg6[%get3A_545, %get3A_546] {strides = array<i32>} : memref<128x64xf32, #tpu.memory_space<vmem>>, vector<16xf32>,
        tpu.vector_store_idx %arg8[%select_n3A_62, %select_n3A_178, %add3A_541], %get3A_547 : memref<8x8x133xf32, #tpu.memory_space<vmem>>[vector<16xi32>, vector<16xi32>, vector<16xi32>], vector<16xf32>,
        %get3A_548 = arith.index_cast %add3A_537 : i32 to index
        %get3A_549 = arith.constant 32 : index
        %get3A_550 = tpu.vector_load %arg6[%get3A_548, %get3A_549] {strides = array<i32>} : memref<128x64xf32, #tpu.memory_space<vmem>>, vector<16xf32>,
        tpu.vector_store_idx %arg8[%select_n3A_96, %select_n3A_203, %add3A_541], %get3A_550 : memref<8x8x133xf32, #tpu.memory_space<vmem>>[vector<16xi32>, vector<16xi32>, vector<16xi32>], vector<16xf32>,
        %get3A_551 = arith.index_cast %add3A_537 : i32 to index
        %get3A_552 = arith.constant 48 : index
        %get3A_553 = tpu.vector_load %arg6[%get3A_551, %get3A_552] {strides = array<i32>} : memref<128x64xf32, #tpu.memory_space<vmem>>, vector<16xf32>,
        tpu.vector_store_idx %arg8[%select_n3A_130, %select_n3A_228, %add3A_541], %get3A_553 : memref<8x8x133xf32, #tpu.memory_space<vmem>>[vector<16xi32>, vector<16xi32>, vector<16xi32>], vector<16xf32>,
        %mul3A_554 = arith.constant 16 : i32
        %mul3A_555 = arith.muli %scan3A_455, %mul3A_554 : i32
        %add3A_556 = arith.constant 5 : i32
        %add3A_557 = arith.addi %mul3A_555, %add3A_556 : i32
        %broadcast_in_dim3A_558 = arith.constant 0 : i32
        %broadcast_in_dim3A_559 = vector.broadcast %broadcast_in_dim3A_558 : i32 to vector<16xi32>
        %add3A_560 = vector.broadcast %add3A_557 : i32 to vector<16xi32>
        %add3A_561 = arith.addi %add3A_560, %broadcast_in_dim3A_559 : vector<16xi32>
        %get3A_562 = arith.index_cast %add3A_557 : i32 to index
        %get3A_563 = arith.constant 0 : index
        %get3A_564 = tpu.vector_load %arg6[%get3A_562, %get3A_563] {strides = array<i32>} : memref<128x64xf32, #tpu.memory_space<vmem>>, vector<16xf32>,
        tpu.vector_store_idx %arg8[%select_n3A, %select_n3A_153, %add3A_561], %get3A_564 : memref<8x8x133xf32, #tpu.memory_space<vmem>>[vector<16xi32>, vector<16xi32>, vector<16xi32>], vector<16xf32>,
        %get3A_565 = arith.index_cast %add3A_557 : i32 to index
        %get3A_566 = arith.constant 16 : index
        %get3A_567 = tpu.vector_load %arg6[%get3A_565, %get3A_566] {strides = array<i32>} : memref<128x64xf32, #tpu.memory_space<vmem>>, vector<16xf32>,
        tpu.vector_store_idx %arg8[%select_n3A_62, %select_n3A_178, %add3A_561], %get3A_567 : memref<8x8x133xf32, #tpu.memory_space<vmem>>[vector<16xi32>, vector<16xi32>, vector<16xi32>], vector<16xf32>,
        %get3A_568 = arith.index_cast %add3A_557 : i32 to index
        %get3A_569 = arith.constant 32 : index
        %get3A_570 = tpu.vector_load %arg6[%get3A_568, %get3A_569] {strides = array<i32>} : memref<128x64xf32, #tpu.memory_space<vmem>>, vector<16xf32>,
        tpu.vector_store_idx %arg8[%select_n3A_96, %select_n3A_203, %add3A_561], %get3A_570 : memref<8x8x133xf32, #tpu.memory_space<vmem>>[vector<16xi32>, vector<16xi32>, vector<16xi32>], vector<16xf32>,
        %get3A_571 = arith.index_cast %add3A_557 : i32 to index
        %get3A_572 = arith.constant 48 : index
        %get3A_573 = tpu.vector_load %arg6[%get3A_571, %get3A_572] {strides = array<i32>} : memref<128x64xf32, #tpu.memory_space<vmem>>, vector<16xf32>,
        tpu.vector_store_idx %arg8[%select_n3A_130, %select_n3A_228, %add3A_561], %get3A_573 : memref<8x8x133xf32, #tpu.memory_space<vmem>>[vector<16xi32>, vector<16xi32>, vector<16xi32>], vector<16xf32>,
        %mul3A_574 = arith.constant 16 : i32
        %mul3A_575 = arith.muli %scan3A_455, %mul3A_574 : i32
        %add3A_576 = arith.constant 6 : i32
        %add3A_577 = arith.addi %mul3A_575, %add3A_576 : i32
        %broadcast_in_dim3A_578 = arith.constant 0 : i32
        %broadcast_in_dim3A_579 = vector.broadcast %broadcast_in_dim3A_578 : i32 to vector<16xi32>
        %add3A_580 = vector.broadcast %add3A_577 : i32 to vector<16xi32>
        %add3A_581 = arith.addi %add3A_580, %broadcast_in_dim3A_579 : vector<16xi32>
        %get3A_582 = arith.index_cast %add3A_577 : i32 to index
        %get3A_583 = arith.constant 0 : index
        %get3A_584 = tpu.vector_load %arg6[%get3A_582, %get3A_583] {strides = array<i32>} : memref<128x64xf32, #tpu.memory_space<vmem>>, vector<16xf32>,
        tpu.vector_store_idx %arg8[%select_n3A, %select_n3A_153, %add3A_581], %get3A_584 : memref<8x8x133xf32, #tpu.memory_space<vmem>>[vector<16xi32>, vector<16xi32>, vector<16xi32>], vector<16xf32>,
        %get3A_585 = arith.index_cast %add3A_577 : i32 to index
        %get3A_586 = arith.constant 16 : index
        %get3A_587 = tpu.vector_load %arg6[%get3A_585, %get3A_586] {strides = array<i32>} : memref<128x64xf32, #tpu.memory_space<vmem>>, vector<16xf32>,
        tpu.vector_store_idx %arg8[%select_n3A_62, %select_n3A_178, %add3A_581], %get3A_587 : memref<8x8x133xf32, #tpu.memory_space<vmem>>[vector<16xi32>, vector<16xi32>, vector<16xi32>], vector<16xf32>,
        %get3A_588 = arith.index_cast %add3A_577 : i32 to index
        %get3A_589 = arith.constant 32 : index
        %get3A_590 = tpu.vector_load %arg6[%get3A_588, %get3A_589] {strides = array<i32>} : memref<128x64xf32, #tpu.memory_space<vmem>>, vector<16xf32>,
        tpu.vector_store_idx %arg8[%select_n3A_96, %select_n3A_203, %add3A_581], %get3A_590 : memref<8x8x133xf32, #tpu.memory_space<vmem>>[vector<16xi32>, vector<16xi32>, vector<16xi32>], vector<16xf32>,
        %get3A_591 = arith.index_cast %add3A_577 : i32 to index
        %get3A_592 = arith.constant 48 : index
        %get3A_593 = tpu.vector_load %arg6[%get3A_591, %get3A_592] {strides = array<i32>} : memref<128x64xf32, #tpu.memory_space<vmem>>, vector<16xf32>,
        tpu.vector_store_idx %arg8[%select_n3A_130, %select_n3A_228, %add3A_581], %get3A_593 : memref<8x8x133xf32, #tpu.memory_space<vmem>>[vector<16xi32>, vector<16xi32>, vector<16xi32>], vector<16xf32>,
        %mul3A_594 = arith.constant 16 : i32
        %mul3A_595 = arith.muli %scan3A_455, %mul3A_594 : i32
        %add3A_596 = arith.constant 7 : i32
        %add3A_597 = arith.addi %mul3A_595, %add3A_596 : i32
        %broadcast_in_dim3A_598 = arith.constant 0 : i32
        %broadcast_in_dim3A_599 = vector.broadcast %broadcast_in_dim3A_598 : i32 to vector<16xi32>
        %add3A_600 = vector.broadcast %add3A_597 : i32 to vector<16xi32>
        %add3A_601 = arith.addi %add3A_600, %broadcast_in_dim3A_599 : vector<16xi32>
        %get3A_602 = arith.index_cast %add3A_597 : i32 to index
        %get3A_603 = arith.constant 0 : index
        %get3A_604 = tpu.vector_load %arg6[%get3A_602, %get3A_603] {strides = array<i32>} : memref<128x64xf32, #tpu.memory_space<vmem>>, vector<16xf32>,
        tpu.vector_store_idx %arg8[%select_n3A, %select_n3A_153, %add3A_601], %get3A_604 : memref<8x8x133xf32, #tpu.memory_space<vmem>>[vector<16xi32>, vector<16xi32>, vector<16xi32>], vector<16xf32>,
        %get3A_605 = arith.index_cast %add3A_597 : i32 to index
        %get3A_606 = arith.constant 16 : index
        %get3A_607 = tpu.vector_load %arg6[%get3A_605, %get3A_606] {strides = array<i32>} : memref<128x64xf32, #tpu.memory_space<vmem>>, vector<16xf32>,
        tpu.vector_store_idx %arg8[%select_n3A_62, %select_n3A_178, %add3A_601], %get3A_607 : memref<8x8x133xf32, #tpu.memory_space<vmem>>[vector<16xi32>, vector<16xi32>, vector<16xi32>], vector<16xf32>,
        %get3A_608 = arith.index_cast %add3A_597 : i32 to index
        %get3A_609 = arith.constant 32 : index
        %get3A_610 = tpu.vector_load %arg6[%get3A_608, %get3A_609] {strides = array<i32>} : memref<128x64xf32, #tpu.memory_space<vmem>>, vector<16xf32>,
        tpu.vector_store_idx %arg8[%select_n3A_96, %select_n3A_203, %add3A_601], %get3A_610 : memref<8x8x133xf32, #tpu.memory_space<vmem>>[vector<16xi32>, vector<16xi32>, vector<16xi32>], vector<16xf32>,
        %get3A_611 = arith.index_cast %add3A_597 : i32 to index
        %get3A_612 = arith.constant 48 : index
        %get3A_613 = tpu.vector_load %arg6[%get3A_611, %get3A_612] {strides = array<i32>} : memref<128x64xf32, #tpu.memory_space<vmem>>, vector<16xf32>,
        tpu.vector_store_idx %arg8[%select_n3A_130, %select_n3A_228, %add3A_601], %get3A_613 : memref<8x8x133xf32, #tpu.memory_space<vmem>>[vector<16xi32>, vector<16xi32>, vector<16xi32>], vector<16xf32>,
        %mul3A_614 = arith.constant 16 : i32
        %mul3A_615 = arith.muli %scan3A_455, %mul3A_614 : i32
        %add3A_616 = arith.constant 8 : i32
        %add3A_617 = arith.addi %mul3A_615, %add3A_616 : i32
        %broadcast_in_dim3A_618 = arith.constant 0 : i32
        %broadcast_in_dim3A_619 = vector.broadcast %broadcast_in_dim3A_618 : i32 to vector<16xi32>
        %add3A_620 = vector.broadcast %add3A_617 : i32 to vector<16xi32>
        %add3A_621 = arith.addi %add3A_620, %broadcast_in_dim3A_619 : vector<16xi32>
        %get3A_622 = arith.index_cast %add3A_617 : i32 to index
        %get3A_623 = arith.constant 0 : index
        %get3A_624 = tpu.vector_load %arg6[%get3A_622, %get3A_623] {strides = array<i32>} : memref<128x64xf32, #tpu.memory_space<vmem>>, vector<16xf32>,
        tpu.vector_store_idx %arg8[%select_n3A, %select_n3A_153, %add3A_621], %get3A_624 : memref<8x8x133xf32, #tpu.memory_space<vmem>>[vector<16xi32>, vector<16xi32>, vector<16xi32>], vector<16xf32>,
        %get3A_625 = arith.index_cast %add3A_617 : i32 to index
        %get3A_626 = arith.constant 16 : index
        %get3A_627 = tpu.vector_load %arg6[%get3A_625, %get3A_626] {strides = array<i32>} : memref<128x64xf32, #tpu.memory_space<vmem>>, vector<16xf32>,
        tpu.vector_store_idx %arg8[%select_n3A_62, %select_n3A_178, %add3A_621], %get3A_627 : memref<8x8x133xf32, #tpu.memory_space<vmem>>[vector<16xi32>, vector<16xi32>, vector<16xi32>], vector<16xf32>,
        %get3A_628 = arith.index_cast %add3A_617 : i32 to index
        %get3A_629 = arith.constant 32 : index
        %get3A_630 = tpu.vector_load %arg6[%get3A_628, %get3A_629] {strides = array<i32>} : memref<128x64xf32, #tpu.memory_space<vmem>>, vector<16xf32>,
        tpu.vector_store_idx %arg8[%select_n3A_96, %select_n3A_203, %add3A_621], %get3A_630 : memref<8x8x133xf32, #tpu.memory_space<vmem>>[vector<16xi32>, vector<16xi32>, vector<16xi32>], vector<16xf32>,
        %get3A_631 = arith.index_cast %add3A_617 : i32 to index
        %get3A_632 = arith.constant 48 : index
        %get3A_633 = tpu.vector_load %arg6[%get3A_631, %get3A_632] {strides = array<i32>} : memref<128x64xf32, #tpu.memory_space<vmem>>, vector<16xf32>,
        tpu.vector_store_idx %arg8[%select_n3A_130, %select_n3A_228, %add3A_621], %get3A_633 : memref<8x8x133xf32, #tpu.memory_space<vmem>>[vector<16xi32>, vector<16xi32>, vector<16xi32>], vector<16xf32>,
        %mul3A_634 = arith.constant 16 : i32
        %mul3A_635 = arith.muli %scan3A_455, %mul3A_634 : i32
        %add3A_636 = arith.constant 9 : i32
        %add3A_637 = arith.addi %mul3A_635, %add3A_636 : i32
        %broadcast_in_dim3A_638 = arith.constant 0 : i32
        %broadcast_in_dim3A_639 = vector.broadcast %broadcast_in_dim3A_638 : i32 to vector<16xi32>
        %add3A_640 = vector.broadcast %add3A_637 : i32 to vector<16xi32>
        %add3A_641 = arith.addi %add3A_640, %broadcast_in_dim3A_639 : vector<16xi32>
        %get3A_642 = arith.index_cast %add3A_637 : i32 to index
        %get3A_643 = arith.constant 0 : index
        %get3A_644 = tpu.vector_load %arg6[%get3A_642, %get3A_643] {strides = array<i32>} : memref<128x64xf32, #tpu.memory_space<vmem>>, vector<16xf32>,
        tpu.vector_store_idx %arg8[%select_n3A, %select_n3A_153, %add3A_641], %get3A_644 : memref<8x8x133xf32, #tpu.memory_space<vmem>>[vector<16xi32>, vector<16xi32>, vector<16xi32>], vector<16xf32>,
        %get3A_645 = arith.index_cast %add3A_637 : i32 to index
        %get3A_646 = arith.constant 16 : index
        %get3A_647 = tpu.vector_load %arg6[%get3A_645, %get3A_646] {strides = array<i32>} : memref<128x64xf32, #tpu.memory_space<vmem>>, vector<16xf32>,
        tpu.vector_store_idx %arg8[%select_n3A_62, %select_n3A_178, %add3A_641], %get3A_647 : memref<8x8x133xf32, #tpu.memory_space<vmem>>[vector<16xi32>, vector<16xi32>, vector<16xi32>], vector<16xf32>,
        %get3A_648 = arith.index_cast %add3A_637 : i32 to index
        %get3A_649 = arith.constant 32 : index
        %get3A_650 = tpu.vector_load %arg6[%get3A_648, %get3A_649] {strides = array<i32>} : memref<128x64xf32, #tpu.memory_space<vmem>>, vector<16xf32>,
        tpu.vector_store_idx %arg8[%select_n3A_96, %select_n3A_203, %add3A_641], %get3A_650 : memref<8x8x133xf32, #tpu.memory_space<vmem>>[vector<16xi32>, vector<16xi32>, vector<16xi32>], vector<16xf32>,
        %get3A_651 = arith.index_cast %add3A_637 : i32 to index
        %get3A_652 = arith.constant 48 : index
        %get3A_653 = tpu.vector_load %arg6[%get3A_651, %get3A_652] {strides = array<i32>} : memref<128x64xf32, #tpu.memory_space<vmem>>, vector<16xf32>,
        tpu.vector_store_idx %arg8[%select_n3A_130, %select_n3A_228, %add3A_641], %get3A_653 : memref<8x8x133xf32, #tpu.memory_space<vmem>>[vector<16xi32>, vector<16xi32>, vector<16xi32>], vector<16xf32>,
        %mul3A_654 = arith.constant 16 : i32
        %mul3A_655 = arith.muli %scan3A_455, %mul3A_654 : i32
        %add3A_656 = arith.constant 10 : i32
        %add3A_657 = arith.addi %mul3A_655, %add3A_656 : i32
        %broadcast_in_dim3A_658 = arith.constant 0 : i32
        %broadcast_in_dim3A_659 = vector.broadcast %broadcast_in_dim3A_658 : i32 to vector<16xi32>
        %add3A_660 = vector.broadcast %add3A_657 : i32 to vector<16xi32>
        %add3A_661 = arith.addi %add3A_660, %broadcast_in_dim3A_659 : vector<16xi32>
        %get3A_662 = arith.index_cast %add3A_657 : i32 to index
        %get3A_663 = arith.constant 0 : index
        %get3A_664 = tpu.vector_load %arg6[%get3A_662, %get3A_663] {strides = array<i32>} : memref<128x64xf32, #tpu.memory_space<vmem>>, vector<16xf32>,
        tpu.vector_store_idx %arg8[%select_n3A, %select_n3A_153, %add3A_661], %get3A_664 : memref<8x8x133xf32, #tpu.memory_space<vmem>>[vector<16xi32>, vector<16xi32>, vector<16xi32>], vector<16xf32>,
        %get3A_665 = arith.index_cast %add3A_657 : i32 to index
        %get3A_666 = arith.constant 16 : index
        %get3A_667 = tpu.vector_load %arg6[%get3A_665, %get3A_666] {strides = array<i32>} : memref<128x64xf32, #tpu.memory_space<vmem>>, vector<16xf32>,
        tpu.vector_store_idx %arg8[%select_n3A_62, %select_n3A_178, %add3A_661], %get3A_667 : memref<8x8x133xf32, #tpu.memory_space<vmem>>[vector<16xi32>, vector<16xi32>, vector<16xi32>], vector<16xf32>,
        %get3A_668 = arith.index_cast %add3A_657 : i32 to index
        %get3A_669 = arith.constant 32 : index
        %get3A_670 = tpu.vector_load %arg6[%get3A_668, %get3A_669] {strides = array<i32>} : memref<128x64xf32, #tpu.memory_space<vmem>>, vector<16xf32>,
        tpu.vector_store_idx %arg8[%select_n3A_96, %select_n3A_203, %add3A_661], %get3A_670 : memref<8x8x133xf32, #tpu.memory_space<vmem>>[vector<16xi32>, vector<16xi32>, vector<16xi32>], vector<16xf32>,
        %get3A_671 = arith.index_cast %add3A_657 : i32 to index
        %get3A_672 = arith.constant 48 : index
        %get3A_673 = tpu.vector_load %arg6[%get3A_671, %get3A_672] {strides = array<i32>} : memref<128x64xf32, #tpu.memory_space<vmem>>, vector<16xf32>,
        tpu.vector_store_idx %arg8[%select_n3A_130, %select_n3A_228, %add3A_661], %get3A_673 : memref<8x8x133xf32, #tpu.memory_space<vmem>>[vector<16xi32>, vector<16xi32>, vector<16xi32>], vector<16xf32>,
        %mul3A_674 = arith.constant 16 : i32
        %mul3A_675 = arith.muli %scan3A_455, %mul3A_674 : i32
        %add3A_676 = arith.constant 11 : i32
        %add3A_677 = arith.addi %mul3A_675, %add3A_676 : i32
        %broadcast_in_dim3A_678 = arith.constant 0 : i32
        %broadcast_in_dim3A_679 = vector.broadcast %broadcast_in_dim3A_678 : i32 to vector<16xi32>
        %add3A_680 = vector.broadcast %add3A_677 : i32 to vector<16xi32>
        %add3A_681 = arith.addi %add3A_680, %broadcast_in_dim3A_679 : vector<16xi32>
        %get3A_682 = arith.index_cast %add3A_677 : i32 to index
        %get3A_683 = arith.constant 0 : index
        %get3A_684 = tpu.vector_load %arg6[%get3A_682, %get3A_683] {strides = array<i32>} : memref<128x64xf32, #tpu.memory_space<vmem>>, vector<16xf32>,
        tpu.vector_store_idx %arg8[%select_n3A, %select_n3A_153, %add3A_681], %get3A_684 : memref<8x8x133xf32, #tpu.memory_space<vmem>>[vector<16xi32>, vector<16xi32>, vector<16xi32>], vector<16xf32>,
        %get3A_685 = arith.index_cast %add3A_677 : i32 to index
        %get3A_686 = arith.constant 16 : index
        %get3A_687 = tpu.vector_load %arg6[%get3A_685, %get3A_686] {strides = array<i32>} : memref<128x64xf32, #tpu.memory_space<vmem>>, vector<16xf32>,
        tpu.vector_store_idx %arg8[%select_n3A_62, %select_n3A_178, %add3A_681], %get3A_687 : memref<8x8x133xf32, #tpu.memory_space<vmem>>[vector<16xi32>, vector<16xi32>, vector<16xi32>], vector<16xf32>,
        %get3A_688 = arith.index_cast %add3A_677 : i32 to index
        %get3A_689 = arith.constant 32 : index
        %get3A_690 = tpu.vector_load %arg6[%get3A_688, %get3A_689] {strides = array<i32>} : memref<128x64xf32, #tpu.memory_space<vmem>>, vector<16xf32>,
        tpu.vector_store_idx %arg8[%select_n3A_96, %select_n3A_203, %add3A_681], %get3A_690 : memref<8x8x133xf32, #tpu.memory_space<vmem>>[vector<16xi32>, vector<16xi32>, vector<16xi32>], vector<16xf32>,
        %get3A_691 = arith.index_cast %add3A_677 : i32 to index
        %get3A_692 = arith.constant 48 : index
        %get3A_693 = tpu.vector_load %arg6[%get3A_691, %get3A_692] {strides = array<i32>} : memref<128x64xf32, #tpu.memory_space<vmem>>, vector<16xf32>,
        tpu.vector_store_idx %arg8[%select_n3A_130, %select_n3A_228, %add3A_681], %get3A_693 : memref<8x8x133xf32, #tpu.memory_space<vmem>>[vector<16xi32>, vector<16xi32>, vector<16xi32>], vector<16xf32>,
        %mul3A_694 = arith.constant 16 : i32
        %mul3A_695 = arith.muli %scan3A_455, %mul3A_694 : i32
        %add3A_696 = arith.constant 12 : i32
        %add3A_697 = arith.addi %mul3A_695, %add3A_696 : i32
        %broadcast_in_dim3A_698 = arith.constant 0 : i32
        %broadcast_in_dim3A_699 = vector.broadcast %broadcast_in_dim3A_698 : i32 to vector<16xi32>
        %add3A_700 = vector.broadcast %add3A_697 : i32 to vector<16xi32>
        %add3A_701 = arith.addi %add3A_700, %broadcast_in_dim3A_699 : vector<16xi32>
        %get3A_702 = arith.index_cast %add3A_697 : i32 to index
        %get3A_703 = arith.constant 0 : index
        %get3A_704 = tpu.vector_load %arg6[%get3A_702, %get3A_703] {strides = array<i32>} : memref<128x64xf32, #tpu.memory_space<vmem>>, vector<16xf32>,
        tpu.vector_store_idx %arg8[%select_n3A, %select_n3A_153, %add3A_701], %get3A_704 : memref<8x8x133xf32, #tpu.memory_space<vmem>>[vector<16xi32>, vector<16xi32>, vector<16xi32>], vector<16xf32>,
        %get3A_705 = arith.index_cast %add3A_697 : i32 to index
        %get3A_706 = arith.constant 16 : index
        %get3A_707 = tpu.vector_load %arg6[%get3A_705, %get3A_706] {strides = array<i32>} : memref<128x64xf32, #tpu.memory_space<vmem>>, vector<16xf32>,
        tpu.vector_store_idx %arg8[%select_n3A_62, %select_n3A_178, %add3A_701], %get3A_707 : memref<8x8x133xf32, #tpu.memory_space<vmem>>[vector<16xi32>, vector<16xi32>, vector<16xi32>], vector<16xf32>,
        %get3A_708 = arith.index_cast %add3A_697 : i32 to index
        %get3A_709 = arith.constant 32 : index
        %get3A_710 = tpu.vector_load %arg6[%get3A_708, %get3A_709] {strides = array<i32>} : memref<128x64xf32, #tpu.memory_space<vmem>>, vector<16xf32>,
        tpu.vector_store_idx %arg8[%select_n3A_96, %select_n3A_203, %add3A_701], %get3A_710 : memref<8x8x133xf32, #tpu.memory_space<vmem>>[vector<16xi32>, vector<16xi32>, vector<16xi32>], vector<16xf32>,
        %get3A_711 = arith.index_cast %add3A_697 : i32 to index
        %get3A_712 = arith.constant 48 : index
        %get3A_713 = tpu.vector_load %arg6[%get3A_711, %get3A_712] {strides = array<i32>} : memref<128x64xf32, #tpu.memory_space<vmem>>, vector<16xf32>,
        tpu.vector_store_idx %arg8[%select_n3A_130, %select_n3A_228, %add3A_701], %get3A_713 : memref<8x8x133xf32, #tpu.memory_space<vmem>>[vector<16xi32>, vector<16xi32>, vector<16xi32>], vector<16xf32>,
        %mul3A_714 = arith.constant 16 : i32
        %mul3A_715 = arith.muli %scan3A_455, %mul3A_714 : i32
        %add3A_716 = arith.constant 13 : i32
        %add3A_717 = arith.addi %mul3A_715, %add3A_716 : i32
        %broadcast_in_dim3A_718 = arith.constant 0 : i32
        %broadcast_in_dim3A_719 = vector.broadcast %broadcast_in_dim3A_718 : i32 to vector<16xi32>
        %add3A_720 = vector.broadcast %add3A_717 : i32 to vector<16xi32>
        %add3A_721 = arith.addi %add3A_720, %broadcast_in_dim3A_719 : vector<16xi32>
        %get3A_722 = arith.index_cast %add3A_717 : i32 to index
        %get3A_723 = arith.constant 0 : index
        %get3A_724 = tpu.vector_load %arg6[%get3A_722, %get3A_723] {strides = array<i32>} : memref<128x64xf32, #tpu.memory_space<vmem>>, vector<16xf32>,
        tpu.vector_store_idx %arg8[%select_n3A, %select_n3A_153, %add3A_721], %get3A_724 : memref<8x8x133xf32, #tpu.memory_space<vmem>>[vector<16xi32>, vector<16xi32>, vector<16xi32>], vector<16xf32>,
        %get3A_725 = arith.index_cast %add3A_717 : i32 to index
        %get3A_726 = arith.constant 16 : index
        %get3A_727 = tpu.vector_load %arg6[%get3A_725, %get3A_726] {strides = array<i32>} : memref<128x64xf32, #tpu.memory_space<vmem>>, vector<16xf32>,
        tpu.vector_store_idx %arg8[%select_n3A_62, %select_n3A_178, %add3A_721], %get3A_727 : memref<8x8x133xf32, #tpu.memory_space<vmem>>[vector<16xi32>, vector<16xi32>, vector<16xi32>], vector<16xf32>,
        %get3A_728 = arith.index_cast %add3A_717 : i32 to index
        %get3A_729 = arith.constant 32 : index
        %get3A_730 = tpu.vector_load %arg6[%get3A_728, %get3A_729] {strides = array<i32>} : memref<128x64xf32, #tpu.memory_space<vmem>>, vector<16xf32>,
        tpu.vector_store_idx %arg8[%select_n3A_96, %select_n3A_203, %add3A_721], %get3A_730 : memref<8x8x133xf32, #tpu.memory_space<vmem>>[vector<16xi32>, vector<16xi32>, vector<16xi32>], vector<16xf32>,
        %get3A_731 = arith.index_cast %add3A_717 : i32 to index
        %get3A_732 = arith.constant 48 : index
        %get3A_733 = tpu.vector_load %arg6[%get3A_731, %get3A_732] {strides = array<i32>} : memref<128x64xf32, #tpu.memory_space<vmem>>, vector<16xf32>,
        tpu.vector_store_idx %arg8[%select_n3A_130, %select_n3A_228, %add3A_721], %get3A_733 : memref<8x8x133xf32, #tpu.memory_space<vmem>>[vector<16xi32>, vector<16xi32>, vector<16xi32>], vector<16xf32>,
        %mul3A_734 = arith.constant 16 : i32
        %mul3A_735 = arith.muli %scan3A_455, %mul3A_734 : i32
        %add3A_736 = arith.constant 14 : i32
        %add3A_737 = arith.addi %mul3A_735, %add3A_736 : i32
        %broadcast_in_dim3A_738 = arith.constant 0 : i32
        %broadcast_in_dim3A_739 = vector.broadcast %broadcast_in_dim3A_738 : i32 to vector<16xi32>
        %add3A_740 = vector.broadcast %add3A_737 : i32 to vector<16xi32>
        %add3A_741 = arith.addi %add3A_740, %broadcast_in_dim3A_739 : vector<16xi32>
        %get3A_742 = arith.index_cast %add3A_737 : i32 to index
        %get3A_743 = arith.constant 0 : index
        %get3A_744 = tpu.vector_load %arg6[%get3A_742, %get3A_743] {strides = array<i32>} : memref<128x64xf32, #tpu.memory_space<vmem>>, vector<16xf32>,
        tpu.vector_store_idx %arg8[%select_n3A, %select_n3A_153, %add3A_741], %get3A_744 : memref<8x8x133xf32, #tpu.memory_space<vmem>>[vector<16xi32>, vector<16xi32>, vector<16xi32>], vector<16xf32>,
        %get3A_745 = arith.index_cast %add3A_737 : i32 to index
        %get3A_746 = arith.constant 16 : index
        %get3A_747 = tpu.vector_load %arg6[%get3A_745, %get3A_746] {strides = array<i32>} : memref<128x64xf32, #tpu.memory_space<vmem>>, vector<16xf32>,
        tpu.vector_store_idx %arg8[%select_n3A_62, %select_n3A_178, %add3A_741], %get3A_747 : memref<8x8x133xf32, #tpu.memory_space<vmem>>[vector<16xi32>, vector<16xi32>, vector<16xi32>], vector<16xf32>,
        %get3A_748 = arith.index_cast %add3A_737 : i32 to index
        %get3A_749 = arith.constant 32 : index
        %get3A_750 = tpu.vector_load %arg6[%get3A_748, %get3A_749] {strides = array<i32>} : memref<128x64xf32, #tpu.memory_space<vmem>>, vector<16xf32>,
        tpu.vector_store_idx %arg8[%select_n3A_96, %select_n3A_203, %add3A_741], %get3A_750 : memref<8x8x133xf32, #tpu.memory_space<vmem>>[vector<16xi32>, vector<16xi32>, vector<16xi32>], vector<16xf32>,
        %get3A_751 = arith.index_cast %add3A_737 : i32 to index
        %get3A_752 = arith.constant 48 : index
        %get3A_753 = tpu.vector_load %arg6[%get3A_751, %get3A_752] {strides = array<i32>} : memref<128x64xf32, #tpu.memory_space<vmem>>, vector<16xf32>,
        tpu.vector_store_idx %arg8[%select_n3A_130, %select_n3A_228, %add3A_741], %get3A_753 : memref<8x8x133xf32, #tpu.memory_space<vmem>>[vector<16xi32>, vector<16xi32>, vector<16xi32>], vector<16xf32>,
        %mul3A_754 = arith.constant 16 : i32
        %mul3A_755 = arith.muli %scan3A_455, %mul3A_754 : i32
        %add3A_756 = arith.constant 15 : i32
        %add3A_757 = arith.addi %mul3A_755, %add3A_756 : i32
        %broadcast_in_dim3A_758 = arith.constant 0 : i32
        %broadcast_in_dim3A_759 = vector.broadcast %broadcast_in_dim3A_758 : i32 to vector<16xi32>
        %add3A_760 = vector.broadcast %add3A_757 : i32 to vector<16xi32>
        %add3A_761 = arith.addi %add3A_760, %broadcast_in_dim3A_759 : vector<16xi32>
        %get3A_762 = arith.index_cast %add3A_757 : i32 to index
        %get3A_763 = arith.constant 0 : index
        %get3A_764 = tpu.vector_load %arg6[%get3A_762, %get3A_763] {strides = array<i32>} : memref<128x64xf32, #tpu.memory_space<vmem>>, vector<16xf32>,
        tpu.vector_store_idx %arg8[%select_n3A, %select_n3A_153, %add3A_761], %get3A_764 : memref<8x8x133xf32, #tpu.memory_space<vmem>>[vector<16xi32>, vector<16xi32>, vector<16xi32>], vector<16xf32>,
        %get3A_765 = arith.index_cast %add3A_757 : i32 to index
        %get3A_766 = arith.constant 16 : index
        %get3A_767 = tpu.vector_load %arg6[%get3A_765, %get3A_766] {strides = array<i32>} : memref<128x64xf32, #tpu.memory_space<vmem>>, vector<16xf32>,
        tpu.vector_store_idx %arg8[%select_n3A_62, %select_n3A_178, %add3A_761], %get3A_767 : memref<8x8x133xf32, #tpu.memory_space<vmem>>[vector<16xi32>, vector<16xi32>, vector<16xi32>], vector<16xf32>,
        %get3A_768 = arith.index_cast %add3A_757 : i32 to index
        %get3A_769 = arith.constant 32 : index
        %get3A_770 = tpu.vector_load %arg6[%get3A_768, %get3A_769] {strides = array<i32>} : memref<128x64xf32, #tpu.memory_space<vmem>>, vector<16xf32>,
        tpu.vector_store_idx %arg8[%select_n3A_96, %select_n3A_203, %add3A_761], %get3A_770 : memref<8x8x133xf32, #tpu.memory_space<vmem>>[vector<16xi32>, vector<16xi32>, vector<16xi32>], vector<16xf32>,
        %get3A_771 = arith.index_cast %add3A_757 : i32 to index
        %get3A_772 = arith.constant 48 : index
        %get3A_773 = tpu.vector_load %arg6[%get3A_771, %get3A_772] {strides = array<i32>} : memref<128x64xf32, #tpu.memory_space<vmem>>, vector<16xf32>,
        tpu.vector_store_idx %arg8[%select_n3A_130, %select_n3A_228, %add3A_761], %get3A_773 : memref<8x8x133xf32, #tpu.memory_space<vmem>>[vector<16xi32>, vector<16xi32>, vector<16xi32>], vector<16xf32>,
      }
      %scan3A_303 = arith.constant 8 : i32
      %mul3A_304 = arith.constant 200 : i32
      %mul3A_305 = arith.muli %add3A, %mul3A_304 : i32
      %add3A_306 = arith.addi %mul3A_305, %add3A_281 : i32
      %jit3A_307 = arith.constant 32 : i32
      %div3A_308 = arith.divsi %add3A_306, %jit3A_307 : i32
      %sign3A_309 = arith.constant 0 : i32
      %sign3A_310 = arith.cmpi sgt, %add3A_306, %sign3A_309 : i32
      %sign3A_311 = arith.extui %sign3A_310 : i1 to i32
      %sign3A_312 = arith.constant 0 : i32
      %sign3A_313 = arith.cmpi slt, %add3A_306, %sign3A_312 : i32
      %sign3A_314 = arith.extui %sign3A_313 : i1 to i32
      %sign3A_315 = arith.subi %sign3A_311, %sign3A_314 : i32
      %sign3A_316 = arith.constant 0 : i32
      %sign3A_317 = arith.cmpi sgt, %jit3A_307, %sign3A_316 : i32
      %sign3A_318 = arith.extui %sign3A_317 : i1 to i32
      %sign3A_319 = arith.constant 0 : i32
      %sign3A_320 = arith.cmpi slt, %jit3A_307, %sign3A_319 : i32
      %sign3A_321 = arith.extui %sign3A_320 : i1 to i32
      %sign3A_322 = arith.subi %sign3A_318, %sign3A_321 : i32
      %ne3A_323 = arith.cmpi ne, %sign3A_315, %sign3A_322 : i32
      %rem3A_324 = arith.remsi %add3A_306, %jit3A_307 : i32
      %ne3A_325 = arith.constant 0 : i32
      %ne3A_326 = arith.cmpi ne, %rem3A_324, %ne3A_325 : i32
      %and3A_327 = arith.andi %ne3A_323, %ne3A_326 : i1
      %sub3A_328 = arith.constant 1 : i32
      %sub3A_329 = arith.subi %div3A_308, %sub3A_328 : i32
      %select_n3A_330 = arith.select %and3A_327, %sub3A_329, %div3A_308 : i32
      %jit3A_331 = arith.constant 32 : i32
      %eq3A_332 = arith.constant 0 : i32
      %eq3A_333 = arith.cmpi eq, %jit3A_331, %eq3A_332 : i32
      %jit3A_334 = arith.constant 1 : i32
      %select_n3A_335 = arith.select %eq3A_333, %jit3A_334, %jit3A_331 : i32
      %rem3A_336 = arith.remsi %add3A_306, %select_n3A_335 : i32
      %ne3A_337 = arith.constant 0 : i32
      %ne3A_338 = arith.cmpi ne, %rem3A_336, %ne3A_337 : i32
      %lt3A_339 = arith.constant 0 : i32
      %lt3A_340 = arith.cmpi slt, %rem3A_336, %lt3A_339 : i32
      %lt3A_341 = arith.constant 0 : i32
      %lt3A_342 = arith.cmpi slt, %select_n3A_335, %lt3A_341 : i32
      %ne3A_343 = arith.xori %lt3A_340, %lt3A_342 : i1
      %and3A_344 = arith.andi %ne3A_343, %ne3A_338 : i1
      %add3A_345 = arith.addi %rem3A_336, %select_n3A_335 : i32
      %select_n3A_346 = arith.select %and3A_344, %add3A_345, %rem3A_336 : i32
      %dma_start3A_347 = arith.constant 0 : i32
      %dma_start3A_348 = arith.constant 0 : i32
      %dma_start3A_349 = arith.constant 0 : i32
      %dma_start3A_350 = tpu.memref_slice %arg8[%dma_start3A_347, %dma_start3A_348, %dma_start3A_349] : memref<8x8x133xf32, #tpu.memory_space<vmem>> -> memref<8x8x128xf32, #tpu.memory_space<vmem>>
      %dma_start3A_351 = arith.constant 0 : i32
      %dma_start3A_352 = arith.constant 0 : i32
      %dma_start3A_353 = arith.constant 0 : i32
      %dma_start3A_354 = tpu.memref_slice %arg4[%select_n3A_330, %dma_start3A_351, %select_n3A_346, %dma_start3A_352, %dma_start3A_353] : memref<200x8x32x8x128xf32, #tpu.memory_space<hbm>> -> memref<1x8x1x8x128xf32, #tpu.memory_space<hbm>>
      %dma_start3A_355 = tpu.memref_squeeze %dma_start3A_354 : memref<1x8x1x8x128xf32, #tpu.memory_space<hbm>> -> memref<8x8x128xf32, #tpu.memory_space<hbm>>
      %dma_start3A_356 = arith.constant 0 : i32
      %dma_start3A_357 = arith.constant 0 : i32
      %dma_start3A_358 = arith.constant 0 : i32
      %dma_start3A_359 = tpu.memref_slice %arg4[%select_n3A_330, %dma_start3A_356, %select_n3A_346, %dma_start3A_357, %dma_start3A_358] : memref<200x8x32x8x128xf32, #tpu.memory_space<hbm>> -> memref<1x8x1x8x128xf32, #tpu.memory_space<hbm>>
      %dma_start3A_360 = tpu.memref_squeeze %dma_start3A_359 : memref<1x8x1x8x128xf32, #tpu.memory_space<hbm>> -> memref<8x8x128xf32, #tpu.memory_space<hbm>>
      %dma_start3A_361 = arith.constant 0 : i32
      %dma_start3A_362 = arith.constant 0 : i32
      %dma_start3A_363 = arith.constant 0 : i32
      %dma_start3A_364 = tpu.memref_slice %arg8[%dma_start3A_361, %dma_start3A_362, %dma_start3A_363] : memref<8x8x133xf32, #tpu.memory_space<vmem>> -> memref<8x8x128xf32, #tpu.memory_space<vmem>>
      tpu.enqueue_dma source(%dma_start3A_364 : memref<8x8x128xf32, #tpu.memory_space<vmem>>) target(%dma_start3A_360 : memref<8x8x128xf32, #tpu.memory_space<hbm>>) target_semaphore(%arg12 : memref<!tpu.dma_semaphore, #tpu.memory_space<semaphore_mem>>)
      %mul3A_365 = arith.constant 2 : i32
      %mul3A_366 = arith.muli %scan3A_277, %mul3A_365 : i32
      %add3A_367 = arith.constant 1 : i32
      %add3A_368 = arith.addi %mul3A_366, %add3A_367 : i32
      %add3A_369 = arith.constant 1 : i32
      %add3A_370 = arith.addi %add3A_368, %add3A_369 : i32
      %lt3A_371 = arith.constant 200 : i32
      %lt3A_372 = arith.cmpi slt, %add3A_370, %lt3A_371 : i32
      %convert_element_type3A_373 = arith.extui %lt3A_372 : i1 to i32
      %cond3A_374 = arith.constant 0 : i32
      %cond3A_375 = arith.cmpi ne, %convert_element_type3A_373, %cond3A_374 : i32
      scf.if %cond3A_375 {
        %add3A_455 = arith.constant 1 : i32
        %add3A_456 = arith.addi %add3A_368, %add3A_455 : i32
        %mul3A_457 = arith.constant 128 : i32
        %mul3A_458 = arith.muli %add3A_456, %mul3A_457 : i32
        %multiple_of3A_459 = tpu.assume_multiple %mul3A_458, 128 : i32
        %dma_start3A_460 = tpu.memref_slice %arg5[%multiple_of3A_459] : memref<25600xi32, #tpu.memory_space<vmem>> -> memref<128xi32, #tpu.memory_space<vmem>>
        %dma_start3A_461 = arith.constant 0 : i32
        %dma_start3A_462 = arith.constant 0 : i32
        %dma_start3A_463 = tpu.memref_slice %arg3[%dma_start3A_461, %dma_start3A_462] : memref<2000000x64xf32, #tpu.memory_space<hbm>> -> memref<2000000x64xf32, #tpu.memory_space<hbm>>
        tpu.enqueue_indirect_dma source(%dma_start3A_463 : memref<2000000x64xf32, #tpu.memory_space<hbm>>) target(%arg6 : memref<128x64xf32, #tpu.memory_space<vmem>>) offsets(%dma_start3A_460 : memref<128xi32, #tpu.memory_space<vmem>>) semaphore(%arg10 : memref<!tpu.dma_semaphore, #tpu.memory_space<semaphore_mem>>)
      } else {
      }
      %mul3A_376 = arith.constant 128 : i32
      %mul3A_377 = arith.muli %add3A_368, %mul3A_376 : i32
      %multiple_of3A_378 = tpu.assume_multiple %mul3A_377, 128 : i32
      %dma_wait3A_379 = tpu.memref_slice %arg5[%multiple_of3A_378] : memref<25600xi32, #tpu.memory_space<vmem>> -> memref<128xi32, #tpu.memory_space<vmem>>
      %dma_wait3A_380 = arith.constant 0 : i32
      %dma_wait3A_381 = arith.constant 0 : i32
      %dma_wait3A_382 = tpu.memref_slice %arg3[%dma_wait3A_380, %dma_wait3A_381] : memref<2000000x64xf32, #tpu.memory_space<hbm>> -> memref<2000000x64xf32, #tpu.memory_space<hbm>>
      tpu.wait_indirect_dma semaphore(%arg11 : memref<!tpu.dma_semaphore, #tpu.memory_space<semaphore_mem>>) src(%dma_wait3A_382 : memref<2000000x64xf32, #tpu.memory_space<hbm>>) dst(%arg7 : memref<128x64xf32, #tpu.memory_space<vmem>>)
      %ge3A_383 = arith.constant 2 : i32
      %ge3A_384 = arith.cmpi sge, %add3A_368, %ge3A_383 : i32
      %convert_element_type3A_385 = arith.extui %ge3A_384 : i1 to i32
      %cond3A_386 = arith.constant 0 : i32
      %cond3A_387 = arith.cmpi ne, %convert_element_type3A_385, %cond3A_386 : i32
      scf.if %cond3A_387 {
        %dma_wait3A_455 = arith.constant 0 : i32
        %dma_wait3A_456 = arith.constant 0 : i32
        %dma_wait3A_457 = arith.constant 0 : i32
        %dma_wait3A_458 = arith.constant 0 : i32
        %dma_wait3A_459 = arith.constant 0 : i32
        %dma_wait3A_460 = tpu.memref_slice %arg9[%dma_wait3A_457, %dma_wait3A_458, %dma_wait3A_459] : memref<8x8x133xf32, #tpu.memory_space<vmem>> -> memref<8x8x128xf32, #tpu.memory_space<vmem>>
        %dma_wait3A_461 = arith.constant 0 : i32
        %dma_wait3A_462 = arith.constant 0 : i32
        %dma_wait3A_463 = arith.constant 0 : i32
        %dma_wait3A_464 = tpu.memref_slice %arg4[%dma_wait3A_455, %dma_wait3A_461, %dma_wait3A_456, %dma_wait3A_462, %dma_wait3A_463] : memref<200x8x32x8x128xf32, #tpu.memory_space<hbm>> -> memref<1x8x1x8x128xf32, #tpu.memory_space<hbm>>
        %dma_wait3A_465 = tpu.memref_squeeze %dma_wait3A_464 : memref<1x8x1x8x128xf32, #tpu.memory_space<hbm>> -> memref<8x8x128xf32, #tpu.memory_space<hbm>>
        %dma_wait3A_466 = arith.constant 0 : i32
        %dma_wait3A_467 = arith.constant 0 : i32
        %dma_wait3A_468 = arith.constant 0 : i32
        %dma_wait3A_469 = tpu.memref_slice %arg4[%dma_wait3A_455, %dma_wait3A_466, %dma_wait3A_456, %dma_wait3A_467, %dma_wait3A_468] : memref<200x8x32x8x128xf32, #tpu.memory_space<hbm>> -> memref<1x8x1x8x128xf32, #tpu.memory_space<hbm>>
        %dma_wait3A_470 = tpu.memref_squeeze %dma_wait3A_469 : memref<1x8x1x8x128xf32, #tpu.memory_space<hbm>> -> memref<8x8x128xf32, #tpu.memory_space<hbm>>
        %dma_wait3A_471 = arith.constant 0 : i32
        %dma_wait3A_472 = arith.constant 0 : i32
        %dma_wait3A_473 = arith.constant 0 : i32
        %dma_wait3A_474 = tpu.memref_slice %arg9[%dma_wait3A_471, %dma_wait3A_472, %dma_wait3A_473] : memref<8x8x133xf32, #tpu.memory_space<vmem>> -> memref<8x8x128xf32, #tpu.memory_space<vmem>>
        tpu.wait_dma2 semaphore(%arg13 : memref<!tpu.dma_semaphore, #tpu.memory_space<semaphore_mem>>) src(%dma_wait3A_474 : memref<8x8x128xf32, #tpu.memory_space<vmem>>) dst(%dma_wait3A_470 : memref<8x8x128xf32, #tpu.memory_space<hbm>>)
      } else {
      }
      %scan3A_388 = arith.constant 0 : i32
      %scan3A_389 = arith.constant 0 : i32
      %scan3A_390 = arith.constant 8 : i32
      %scan3A_391 = arith.addi %scan3A_389, %scan3A_390 : i32
      %scan3A_392 = arith.constant 1 : i32
      scf.for %scan3A_455 = %scan3A_389 to %scan3A_391 step %scan3A_392  : i32 {
        %mul3A_456 = arith.constant 16 : i32
        %mul3A_457 = arith.muli %scan3A_455, %mul3A_456 : i32
        %add3A_458 = arith.constant 0 : i32
        %add3A_459 = arith.addi %mul3A_457, %add3A_458 : i32
        %broadcast_in_dim3A = arith.constant 0 : i32
        %broadcast_in_dim3A_460 = vector.broadcast %broadcast_in_dim3A : i32 to vector<16xi32>
        %add3A_461 = vector.broadcast %add3A_459 : i32 to vector<16xi32>
        %add3A_462 = arith.addi %add3A_461, %broadcast_in_dim3A_460 : vector<16xi32>
        %get3A = arith.index_cast %add3A_459 : i32 to index
        %get3A_463 = arith.constant 0 : index
        %get3A_464 = tpu.vector_load %arg7[%get3A, %get3A_463] {strides = array<i32>} : memref<128x64xf32, #tpu.memory_space<vmem>>, vector<16xf32>,
        tpu.vector_store_idx %arg9[%select_n3A, %select_n3A_153, %add3A_462], %get3A_464 : memref<8x8x133xf32, #tpu.memory_space<vmem>>[vector<16xi32>, vector<16xi32>, vector<16xi32>], vector<16xf32>,
        %get3A_465 = arith.index_cast %add3A_459 : i32 to index
        %get3A_466 = arith.constant 16 : index
        %get3A_467 = tpu.vector_load %arg7[%get3A_465, %get3A_466] {strides = array<i32>} : memref<128x64xf32, #tpu.memory_space<vmem>>, vector<16xf32>,
        tpu.vector_store_idx %arg9[%select_n3A_62, %select_n3A_178, %add3A_462], %get3A_467 : memref<8x8x133xf32, #tpu.memory_space<vmem>>[vector<16xi32>, vector<16xi32>, vector<16xi32>], vector<16xf32>,
        %get3A_468 = arith.index_cast %add3A_459 : i32 to index
        %get3A_469 = arith.constant 32 : index
        %get3A_470 = tpu.vector_load %arg7[%get3A_468, %get3A_469] {strides = array<i32>} : memref<128x64xf32, #tpu.memory_space<vmem>>, vector<16xf32>,
        tpu.vector_store_idx %arg9[%select_n3A_96, %select_n3A_203, %add3A_462], %get3A_470 : memref<8x8x133xf32, #tpu.memory_space<vmem>>[vector<16xi32>, vector<16xi32>, vector<16xi32>], vector<16xf32>,
        %get3A_471 = arith.index_cast %add3A_459 : i32 to index
        %get3A_472 = arith.constant 48 : index
        %get3A_473 = tpu.vector_load %arg7[%get3A_471, %get3A_472] {strides = array<i32>} : memref<128x64xf32, #tpu.memory_space<vmem>>, vector<16xf32>,
        tpu.vector_store_idx %arg9[%select_n3A_130, %select_n3A_228, %add3A_462], %get3A_473 : memref<8x8x133xf32, #tpu.memory_space<vmem>>[vector<16xi32>, vector<16xi32>, vector<16xi32>], vector<16xf32>,
        %mul3A_474 = arith.constant 16 : i32
        %mul3A_475 = arith.muli %scan3A_455, %mul3A_474 : i32
        %add3A_476 = arith.constant 1 : i32
        %add3A_477 = arith.addi %mul3A_475, %add3A_476 : i32
        %broadcast_in_dim3A_478 = arith.constant 0 : i32
        %broadcast_in_dim3A_479 = vector.broadcast %broadcast_in_dim3A_478 : i32 to vector<16xi32>
        %add3A_480 = vector.broadcast %add3A_477 : i32 to vector<16xi32>
        %add3A_481 = arith.addi %add3A_480, %broadcast_in_dim3A_479 : vector<16xi32>
        %get3A_482 = arith.index_cast %add3A_477 : i32 to index
        %get3A_483 = arith.constant 0 : index
        %get3A_484 = tpu.vector_load %arg7[%get3A_482, %get3A_483] {strides = array<i32>} : memref<128x64xf32, #tpu.memory_space<vmem>>, vector<16xf32>,
        tpu.vector_store_idx %arg9[%select_n3A, %select_n3A_153, %add3A_481], %get3A_484 : memref<8x8x133xf32, #tpu.memory_space<vmem>>[vector<16xi32>, vector<16xi32>, vector<16xi32>], vector<16xf32>,
        %get3A_485 = arith.index_cast %add3A_477 : i32 to index
        %get3A_486 = arith.constant 16 : index
        %get3A_487 = tpu.vector_load %arg7[%get3A_485, %get3A_486] {strides = array<i32>} : memref<128x64xf32, #tpu.memory_space<vmem>>, vector<16xf32>,
        tpu.vector_store_idx %arg9[%select_n3A_62, %select_n3A_178, %add3A_481], %get3A_487 : memref<8x8x133xf32, #tpu.memory_space<vmem>>[vector<16xi32>, vector<16xi32>, vector<16xi32>], vector<16xf32>,
        %get3A_488 = arith.index_cast %add3A_477 : i32 to index
        %get3A_489 = arith.constant 32 : index
        %get3A_490 = tpu.vector_load %arg7[%get3A_488, %get3A_489] {strides = array<i32>} : memref<128x64xf32, #tpu.memory_space<vmem>>, vector<16xf32>,
        tpu.vector_store_idx %arg9[%select_n3A_96, %select_n3A_203, %add3A_481], %get3A_490 : memref<8x8x133xf32, #tpu.memory_space<vmem>>[vector<16xi32>, vector<16xi32>, vector<16xi32>], vector<16xf32>,
        %get3A_491 = arith.index_cast %add3A_477 : i32 to index
        %get3A_492 = arith.constant 48 : index
        %get3A_493 = tpu.vector_load %arg7[%get3A_491, %get3A_492] {strides = array<i32>} : memref<128x64xf32, #tpu.memory_space<vmem>>, vector<16xf32>,
        tpu.vector_store_idx %arg9[%select_n3A_130, %select_n3A_228, %add3A_481], %get3A_493 : memref<8x8x133xf32, #tpu.memory_space<vmem>>[vector<16xi32>, vector<16xi32>, vector<16xi32>], vector<16xf32>,
        %mul3A_494 = arith.constant 16 : i32
        %mul3A_495 = arith.muli %scan3A_455, %mul3A_494 : i32
        %add3A_496 = arith.constant 2 : i32
        %add3A_497 = arith.addi %mul3A_495, %add3A_496 : i32
        %broadcast_in_dim3A_498 = arith.constant 0 : i32
        %broadcast_in_dim3A_499 = vector.broadcast %broadcast_in_dim3A_498 : i32 to vector<16xi32>
        %add3A_500 = vector.broadcast %add3A_497 : i32 to vector<16xi32>
        %add3A_501 = arith.addi %add3A_500, %broadcast_in_dim3A_499 : vector<16xi32>
        %get3A_502 = arith.index_cast %add3A_497 : i32 to index
        %get3A_503 = arith.constant 0 : index
        %get3A_504 = tpu.vector_load %arg7[%get3A_502, %get3A_503] {strides = array<i32>} : memref<128x64xf32, #tpu.memory_space<vmem>>, vector<16xf32>,
        tpu.vector_store_idx %arg9[%select_n3A, %select_n3A_153, %add3A_501], %get3A_504 : memref<8x8x133xf32, #tpu.memory_space<vmem>>[vector<16xi32>, vector<16xi32>, vector<16xi32>], vector<16xf32>,
        %get3A_505 = arith.index_cast %add3A_497 : i32 to index
        %get3A_506 = arith.constant 16 : index
        %get3A_507 = tpu.vector_load %arg7[%get3A_505, %get3A_506] {strides = array<i32>} : memref<128x64xf32, #tpu.memory_space<vmem>>, vector<16xf32>,
        tpu.vector_store_idx %arg9[%select_n3A_62, %select_n3A_178, %add3A_501], %get3A_507 : memref<8x8x133xf32, #tpu.memory_space<vmem>>[vector<16xi32>, vector<16xi32>, vector<16xi32>], vector<16xf32>,
        %get3A_508 = arith.index_cast %add3A_497 : i32 to index
        %get3A_509 = arith.constant 32 : index
        %get3A_510 = tpu.vector_load %arg7[%get3A_508, %get3A_509] {strides = array<i32>} : memref<128x64xf32, #tpu.memory_space<vmem>>, vector<16xf32>,
        tpu.vector_store_idx %arg9[%select_n3A_96, %select_n3A_203, %add3A_501], %get3A_510 : memref<8x8x133xf32, #tpu.memory_space<vmem>>[vector<16xi32>, vector<16xi32>, vector<16xi32>], vector<16xf32>,
        %get3A_511 = arith.index_cast %add3A_497 : i32 to index
        %get3A_512 = arith.constant 48 : index
        %get3A_513 = tpu.vector_load %arg7[%get3A_511, %get3A_512] {strides = array<i32>} : memref<128x64xf32, #tpu.memory_space<vmem>>, vector<16xf32>,
        tpu.vector_store_idx %arg9[%select_n3A_130, %select_n3A_228, %add3A_501], %get3A_513 : memref<8x8x133xf32, #tpu.memory_space<vmem>>[vector<16xi32>, vector<16xi32>, vector<16xi32>], vector<16xf32>,
        %mul3A_514 = arith.constant 16 : i32
        %mul3A_515 = arith.muli %scan3A_455, %mul3A_514 : i32
        %add3A_516 = arith.constant 3 : i32
        %add3A_517 = arith.addi %mul3A_515, %add3A_516 : i32
        %broadcast_in_dim3A_518 = arith.constant 0 : i32
        %broadcast_in_dim3A_519 = vector.broadcast %broadcast_in_dim3A_518 : i32 to vector<16xi32>
        %add3A_520 = vector.broadcast %add3A_517 : i32 to vector<16xi32>
        %add3A_521 = arith.addi %add3A_520, %broadcast_in_dim3A_519 : vector<16xi32>
        %get3A_522 = arith.index_cast %add3A_517 : i32 to index
        %get3A_523 = arith.constant 0 : index
        %get3A_524 = tpu.vector_load %arg7[%get3A_522, %get3A_523] {strides = array<i32>} : memref<128x64xf32, #tpu.memory_space<vmem>>, vector<16xf32>,
        tpu.vector_store_idx %arg9[%select_n3A, %select_n3A_153, %add3A_521], %get3A_524 : memref<8x8x133xf32, #tpu.memory_space<vmem>>[vector<16xi32>, vector<16xi32>, vector<16xi32>], vector<16xf32>,
        %get3A_525 = arith.index_cast %add3A_517 : i32 to index
        %get3A_526 = arith.constant 16 : index
        %get3A_527 = tpu.vector_load %arg7[%get3A_525, %get3A_526] {strides = array<i32>} : memref<128x64xf32, #tpu.memory_space<vmem>>, vector<16xf32>,
        tpu.vector_store_idx %arg9[%select_n3A_62, %select_n3A_178, %add3A_521], %get3A_527 : memref<8x8x133xf32, #tpu.memory_space<vmem>>[vector<16xi32>, vector<16xi32>, vector<16xi32>], vector<16xf32>,
        %get3A_528 = arith.index_cast %add3A_517 : i32 to index
        %get3A_529 = arith.constant 32 : index
        %get3A_530 = tpu.vector_load %arg7[%get3A_528, %get3A_529] {strides = array<i32>} : memref<128x64xf32, #tpu.memory_space<vmem>>, vector<16xf32>,
        tpu.vector_store_idx %arg9[%select_n3A_96, %select_n3A_203, %add3A_521], %get3A_530 : memref<8x8x133xf32, #tpu.memory_space<vmem>>[vector<16xi32>, vector<16xi32>, vector<16xi32>], vector<16xf32>,
        %get3A_531 = arith.index_cast %add3A_517 : i32 to index
        %get3A_532 = arith.constant 48 : index
        %get3A_533 = tpu.vector_load %arg7[%get3A_531, %get3A_532] {strides = array<i32>} : memref<128x64xf32, #tpu.memory_space<vmem>>, vector<16xf32>,
        tpu.vector_store_idx %arg9[%select_n3A_130, %select_n3A_228, %add3A_521], %get3A_533 : memref<8x8x133xf32, #tpu.memory_space<vmem>>[vector<16xi32>, vector<16xi32>, vector<16xi32>], vector<16xf32>,
        %mul3A_534 = arith.constant 16 : i32
        %mul3A_535 = arith.muli %scan3A_455, %mul3A_534 : i32
        %add3A_536 = arith.constant 4 : i32
        %add3A_537 = arith.addi %mul3A_535, %add3A_536 : i32
        %broadcast_in_dim3A_538 = arith.constant 0 : i32
        %broadcast_in_dim3A_539 = vector.broadcast %broadcast_in_dim3A_538 : i32 to vector<16xi32>
        %add3A_540 = vector.broadcast %add3A_537 : i32 to vector<16xi32>
        %add3A_541 = arith.addi %add3A_540, %broadcast_in_dim3A_539 : vector<16xi32>
        %get3A_542 = arith.index_cast %add3A_537 : i32 to index
        %get3A_543 = arith.constant 0 : index
        %get3A_544 = tpu.vector_load %arg7[%get3A_542, %get3A_543] {strides = array<i32>} : memref<128x64xf32, #tpu.memory_space<vmem>>, vector<16xf32>,
        tpu.vector_store_idx %arg9[%select_n3A, %select_n3A_153, %add3A_541], %get3A_544 : memref<8x8x133xf32, #tpu.memory_space<vmem>>[vector<16xi32>, vector<16xi32>, vector<16xi32>], vector<16xf32>,
        %get3A_545 = arith.index_cast %add3A_537 : i32 to index
        %get3A_546 = arith.constant 16 : index
        %get3A_547 = tpu.vector_load %arg7[%get3A_545, %get3A_546] {strides = array<i32>} : memref<128x64xf32, #tpu.memory_space<vmem>>, vector<16xf32>,
        tpu.vector_store_idx %arg9[%select_n3A_62, %select_n3A_178, %add3A_541], %get3A_547 : memref<8x8x133xf32, #tpu.memory_space<vmem>>[vector<16xi32>, vector<16xi32>, vector<16xi32>], vector<16xf32>,
        %get3A_548 = arith.index_cast %add3A_537 : i32 to index
        %get3A_549 = arith.constant 32 : index
        %get3A_550 = tpu.vector_load %arg7[%get3A_548, %get3A_549] {strides = array<i32>} : memref<128x64xf32, #tpu.memory_space<vmem>>, vector<16xf32>,
        tpu.vector_store_idx %arg9[%select_n3A_96, %select_n3A_203, %add3A_541], %get3A_550 : memref<8x8x133xf32, #tpu.memory_space<vmem>>[vector<16xi32>, vector<16xi32>, vector<16xi32>], vector<16xf32>,
        %get3A_551 = arith.index_cast %add3A_537 : i32 to index
        %get3A_552 = arith.constant 48 : index
        %get3A_553 = tpu.vector_load %arg7[%get3A_551, %get3A_552] {strides = array<i32>} : memref<128x64xf32, #tpu.memory_space<vmem>>, vector<16xf32>,
        tpu.vector_store_idx %arg9[%select_n3A_130, %select_n3A_228, %add3A_541], %get3A_553 : memref<8x8x133xf32, #tpu.memory_space<vmem>>[vector<16xi32>, vector<16xi32>, vector<16xi32>], vector<16xf32>,
        %mul3A_554 = arith.constant 16 : i32
        %mul3A_555 = arith.muli %scan3A_455, %mul3A_554 : i32
        %add3A_556 = arith.constant 5 : i32
        %add3A_557 = arith.addi %mul3A_555, %add3A_556 : i32
        %broadcast_in_dim3A_558 = arith.constant 0 : i32
        %broadcast_in_dim3A_559 = vector.broadcast %broadcast_in_dim3A_558 : i32 to vector<16xi32>
        %add3A_560 = vector.broadcast %add3A_557 : i32 to vector<16xi32>
        %add3A_561 = arith.addi %add3A_560, %broadcast_in_dim3A_559 : vector<16xi32>
        %get3A_562 = arith.index_cast %add3A_557 : i32 to index
        %get3A_563 = arith.constant 0 : index
        %get3A_564 = tpu.vector_load %arg7[%get3A_562, %get3A_563] {strides = array<i32>} : memref<128x64xf32, #tpu.memory_space<vmem>>, vector<16xf32>,
        tpu.vector_store_idx %arg9[%select_n3A, %select_n3A_153, %add3A_561], %get3A_564 : memref<8x8x133xf32, #tpu.memory_space<vmem>>[vector<16xi32>, vector<16xi32>, vector<16xi32>], vector<16xf32>,
        %get3A_565 = arith.index_cast %add3A_557 : i32 to index
        %get3A_566 = arith.constant 16 : index
        %get3A_567 = tpu.vector_load %arg7[%get3A_565, %get3A_566] {strides = array<i32>} : memref<128x64xf32, #tpu.memory_space<vmem>>, vector<16xf32>,
        tpu.vector_store_idx %arg9[%select_n3A_62, %select_n3A_178, %add3A_561], %get3A_567 : memref<8x8x133xf32, #tpu.memory_space<vmem>>[vector<16xi32>, vector<16xi32>, vector<16xi32>], vector<16xf32>,
        %get3A_568 = arith.index_cast %add3A_557 : i32 to index
        %get3A_569 = arith.constant 32 : index
        %get3A_570 = tpu.vector_load %arg7[%get3A_568, %get3A_569] {strides = array<i32>} : memref<128x64xf32, #tpu.memory_space<vmem>>, vector<16xf32>,
        tpu.vector_store_idx %arg9[%select_n3A_96, %select_n3A_203, %add3A_561], %get3A_570 : memref<8x8x133xf32, #tpu.memory_space<vmem>>[vector<16xi32>, vector<16xi32>, vector<16xi32>], vector<16xf32>,
        %get3A_571 = arith.index_cast %add3A_557 : i32 to index
        %get3A_572 = arith.constant 48 : index
        %get3A_573 = tpu.vector_load %arg7[%get3A_571, %get3A_572] {strides = array<i32>} : memref<128x64xf32, #tpu.memory_space<vmem>>, vector<16xf32>,
        tpu.vector_store_idx %arg9[%select_n3A_130, %select_n3A_228, %add3A_561], %get3A_573 : memref<8x8x133xf32, #tpu.memory_space<vmem>>[vector<16xi32>, vector<16xi32>, vector<16xi32>], vector<16xf32>,
        %mul3A_574 = arith.constant 16 : i32
        %mul3A_575 = arith.muli %scan3A_455, %mul3A_574 : i32
        %add3A_576 = arith.constant 6 : i32
        %add3A_577 = arith.addi %mul3A_575, %add3A_576 : i32
        %broadcast_in_dim3A_578 = arith.constant 0 : i32
        %broadcast_in_dim3A_579 = vector.broadcast %broadcast_in_dim3A_578 : i32 to vector<16xi32>
        %add3A_580 = vector.broadcast %add3A_577 : i32 to vector<16xi32>
        %add3A_581 = arith.addi %add3A_580, %broadcast_in_dim3A_579 : vector<16xi32>
        %get3A_582 = arith.index_cast %add3A_577 : i32 to index
        %get3A_583 = arith.constant 0 : index
        %get3A_584 = tpu.vector_load %arg7[%get3A_582, %get3A_583] {strides = array<i32>} : memref<128x64xf32, #tpu.memory_space<vmem>>, vector<16xf32>,
        tpu.vector_store_idx %arg9[%select_n3A, %select_n3A_153, %add3A_581], %get3A_584 : memref<8x8x133xf32, #tpu.memory_space<vmem>>[vector<16xi32>, vector<16xi32>, vector<16xi32>], vector<16xf32>,
        %get3A_585 = arith.index_cast %add3A_577 : i32 to index
        %get3A_586 = arith.constant 16 : index
        %get3A_587 = tpu.vector_load %arg7[%get3A_585, %get3A_586] {strides = array<i32>} : memref<128x64xf32, #tpu.memory_space<vmem>>, vector<16xf32>,
        tpu.vector_store_idx %arg9[%select_n3A_62, %select_n3A_178, %add3A_581], %get3A_587 : memref<8x8x133xf32, #tpu.memory_space<vmem>>[vector<16xi32>, vector<16xi32>, vector<16xi32>], vector<16xf32>,
        %get3A_588 = arith.index_cast %add3A_577 : i32 to index
        %get3A_589 = arith.constant 32 : index
        %get3A_590 = tpu.vector_load %arg7[%get3A_588, %get3A_589] {strides = array<i32>} : memref<128x64xf32, #tpu.memory_space<vmem>>, vector<16xf32>,
        tpu.vector_store_idx %arg9[%select_n3A_96, %select_n3A_203, %add3A_581], %get3A_590 : memref<8x8x133xf32, #tpu.memory_space<vmem>>[vector<16xi32>, vector<16xi32>, vector<16xi32>], vector<16xf32>,
        %get3A_591 = arith.index_cast %add3A_577 : i32 to index
        %get3A_592 = arith.constant 48 : index
        %get3A_593 = tpu.vector_load %arg7[%get3A_591, %get3A_592] {strides = array<i32>} : memref<128x64xf32, #tpu.memory_space<vmem>>, vector<16xf32>,
        tpu.vector_store_idx %arg9[%select_n3A_130, %select_n3A_228, %add3A_581], %get3A_593 : memref<8x8x133xf32, #tpu.memory_space<vmem>>[vector<16xi32>, vector<16xi32>, vector<16xi32>], vector<16xf32>,
        %mul3A_594 = arith.constant 16 : i32
        %mul3A_595 = arith.muli %scan3A_455, %mul3A_594 : i32
        %add3A_596 = arith.constant 7 : i32
        %add3A_597 = arith.addi %mul3A_595, %add3A_596 : i32
        %broadcast_in_dim3A_598 = arith.constant 0 : i32
        %broadcast_in_dim3A_599 = vector.broadcast %broadcast_in_dim3A_598 : i32 to vector<16xi32>
        %add3A_600 = vector.broadcast %add3A_597 : i32 to vector<16xi32>
        %add3A_601 = arith.addi %add3A_600, %broadcast_in_dim3A_599 : vector<16xi32>
        %get3A_602 = arith.index_cast %add3A_597 : i32 to index
        %get3A_603 = arith.constant 0 : index
        %get3A_604 = tpu.vector_load %arg7[%get3A_602, %get3A_603] {strides = array<i32>} : memref<128x64xf32, #tpu.memory_space<vmem>>, vector<16xf32>,
        tpu.vector_store_idx %arg9[%select_n3A, %select_n3A_153, %add3A_601], %get3A_604 : memref<8x8x133xf32, #tpu.memory_space<vmem>>[vector<16xi32>, vector<16xi32>, vector<16xi32>], vector<16xf32>,
        %get3A_605 = arith.index_cast %add3A_597 : i32 to index
        %get3A_606 = arith.constant 16 : index
        %get3A_607 = tpu.vector_load %arg7[%get3A_605, %get3A_606] {strides = array<i32>} : memref<128x64xf32, #tpu.memory_space<vmem>>, vector<16xf32>,
        tpu.vector_store_idx %arg9[%select_n3A_62, %select_n3A_178, %add3A_601], %get3A_607 : memref<8x8x133xf32, #tpu.memory_space<vmem>>[vector<16xi32>, vector<16xi32>, vector<16xi32>], vector<16xf32>,
        %get3A_608 = arith.index_cast %add3A_597 : i32 to index
        %get3A_609 = arith.constant 32 : index
        %get3A_610 = tpu.vector_load %arg7[%get3A_608, %get3A_609] {strides = array<i32>} : memref<128x64xf32, #tpu.memory_space<vmem>>, vector<16xf32>,
        tpu.vector_store_idx %arg9[%select_n3A_96, %select_n3A_203, %add3A_601], %get3A_610 : memref<8x8x133xf32, #tpu.memory_space<vmem>>[vector<16xi32>, vector<16xi32>, vector<16xi32>], vector<16xf32>,
        %get3A_611 = arith.index_cast %add3A_597 : i32 to index
        %get3A_612 = arith.constant 48 : index
        %get3A_613 = tpu.vector_load %arg7[%get3A_611, %get3A_612] {strides = array<i32>} : memref<128x64xf32, #tpu.memory_space<vmem>>, vector<16xf32>,
        tpu.vector_store_idx %arg9[%select_n3A_130, %select_n3A_228, %add3A_601], %get3A_613 : memref<8x8x133xf32, #tpu.memory_space<vmem>>[vector<16xi32>, vector<16xi32>, vector<16xi32>], vector<16xf32>,
        %mul3A_614 = arith.constant 16 : i32
        %mul3A_615 = arith.muli %scan3A_455, %mul3A_614 : i32
        %add3A_616 = arith.constant 8 : i32
        %add3A_617 = arith.addi %mul3A_615, %add3A_616 : i32
        %broadcast_in_dim3A_618 = arith.constant 0 : i32
        %broadcast_in_dim3A_619 = vector.broadcast %broadcast_in_dim3A_618 : i32 to vector<16xi32>
        %add3A_620 = vector.broadcast %add3A_617 : i32 to vector<16xi32>
        %add3A_621 = arith.addi %add3A_620, %broadcast_in_dim3A_619 : vector<16xi32>
        %get3A_622 = arith.index_cast %add3A_617 : i32 to index
        %get3A_623 = arith.constant 0 : index
        %get3A_624 = tpu.vector_load %arg7[%get3A_622, %get3A_623] {strides = array<i32>} : memref<128x64xf32, #tpu.memory_space<vmem>>, vector<16xf32>,
        tpu.vector_store_idx %arg9[%select_n3A, %select_n3A_153, %add3A_621], %get3A_624 : memref<8x8x133xf32, #tpu.memory_space<vmem>>[vector<16xi32>, vector<16xi32>, vector<16xi32>], vector<16xf32>,
        %get3A_625 = arith.index_cast %add3A_617 : i32 to index
        %get3A_626 = arith.constant 16 : index
        %get3A_627 = tpu.vector_load %arg7[%get3A_625, %get3A_626] {strides = array<i32>} : memref<128x64xf32, #tpu.memory_space<vmem>>, vector<16xf32>,
        tpu.vector_store_idx %arg9[%select_n3A_62, %select_n3A_178, %add3A_621], %get3A_627 : memref<8x8x133xf32, #tpu.memory_space<vmem>>[vector<16xi32>, vector<16xi32>, vector<16xi32>], vector<16xf32>,
        %get3A_628 = arith.index_cast %add3A_617 : i32 to index
        %get3A_629 = arith.constant 32 : index
        %get3A_630 = tpu.vector_load %arg7[%get3A_628, %get3A_629] {strides = array<i32>} : memref<128x64xf32, #tpu.memory_space<vmem>>, vector<16xf32>,
        tpu.vector_store_idx %arg9[%select_n3A_96, %select_n3A_203, %add3A_621], %get3A_630 : memref<8x8x133xf32, #tpu.memory_space<vmem>>[vector<16xi32>, vector<16xi32>, vector<16xi32>], vector<16xf32>,
        %get3A_631 = arith.index_cast %add3A_617 : i32 to index
        %get3A_632 = arith.constant 48 : index
        %get3A_633 = tpu.vector_load %arg7[%get3A_631, %get3A_632] {strides = array<i32>} : memref<128x64xf32, #tpu.memory_space<vmem>>, vector<16xf32>,
        tpu.vector_store_idx %arg9[%select_n3A_130, %select_n3A_228, %add3A_621], %get3A_633 : memref<8x8x133xf32, #tpu.memory_space<vmem>>[vector<16xi32>, vector<16xi32>, vector<16xi32>], vector<16xf32>,
        %mul3A_634 = arith.constant 16 : i32
        %mul3A_635 = arith.muli %scan3A_455, %mul3A_634 : i32
        %add3A_636 = arith.constant 9 : i32
        %add3A_637 = arith.addi %mul3A_635, %add3A_636 : i32
        %broadcast_in_dim3A_638 = arith.constant 0 : i32
        %broadcast_in_dim3A_639 = vector.broadcast %broadcast_in_dim3A_638 : i32 to vector<16xi32>
        %add3A_640 = vector.broadcast %add3A_637 : i32 to vector<16xi32>
        %add3A_641 = arith.addi %add3A_640, %broadcast_in_dim3A_639 : vector<16xi32>
        %get3A_642 = arith.index_cast %add3A_637 : i32 to index
        %get3A_643 = arith.constant 0 : index
        %get3A_644 = tpu.vector_load %arg7[%get3A_642, %get3A_643] {strides = array<i32>} : memref<128x64xf32, #tpu.memory_space<vmem>>, vector<16xf32>,
        tpu.vector_store_idx %arg9[%select_n3A, %select_n3A_153, %add3A_641], %get3A_644 : memref<8x8x133xf32, #tpu.memory_space<vmem>>[vector<16xi32>, vector<16xi32>, vector<16xi32>], vector<16xf32>,
        %get3A_645 = arith.index_cast %add3A_637 : i32 to index
        %get3A_646 = arith.constant 16 : index
        %get3A_647 = tpu.vector_load %arg7[%get3A_645, %get3A_646] {strides = array<i32>} : memref<128x64xf32, #tpu.memory_space<vmem>>, vector<16xf32>,
        tpu.vector_store_idx %arg9[%select_n3A_62, %select_n3A_178, %add3A_641], %get3A_647 : memref<8x8x133xf32, #tpu.memory_space<vmem>>[vector<16xi32>, vector<16xi32>, vector<16xi32>], vector<16xf32>,
        %get3A_648 = arith.index_cast %add3A_637 : i32 to index
        %get3A_649 = arith.constant 32 : index
        %get3A_650 = tpu.vector_load %arg7[%get3A_648, %get3A_649] {strides = array<i32>} : memref<128x64xf32, #tpu.memory_space<vmem>>, vector<16xf32>,
        tpu.vector_store_idx %arg9[%select_n3A_96, %select_n3A_203, %add3A_641], %get3A_650 : memref<8x8x133xf32, #tpu.memory_space<vmem>>[vector<16xi32>, vector<16xi32>, vector<16xi32>], vector<16xf32>,
        %get3A_651 = arith.index_cast %add3A_637 : i32 to index
        %get3A_652 = arith.constant 48 : index
        %get3A_653 = tpu.vector_load %arg7[%get3A_651, %get3A_652] {strides = array<i32>} : memref<128x64xf32, #tpu.memory_space<vmem>>, vector<16xf32>,
        tpu.vector_store_idx %arg9[%select_n3A_130, %select_n3A_228, %add3A_641], %get3A_653 : memref<8x8x133xf32, #tpu.memory_space<vmem>>[vector<16xi32>, vector<16xi32>, vector<16xi32>], vector<16xf32>,
        %mul3A_654 = arith.constant 16 : i32
        %mul3A_655 = arith.muli %scan3A_455, %mul3A_654 : i32
        %add3A_656 = arith.constant 10 : i32
        %add3A_657 = arith.addi %mul3A_655, %add3A_656 : i32
        %broadcast_in_dim3A_658 = arith.constant 0 : i32
        %broadcast_in_dim3A_659 = vector.broadcast %broadcast_in_dim3A_658 : i32 to vector<16xi32>
        %add3A_660 = vector.broadcast %add3A_657 : i32 to vector<16xi32>
        %add3A_661 = arith.addi %add3A_660, %broadcast_in_dim3A_659 : vector<16xi32>
        %get3A_662 = arith.index_cast %add3A_657 : i32 to index
        %get3A_663 = arith.constant 0 : index
        %get3A_664 = tpu.vector_load %arg7[%get3A_662, %get3A_663] {strides = array<i32>} : memref<128x64xf32, #tpu.memory_space<vmem>>, vector<16xf32>,
        tpu.vector_store_idx %arg9[%select_n3A, %select_n3A_153, %add3A_661], %get3A_664 : memref<8x8x133xf32, #tpu.memory_space<vmem>>[vector<16xi32>, vector<16xi32>, vector<16xi32>], vector<16xf32>,
        %get3A_665 = arith.index_cast %add3A_657 : i32 to index
        %get3A_666 = arith.constant 16 : index
        %get3A_667 = tpu.vector_load %arg7[%get3A_665, %get3A_666] {strides = array<i32>} : memref<128x64xf32, #tpu.memory_space<vmem>>, vector<16xf32>,
        tpu.vector_store_idx %arg9[%select_n3A_62, %select_n3A_178, %add3A_661], %get3A_667 : memref<8x8x133xf32, #tpu.memory_space<vmem>>[vector<16xi32>, vector<16xi32>, vector<16xi32>], vector<16xf32>,
        %get3A_668 = arith.index_cast %add3A_657 : i32 to index
        %get3A_669 = arith.constant 32 : index
        %get3A_670 = tpu.vector_load %arg7[%get3A_668, %get3A_669] {strides = array<i32>} : memref<128x64xf32, #tpu.memory_space<vmem>>, vector<16xf32>,
        tpu.vector_store_idx %arg9[%select_n3A_96, %select_n3A_203, %add3A_661], %get3A_670 : memref<8x8x133xf32, #tpu.memory_space<vmem>>[vector<16xi32>, vector<16xi32>, vector<16xi32>], vector<16xf32>,
        %get3A_671 = arith.index_cast %add3A_657 : i32 to index
        %get3A_672 = arith.constant 48 : index
        %get3A_673 = tpu.vector_load %arg7[%get3A_671, %get3A_672] {strides = array<i32>} : memref<128x64xf32, #tpu.memory_space<vmem>>, vector<16xf32>,
        tpu.vector_store_idx %arg9[%select_n3A_130, %select_n3A_228, %add3A_661], %get3A_673 : memref<8x8x133xf32, #tpu.memory_space<vmem>>[vector<16xi32>, vector<16xi32>, vector<16xi32>], vector<16xf32>,
        %mul3A_674 = arith.constant 16 : i32
        %mul3A_675 = arith.muli %scan3A_455, %mul3A_674 : i32
        %add3A_676 = arith.constant 11 : i32
        %add3A_677 = arith.addi %mul3A_675, %add3A_676 : i32
        %broadcast_in_dim3A_678 = arith.constant 0 : i32
        %broadcast_in_dim3A_679 = vector.broadcast %broadcast_in_dim3A_678 : i32 to vector<16xi32>
        %add3A_680 = vector.broadcast %add3A_677 : i32 to vector<16xi32>
        %add3A_681 = arith.addi %add3A_680, %broadcast_in_dim3A_679 : vector<16xi32>
        %get3A_682 = arith.index_cast %add3A_677 : i32 to index
        %get3A_683 = arith.constant 0 : index
        %get3A_684 = tpu.vector_load %arg7[%get3A_682, %get3A_683] {strides = array<i32>} : memref<128x64xf32, #tpu.memory_space<vmem>>, vector<16xf32>,
        tpu.vector_store_idx %arg9[%select_n3A, %select_n3A_153, %add3A_681], %get3A_684 : memref<8x8x133xf32, #tpu.memory_space<vmem>>[vector<16xi32>, vector<16xi32>, vector<16xi32>], vector<16xf32>,
        %get3A_685 = arith.index_cast %add3A_677 : i32 to index
        %get3A_686 = arith.constant 16 : index
        %get3A_687 = tpu.vector_load %arg7[%get3A_685, %get3A_686] {strides = array<i32>} : memref<128x64xf32, #tpu.memory_space<vmem>>, vector<16xf32>,
        tpu.vector_store_idx %arg9[%select_n3A_62, %select_n3A_178, %add3A_681], %get3A_687 : memref<8x8x133xf32, #tpu.memory_space<vmem>>[vector<16xi32>, vector<16xi32>, vector<16xi32>], vector<16xf32>,
        %get3A_688 = arith.index_cast %add3A_677 : i32 to index
        %get3A_689 = arith.constant 32 : index
        %get3A_690 = tpu.vector_load %arg7[%get3A_688, %get3A_689] {strides = array<i32>} : memref<128x64xf32, #tpu.memory_space<vmem>>, vector<16xf32>,
        tpu.vector_store_idx %arg9[%select_n3A_96, %select_n3A_203, %add3A_681], %get3A_690 : memref<8x8x133xf32, #tpu.memory_space<vmem>>[vector<16xi32>, vector<16xi32>, vector<16xi32>], vector<16xf32>,
        %get3A_691 = arith.index_cast %add3A_677 : i32 to index
        %get3A_692 = arith.constant 48 : index
        %get3A_693 = tpu.vector_load %arg7[%get3A_691, %get3A_692] {strides = array<i32>} : memref<128x64xf32, #tpu.memory_space<vmem>>, vector<16xf32>,
        tpu.vector_store_idx %arg9[%select_n3A_130, %select_n3A_228, %add3A_681], %get3A_693 : memref<8x8x133xf32, #tpu.memory_space<vmem>>[vector<16xi32>, vector<16xi32>, vector<16xi32>], vector<16xf32>,
        %mul3A_694 = arith.constant 16 : i32
        %mul3A_695 = arith.muli %scan3A_455, %mul3A_694 : i32
        %add3A_696 = arith.constant 12 : i32
        %add3A_697 = arith.addi %mul3A_695, %add3A_696 : i32
        %broadcast_in_dim3A_698 = arith.constant 0 : i32
        %broadcast_in_dim3A_699 = vector.broadcast %broadcast_in_dim3A_698 : i32 to vector<16xi32>
        %add3A_700 = vector.broadcast %add3A_697 : i32 to vector<16xi32>
        %add3A_701 = arith.addi %add3A_700, %broadcast_in_dim3A_699 : vector<16xi32>
        %get3A_702 = arith.index_cast %add3A_697 : i32 to index
        %get3A_703 = arith.constant 0 : index
        %get3A_704 = tpu.vector_load %arg7[%get3A_702, %get3A_703] {strides = array<i32>} : memref<128x64xf32, #tpu.memory_space<vmem>>, vector<16xf32>,
        tpu.vector_store_idx %arg9[%select_n3A, %select_n3A_153, %add3A_701], %get3A_704 : memref<8x8x133xf32, #tpu.memory_space<vmem>>[vector<16xi32>, vector<16xi32>, vector<16xi32>], vector<16xf32>,
        %get3A_705 = arith.index_cast %add3A_697 : i32 to index
        %get3A_706 = arith.constant 16 : index
        %get3A_707 = tpu.vector_load %arg7[%get3A_705, %get3A_706] {strides = array<i32>} : memref<128x64xf32, #tpu.memory_space<vmem>>, vector<16xf32>,
        tpu.vector_store_idx %arg9[%select_n3A_62, %select_n3A_178, %add3A_701], %get3A_707 : memref<8x8x133xf32, #tpu.memory_space<vmem>>[vector<16xi32>, vector<16xi32>, vector<16xi32>], vector<16xf32>,
        %get3A_708 = arith.index_cast %add3A_697 : i32 to index
        %get3A_709 = arith.constant 32 : index
        %get3A_710 = tpu.vector_load %arg7[%get3A_708, %get3A_709] {strides = array<i32>} : memref<128x64xf32, #tpu.memory_space<vmem>>, vector<16xf32>,
        tpu.vector_store_idx %arg9[%select_n3A_96, %select_n3A_203, %add3A_701], %get3A_710 : memref<8x8x133xf32, #tpu.memory_space<vmem>>[vector<16xi32>, vector<16xi32>, vector<16xi32>], vector<16xf32>,
        %get3A_711 = arith.index_cast %add3A_697 : i32 to index
        %get3A_712 = arith.constant 48 : index
        %get3A_713 = tpu.vector_load %arg7[%get3A_711, %get3A_712] {strides = array<i32>} : memref<128x64xf32, #tpu.memory_space<vmem>>, vector<16xf32>,
        tpu.vector_store_idx %arg9[%select_n3A_130, %select_n3A_228, %add3A_701], %get3A_713 : memref<8x8x133xf32, #tpu.memory_space<vmem>>[vector<16xi32>, vector<16xi32>, vector<16xi32>], vector<16xf32>,
        %mul3A_714 = arith.constant 16 : i32
        %mul3A_715 = arith.muli %scan3A_455, %mul3A_714 : i32
        %add3A_716 = arith.constant 13 : i32
        %add3A_717 = arith.addi %mul3A_715, %add3A_716 : i32
        %broadcast_in_dim3A_718 = arith.constant 0 : i32
        %broadcast_in_dim3A_719 = vector.broadcast %broadcast_in_dim3A_718 : i32 to vector<16xi32>
        %add3A_720 = vector.broadcast %add3A_717 : i32 to vector<16xi32>
        %add3A_721 = arith.addi %add3A_720, %broadcast_in_dim3A_719 : vector<16xi32>
        %get3A_722 = arith.index_cast %add3A_717 : i32 to index
        %get3A_723 = arith.constant 0 : index
        %get3A_724 = tpu.vector_load %arg7[%get3A_722, %get3A_723] {strides = array<i32>} : memref<128x64xf32, #tpu.memory_space<vmem>>, vector<16xf32>,
        tpu.vector_store_idx %arg9[%select_n3A, %select_n3A_153, %add3A_721], %get3A_724 : memref<8x8x133xf32, #tpu.memory_space<vmem>>[vector<16xi32>, vector<16xi32>, vector<16xi32>], vector<16xf32>,
        %get3A_725 = arith.index_cast %add3A_717 : i32 to index
        %get3A_726 = arith.constant 16 : index
        %get3A_727 = tpu.vector_load %arg7[%get3A_725, %get3A_726] {strides = array<i32>} : memref<128x64xf32, #tpu.memory_space<vmem>>, vector<16xf32>,
        tpu.vector_store_idx %arg9[%select_n3A_62, %select_n3A_178, %add3A_721], %get3A_727 : memref<8x8x133xf32, #tpu.memory_space<vmem>>[vector<16xi32>, vector<16xi32>, vector<16xi32>], vector<16xf32>,
        %get3A_728 = arith.index_cast %add3A_717 : i32 to index
        %get3A_729 = arith.constant 32 : index
        %get3A_730 = tpu.vector_load %arg7[%get3A_728, %get3A_729] {strides = array<i32>} : memref<128x64xf32, #tpu.memory_space<vmem>>, vector<16xf32>,
        tpu.vector_store_idx %arg9[%select_n3A_96, %select_n3A_203, %add3A_721], %get3A_730 : memref<8x8x133xf32, #tpu.memory_space<vmem>>[vector<16xi32>, vector<16xi32>, vector<16xi32>], vector<16xf32>,
        %get3A_731 = arith.index_cast %add3A_717 : i32 to index
        %get3A_732 = arith.constant 48 : index
        %get3A_733 = tpu.vector_load %arg7[%get3A_731, %get3A_732] {strides = array<i32>} : memref<128x64xf32, #tpu.memory_space<vmem>>, vector<16xf32>,
        tpu.vector_store_idx %arg9[%select_n3A_130, %select_n3A_228, %add3A_721], %get3A_733 : memref<8x8x133xf32, #tpu.memory_space<vmem>>[vector<16xi32>, vector<16xi32>, vector<16xi32>], vector<16xf32>,
        %mul3A_734 = arith.constant 16 : i32
        %mul3A_735 = arith.muli %scan3A_455, %mul3A_734 : i32
        %add3A_736 = arith.constant 14 : i32
        %add3A_737 = arith.addi %mul3A_735, %add3A_736 : i32
        %broadcast_in_dim3A_738 = arith.constant 0 : i32
        %broadcast_in_dim3A_739 = vector.broadcast %broadcast_in_dim3A_738 : i32 to vector<16xi32>
        %add3A_740 = vector.broadcast %add3A_737 : i32 to vector<16xi32>
        %add3A_741 = arith.addi %add3A_740, %broadcast_in_dim3A_739 : vector<16xi32>
        %get3A_742 = arith.index_cast %add3A_737 : i32 to index
        %get3A_743 = arith.constant 0 : index
        %get3A_744 = tpu.vector_load %arg7[%get3A_742, %get3A_743] {strides = array<i32>} : memref<128x64xf32, #tpu.memory_space<vmem>>, vector<16xf32>,
        tpu.vector_store_idx %arg9[%select_n3A, %select_n3A_153, %add3A_741], %get3A_744 : memref<8x8x133xf32, #tpu.memory_space<vmem>>[vector<16xi32>, vector<16xi32>, vector<16xi32>], vector<16xf32>,
        %get3A_745 = arith.index_cast %add3A_737 : i32 to index
        %get3A_746 = arith.constant 16 : index
        %get3A_747 = tpu.vector_load %arg7[%get3A_745, %get3A_746] {strides = array<i32>} : memref<128x64xf32, #tpu.memory_space<vmem>>, vector<16xf32>,
        tpu.vector_store_idx %arg9[%select_n3A_62, %select_n3A_178, %add3A_741], %get3A_747 : memref<8x8x133xf32, #tpu.memory_space<vmem>>[vector<16xi32>, vector<16xi32>, vector<16xi32>], vector<16xf32>,
        %get3A_748 = arith.index_cast %add3A_737 : i32 to index
        %get3A_749 = arith.constant 32 : index
        %get3A_750 = tpu.vector_load %arg7[%get3A_748, %get3A_749] {strides = array<i32>} : memref<128x64xf32, #tpu.memory_space<vmem>>, vector<16xf32>,
        tpu.vector_store_idx %arg9[%select_n3A_96, %select_n3A_203, %add3A_741], %get3A_750 : memref<8x8x133xf32, #tpu.memory_space<vmem>>[vector<16xi32>, vector<16xi32>, vector<16xi32>], vector<16xf32>,
        %get3A_751 = arith.index_cast %add3A_737 : i32 to index
        %get3A_752 = arith.constant 48 : index
        %get3A_753 = tpu.vector_load %arg7[%get3A_751, %get3A_752] {strides = array<i32>} : memref<128x64xf32, #tpu.memory_space<vmem>>, vector<16xf32>,
        tpu.vector_store_idx %arg9[%select_n3A_130, %select_n3A_228, %add3A_741], %get3A_753 : memref<8x8x133xf32, #tpu.memory_space<vmem>>[vector<16xi32>, vector<16xi32>, vector<16xi32>], vector<16xf32>,
        %mul3A_754 = arith.constant 16 : i32
        %mul3A_755 = arith.muli %scan3A_455, %mul3A_754 : i32
        %add3A_756 = arith.constant 15 : i32
        %add3A_757 = arith.addi %mul3A_755, %add3A_756 : i32
        %broadcast_in_dim3A_758 = arith.constant 0 : i32
        %broadcast_in_dim3A_759 = vector.broadcast %broadcast_in_dim3A_758 : i32 to vector<16xi32>
        %add3A_760 = vector.broadcast %add3A_757 : i32 to vector<16xi32>
        %add3A_761 = arith.addi %add3A_760, %broadcast_in_dim3A_759 : vector<16xi32>
        %get3A_762 = arith.index_cast %add3A_757 : i32 to index
        %get3A_763 = arith.constant 0 : index
        %get3A_764 = tpu.vector_load %arg7[%get3A_762, %get3A_763] {strides = array<i32>} : memref<128x64xf32, #tpu.memory_space<vmem>>, vector<16xf32>,
        tpu.vector_store_idx %arg9[%select_n3A, %select_n3A_153, %add3A_761], %get3A_764 : memref<8x8x133xf32, #tpu.memory_space<vmem>>[vector<16xi32>, vector<16xi32>, vector<16xi32>], vector<16xf32>,
        %get3A_765 = arith.index_cast %add3A_757 : i32 to index
        %get3A_766 = arith.constant 16 : index
        %get3A_767 = tpu.vector_load %arg7[%get3A_765, %get3A_766] {strides = array<i32>} : memref<128x64xf32, #tpu.memory_space<vmem>>, vector<16xf32>,
        tpu.vector_store_idx %arg9[%select_n3A_62, %select_n3A_178, %add3A_761], %get3A_767 : memref<8x8x133xf32, #tpu.memory_space<vmem>>[vector<16xi32>, vector<16xi32>, vector<16xi32>], vector<16xf32>,
        %get3A_768 = arith.index_cast %add3A_757 : i32 to index
        %get3A_769 = arith.constant 32 : index
        %get3A_770 = tpu.vector_load %arg7[%get3A_768, %get3A_769] {strides = array<i32>} : memref<128x64xf32, #tpu.memory_space<vmem>>, vector<16xf32>,
        tpu.vector_store_idx %arg9[%select_n3A_96, %select_n3A_203, %add3A_761], %get3A_770 : memref<8x8x133xf32, #tpu.memory_space<vmem>>[vector<16xi32>, vector<16xi32>, vector<16xi32>], vector<16xf32>,
        %get3A_771 = arith.index_cast %add3A_757 : i32 to index
        %get3A_772 = arith.constant 48 : index
        %get3A_773 = tpu.vector_load %arg7[%get3A_771, %get3A_772] {strides = array<i32>} : memref<128x64xf32, #tpu.memory_space<vmem>>, vector<16xf32>,
        tpu.vector_store_idx %arg9[%select_n3A_130, %select_n3A_228, %add3A_761], %get3A_773 : memref<8x8x133xf32, #tpu.memory_space<vmem>>[vector<16xi32>, vector<16xi32>, vector<16xi32>], vector<16xf32>,
      }
      %scan3A_393 = arith.constant 8 : i32
      %mul3A_394 = arith.constant 200 : i32
      %mul3A_395 = arith.muli %add3A, %mul3A_394 : i32
      %add3A_396 = arith.addi %mul3A_395, %add3A_368 : i32
      %jit3A_397 = arith.constant 32 : i32
      %div3A_398 = arith.divsi %add3A_396, %jit3A_397 : i32
      %sign3A_399 = arith.constant 0 : i32
      %sign3A_400 = arith.cmpi sgt, %add3A_396, %sign3A_399 : i32
      %sign3A_401 = arith.extui %sign3A_400 : i1 to i32
      %sign3A_402 = arith.constant 0 : i32
      %sign3A_403 = arith.cmpi slt, %add3A_396, %sign3A_402 : i32
      %sign3A_404 = arith.extui %sign3A_403 : i1 to i32
      %sign3A_405 = arith.subi %sign3A_401, %sign3A_404 : i32
      %sign3A_406 = arith.constant 0 : i32
      %sign3A_407 = arith.cmpi sgt, %jit3A_397, %sign3A_406 : i32
      %sign3A_408 = arith.extui %sign3A_407 : i1 to i32
      %sign3A_409 = arith.constant 0 : i32
      %sign3A_410 = arith.cmpi slt, %jit3A_397, %sign3A_409 : i32
      %sign3A_411 = arith.extui %sign3A_410 : i1 to i32
      %sign3A_412 = arith.subi %sign3A_408, %sign3A_411 : i32
      %ne3A_413 = arith.cmpi ne, %sign3A_405, %sign3A_412 : i32
      %rem3A_414 = arith.remsi %add3A_396, %jit3A_397 : i32
      %ne3A_415 = arith.constant 0 : i32
      %ne3A_416 = arith.cmpi ne, %rem3A_414, %ne3A_415 : i32
      %and3A_417 = arith.andi %ne3A_413, %ne3A_416 : i1
      %sub3A_418 = arith.constant 1 : i32
      %sub3A_419 = arith.subi %div3A_398, %sub3A_418 : i32
      %select_n3A_420 = arith.select %and3A_417, %sub3A_419, %div3A_398 : i32
      %jit3A_421 = arith.constant 32 : i32
      %eq3A_422 = arith.constant 0 : i32
      %eq3A_423 = arith.cmpi eq, %jit3A_421, %eq3A_422 : i32
      %jit3A_424 = arith.constant 1 : i32
      %select_n3A_425 = arith.select %eq3A_423, %jit3A_424, %jit3A_421 : i32
      %rem3A_426 = arith.remsi %add3A_396, %select_n3A_425 : i32
      %ne3A_427 = arith.constant 0 : i32
      %ne3A_428 = arith.cmpi ne, %rem3A_426, %ne3A_427 : i32
      %lt3A_429 = arith.constant 0 : i32
      %lt3A_430 = arith.cmpi slt, %rem3A_426, %lt3A_429 : i32
      %lt3A_431 = arith.constant 0 : i32
      %lt3A_432 = arith.cmpi slt, %select_n3A_425, %lt3A_431 : i32
      %ne3A_433 = arith.xori %lt3A_430, %lt3A_432 : i1
      %and3A_434 = arith.andi %ne3A_433, %ne3A_428 : i1
      %add3A_435 = arith.addi %rem3A_426, %select_n3A_425 : i32
      %select_n3A_436 = arith.select %and3A_434, %add3A_435, %rem3A_426 : i32
      %dma_start3A_437 = arith.constant 0 : i32
      %dma_start3A_438 = arith.constant 0 : i32
      %dma_start3A_439 = arith.constant 0 : i32
      %dma_start3A_440 = tpu.memref_slice %arg9[%dma_start3A_437, %dma_start3A_438, %dma_start3A_439] : memref<8x8x133xf32, #tpu.memory_space<vmem>> -> memref<8x8x128xf32, #tpu.memory_space<vmem>>
      %dma_start3A_441 = arith.constant 0 : i32
      %dma_start3A_442 = arith.constant 0 : i32
      %dma_start3A_443 = arith.constant 0 : i32
      %dma_start3A_444 = tpu.memref_slice %arg4[%select_n3A_420, %dma_start3A_441, %select_n3A_436, %dma_start3A_442, %dma_start3A_443] : memref<200x8x32x8x128xf32, #tpu.memory_space<hbm>> -> memref<1x8x1x8x128xf32, #tpu.memory_space<hbm>>
      %dma_start3A_445 = tpu.memref_squeeze %dma_start3A_444 : memref<1x8x1x8x128xf32, #tpu.memory_space<hbm>> -> memref<8x8x128xf32, #tpu.memory_space<hbm>>
      %dma_start3A_446 = arith.constant 0 : i32
      %dma_start3A_447 = arith.constant 0 : i32
      %dma_start3A_448 = arith.constant 0 : i32
      %dma_start3A_449 = tpu.memref_slice %arg4[%select_n3A_420, %dma_start3A_446, %select_n3A_436, %dma_start3A_447, %dma_start3A_448] : memref<200x8x32x8x128xf32, #tpu.memory_space<hbm>> -> memref<1x8x1x8x128xf32, #tpu.memory_space<hbm>>
      %dma_start3A_450 = tpu.memref_squeeze %dma_start3A_449 : memref<1x8x1x8x128xf32, #tpu.memory_space<hbm>> -> memref<8x8x128xf32, #tpu.memory_space<hbm>>
      %dma_start3A_451 = arith.constant 0 : i32
      %dma_start3A_452 = arith.constant 0 : i32
      %dma_start3A_453 = arith.constant 0 : i32
      %dma_start3A_454 = tpu.memref_slice %arg9[%dma_start3A_451, %dma_start3A_452, %dma_start3A_453] : memref<8x8x133xf32, #tpu.memory_space<vmem>> -> memref<8x8x128xf32, #tpu.memory_space<vmem>>
      tpu.enqueue_dma source(%dma_start3A_454 : memref<8x8x128xf32, #tpu.memory_space<vmem>>) target(%dma_start3A_450 : memref<8x8x128xf32, #tpu.memory_space<hbm>>) target_semaphore(%arg13 : memref<!tpu.dma_semaphore, #tpu.memory_space<semaphore_mem>>)
    }
    %scan3A_237 = arith.constant 100 : i32
    %dma_wait3A = arith.constant 0 : i32
    %dma_wait3A_238 = arith.constant 0 : i32
    %dma_wait3A_239 = arith.constant 0 : i32
    %dma_wait3A_240 = arith.constant 0 : i32
    %dma_wait3A_241 = arith.constant 0 : i32
    %dma_wait3A_242 = tpu.memref_slice %arg8[%dma_wait3A_239, %dma_wait3A_240, %dma_wait3A_241] : memref<8x8x133xf32, #tpu.memory_space<vmem>> -> memref<8x8x128xf32, #tpu.memory_space<vmem>>
    %dma_wait3A_243 = arith.constant 0 : i32
    %dma_wait3A_244 = arith.constant 0 : i32
    %dma_wait3A_245 = arith.constant 0 : i32
    %dma_wait3A_246 = tpu.memref_slice %arg4[%dma_wait3A, %dma_wait3A_243, %dma_wait3A_238, %dma_wait3A_244, %dma_wait3A_245] : memref<200x8x32x8x128xf32, #tpu.memory_space<hbm>> -> memref<1x8x1x8x128xf32, #tpu.memory_space<hbm>>
    %dma_wait3A_247 = tpu.memref_squeeze %dma_wait3A_246 : memref<1x8x1x8x128xf32, #tpu.memory_space<hbm>> -> memref<8x8x128xf32, #tpu.memory_space<hbm>>
    %dma_wait3A_248 = arith.constant 0 : i32
    %dma_wait3A_249 = arith.constant 0 : i32
    %dma_wait3A_250 = arith.constant 0 : i32
    %dma_wait3A_251 = tpu.memref_slice %arg4[%dma_wait3A, %dma_wait3A_248, %dma_wait3A_238, %dma_wait3A_249, %dma_wait3A_250] : memref<200x8x32x8x128xf32, #tpu.memory_space<hbm>> -> memref<1x8x1x8x128xf32, #tpu.memory_space<hbm>>
    %dma_wait3A_252 = tpu.memref_squeeze %dma_wait3A_251 : memref<1x8x1x8x128xf32, #tpu.memory_space<hbm>> -> memref<8x8x128xf32, #tpu.memory_space<hbm>>
    %dma_wait3A_253 = arith.constant 0 : i32
    %dma_wait3A_254 = arith.constant 0 : i32
    %dma_wait3A_255 = arith.constant 0 : i32
    %dma_wait3A_256 = tpu.memref_slice %arg8[%dma_wait3A_253, %dma_wait3A_254, %dma_wait3A_255] : memref<8x8x133xf32, #tpu.memory_space<vmem>> -> memref<8x8x128xf32, #tpu.memory_space<vmem>>
    tpu.wait_dma2 semaphore(%arg12 : memref<!tpu.dma_semaphore, #tpu.memory_space<semaphore_mem>>) src(%dma_wait3A_256 : memref<8x8x128xf32, #tpu.memory_space<vmem>>) dst(%dma_wait3A_252 : memref<8x8x128xf32, #tpu.memory_space<hbm>>)
    %dma_wait3A_257 = arith.constant 0 : i32
    %dma_wait3A_258 = arith.constant 0 : i32
    %dma_wait3A_259 = arith.constant 0 : i32
    %dma_wait3A_260 = arith.constant 0 : i32
    %dma_wait3A_261 = arith.constant 0 : i32
    %dma_wait3A_262 = tpu.memref_slice %arg9[%dma_wait3A_259, %dma_wait3A_260, %dma_wait3A_261] : memref<8x8x133xf32, #tpu.memory_space<vmem>> -> memref<8x8x128xf32, #tpu.memory_space<vmem>>
    %dma_wait3A_263 = arith.constant 0 : i32
    %dma_wait3A_264 = arith.constant 0 : i32
    %dma_wait3A_265 = arith.constant 0 : i32
    %dma_wait3A_266 = tpu.memref_slice %arg4[%dma_wait3A_257, %dma_wait3A_263, %dma_wait3A_258, %dma_wait3A_264, %dma_wait3A_265] : memref<200x8x32x8x128xf32, #tpu.memory_space<hbm>> -> memref<1x8x1x8x128xf32, #tpu.memory_space<hbm>>
    %dma_wait3A_267 = tpu.memref_squeeze %dma_wait3A_266 : memref<1x8x1x8x128xf32, #tpu.memory_space<hbm>> -> memref<8x8x128xf32, #tpu.memory_space<hbm>>
    %dma_wait3A_268 = arith.constant 0 : i32
    %dma_wait3A_269 = arith.constant 0 : i32
    %dma_wait3A_270 = arith.constant 0 : i32
    %dma_wait3A_271 = tpu.memref_slice %arg4[%dma_wait3A_257, %dma_wait3A_268, %dma_wait3A_258, %dma_wait3A_269, %dma_wait3A_270] : memref<200x8x32x8x128xf32, #tpu.memory_space<hbm>> -> memref<1x8x1x8x128xf32, #tpu.memory_space<hbm>>
    %dma_wait3A_272 = tpu.memref_squeeze %dma_wait3A_271 : memref<1x8x1x8x128xf32, #tpu.memory_space<hbm>> -> memref<8x8x128xf32, #tpu.memory_space<hbm>>
    %dma_wait3A_273 = arith.constant 0 : i32
    %dma_wait3A_274 = arith.constant 0 : i32
    %dma_wait3A_275 = arith.constant 0 : i32
    %dma_wait3A_276 = tpu.memref_slice %arg9[%dma_wait3A_273, %dma_wait3A_274, %dma_wait3A_275] : memref<8x8x133xf32, #tpu.memory_space<vmem>> -> memref<8x8x128xf32, #tpu.memory_space<vmem>>
    tpu.wait_dma2 semaphore(%arg13 : memref<!tpu.dma_semaphore, #tpu.memory_space<semaphore_mem>>) src(%dma_wait3A_276 : memref<8x8x128xf32, #tpu.memory_space<vmem>>) dst(%dma_wait3A_272 : memref<8x8x128xf32, #tpu.memory_space<hbm>>)
    return
  }
}

</mosaic_0001>

<sc_bundles>
// kernel: _sc_gather.3.cloned.1.call-start
scs
__scs_entry_jumppad:
0x0: {  	(pc) =	sbr.rel $0x88, $3  }
0x1: {  	(tag) =	ssettag $0x0;
	lr =	simm.s32 $0x1  }
0x2: {  	[smem:$0x3F9F] =	sst lr;
	_ =	strace $0xD0000000  }
0x3: {  	_ = 	snop  }
0x4: {  	_ = 	snop  }
0x5: {  	_ = 	snop  }
0x6: {  	_ = 	snop  }
0x7: {  	_ = 	snop  }
__scs_overlays_trampoline_lowered:
0x8: {  	[smem:$0x3FAE] =	sst s0  }
0x9: {  	[smem:$0x3FAF] =	sst s1  }
0xa: {  	[smem:$0x3FB0] =	sst s2  }
0xb: {  	[smem:$0x3FB1] =	sst s3  }
0xc: {  	[smem:$0x3FB2] =	sst s4  }
0xd: {  	[smem:$0x3FB3] =	sst s5  }
0xe: {  	[smem:$0x3FB4] =	sst s6  }
0xf: {  	[smem:$0x3FB5] =	sst s7  }
0x10: {  	[smem:$0x3FB6] =	sst s8  }
0x11: {  	[smem:$0x3FB7] =	sst s9;
	s0 =	simm.s32 @!p0 $0x0  }
0x12: {  	s1 =	sld [smem:$0x3F9D];
	s0 =	simm.s32 @p0 $0x1  }
0x13: {  	[smem:$0x3FB8] =	sst s0;
	s0 =	simm.s32 @!p1 $0x0  }
0x14: {  	s2 =	sld [smem:$0x3F9C];
	s0 =	simm.s32 @p1 $0x1  }
0x15: {  	[smem:$0x3FB9] =	sst s0;
	s0 =	simm.s32 @!p2 $0x0  }
0x16: {  	s3 =	sld [smem:$0x3FDB];
	s0 =	simm.s32 @p2 $0x1  }
0x17: {  	s4 =	simm.s32 $0x1BF5;
	[smem:$0x3FBB] =	sst s0  }
0x18: {  	s0 =	sld [smem:$0x3F9E];
	_ =	swait.ge [sflag:s4], $0x0  }
0x19: {  	s7 =	sld [smem:$0x3F9F]  }
0x1a: {  	s8 =	sadd.s32 $0xFFFFE003, lr  }
0x1b: {  	s9 =	sadd.s32 $0xFFFFFEF7, lr;
	s5 =	simm.s32 $0xFFFFFFFF;
	p2 =	slt.u32 s8, $0xFFFFF086  }
0x1c: {  	p1 =	slt.u32 s9, $0xF7A;
	s5 =	simm.s32 @!p2 $0x0  }
0x1d: {  	s5 =	simm.s32 @p1 $0x1;
	p0 =	seq.s32 s7, s2  }
0x1e: {  	s7 =	smul.u32 @!p0 $0xF7A, s2;
	p2 =	seq.s32 @!p0 s5, $0x0  }
0x1f: {  	s9 =	smul.u32 $0xF7A, s1;
	s8 =	simm.s32 @!p0 $0x1BF5;
	p2 =	por !p2, p0  }
0x20: {  	[sflag:s8] =	ssyncset.s32 @!p0 $0xFFFFF086;
	s6 =	sadd.s32 @!p0 s3, s7;
	s7 =	simm.s32 @!p0 $0x108  }
0x21: {  	s3 =	sadd.s32 s3, s9;
	s6 =	sadd.s32 @!p0 $0x88, s6;
	s7 =	simm.s32 @p2 $0x1082  }
0x22: {  	[simem:s7], [sflag:s8] =	dma.local @!p0 [hbm:s6], $0xF7A  }
0x23: {  	s9 =	sor.u32 $0xD0000000, s2;
	s6 =	simm.s32 $0x108;
	_ =	swait.ge @!p0 [sflag:s8], $0x0  }
0x24: {  	s3 =	sadd.s32 $0x88, s3;
	s6 =	simm.s32 @!p1 $0x1082;
	[sflag:s4] =	ssyncset.s32 $0xFFFFF086  }
0x25: {  	[simem:s6], [sflag:s4] =	dma.local [hbm:s3], $0xF7A  }
0x26: {  	[smem:$0x3F9F] =	sst s1;
	(tag) =	ssettag s2;
	_ =	strace s9  }
0x27: {  	s1 =	sld [smem:$0x3FAF]  }
0x28: {  	s2 =	sld [smem:$0x3FB0]  }
0x29: {  	s4 =	sld [smem:$0x3FB2]  }
0x2a: {  	p0 =	seq.s32 s5, $0x0;
	s5 =	sld [smem:$0x3FB3]  }
0x2b: {  	s6 =	sld [smem:$0x3FB4]  }
0x2c: {  	s7 =	sld [smem:$0x3FB5]  }
0x2d: {  	s3 =	simm.s32 $0x108;
	s8 =	sld [smem:$0x3FB6]  }
0x2e: {  	s3 =	simm.s32 @!p0 $0x1082;
	s9 =	sld [smem:$0x3FB7]  }
0x2f: {  	lr =	sadd.s32 s0, s3;
	s0 =	sld [smem:$0x3FAE]  }
0x30: {  	s3 =	sld [smem:$0x3FB1]  }
0x31: {  	[smem:$0x3FBA] =	sst s10  }
0x32: {  	s10 =	sld [smem:$0x3FB8];
	_ =	sdelay $0x3  }
0x33: {  	p0 =	seq.s32 s10, $0x1;
	s10 =	sld [smem:$0x3FBA];
	_ =	sdelay $0x3  }
0x34: {  	[smem:$0x3FBA] =	sst s10  }
0x35: {  	s10 =	sld [smem:$0x3FB9];
	_ =	sdelay $0x3  }
0x36: {  	p1 =	seq.s32 s10, $0x1;
	s10 =	sld [smem:$0x3FBA];
	_ =	sdelay $0x3  }
0x37: {  	[smem:$0x3FBA] =	sst s10  }
0x38: {  	s10 =	sld [smem:$0x3FBB]  }
0x39: {  	_ = 	snop;
	(pc) =	sbr.ind lr, $3  }
0x3a: {  	_ = 	snop  }
0x3b: {  	_ = 	snop  }
0x3c: {  	p2 =	seq.s32 s10, $0x1;
	s10 =	sld [smem:$0x3FBA]  }
0x3d: {  	_ =	shalt  }
0x3e: {  	_ =	shalt  }
0x3f: {  	_ =	shalt  }
0x40: {  	_ =	shalt  }
0x41: {  	_ =	shalt  }
0x42: {  	_ =	shalt  }
0x43: {  	_ =	shalt  }
0x44: {  	_ =	shalt  }
0x45: {  	_ =	shalt  }
0x46: {  	_ =	shalt  }
0x47: {  	_ =	shalt  }
0x48: {  	_ =	shalt  }
0x49: {  	_ =	shalt  }
0x4a: {  	_ =	shalt  }
0x4b: {  	_ =	shalt  }
0x4c: {  	_ =	shalt  }
0x4d: {  	_ =	shalt  }
0x4e: {  	_ =	shalt  }
0x4f: {  	_ =	shalt  }
0x50: {  	_ =	shalt  }
0x51: {  	_ =	shalt  }
0x52: {  	_ =	shalt  }
0x53: {  	_ =	shalt  }
0x54: {  	_ =	shalt  }
0x55: {  	_ =	shalt  }
0x56: {  	_ =	shalt  }
0x57: {  	_ =	shalt  }
0x58: {  	_ =	shalt  }
0x59: {  	_ =	shalt  }
0x5a: {  	_ =	shalt  }
0x5b: {  	_ =	shalt  }
0x5c: {  	_ =	shalt  }
0x5d: {  	_ =	shalt  }
0x5e: {  	_ =	shalt  }
0x5f: {  	_ =	shalt  }
0x60: {  	_ =	shalt  }
0x61: {  	_ =	shalt  }
0x62: {  	_ =	shalt  }
0x63: {  	_ =	shalt  }
0x64: {  	_ =	shalt  }
0x65: {  	_ =	shalt  }
0x66: {  	_ =	shalt  }
0x67: {  	_ =	shalt  }
0x68: {  	_ =	shalt  }
0x69: {  	_ =	shalt  }
0x6a: {  	_ =	shalt  }
0x6b: {  	_ =	shalt  }
0x6c: {  	_ =	shalt  }
0x6d: {  	_ =	shalt  }
0x6e: {  	_ =	shalt  }
0x6f: {  	_ =	shalt  }
0x70: {  	_ =	shalt  }
0x71: {  	_ =	shalt  }
0x72: {  	_ =	shalt  }
0x73: {  	_ =	shalt  }
0x74: {  	_ =	shalt  }
0x75: {  	_ =	shalt  }
0x76: {  	_ =	shalt  }
0x77: {  	_ =	shalt  }
0x78: {  	_ =	shalt  }
0x79: {  	_ =	shalt  }
0x7a: {  	_ =	shalt  }
0x7b: {  	_ =	shalt  }
0x7c: {  	_ =	shalt  }
0x7d: {  	_ =	shalt  }
0x7e: {  	_ =	shalt  }
0x7f: {  	_ =	shalt  }
0x80: {  	_ =	shalt  }
0x81: {  	_ =	shalt  }
0x82: {  	_ =	shalt  }
0x83: {  	_ =	shalt  }
0x84: {  	_ =	shalt  }
0x85: {  	_ =	shalt  }
0x86: {  	_ =	shalt  }
0x87: {  	_ =	shalt  }
.Lfunc_end0:
.L_simem_size_0:
called_computation_lowered:
.L_overlay_start_0:
0x88: {  	s2 =	sld [smem:$0x3FD9]  }
0x89: {  	s3 =	sld [smem:$0x3FFE];
	_ =	sdelay $0x1  }
0x8a: {  	s1 =	srdreg.scid  }
0x8b: {  	s0 =	sand.u32 $0x1, s1  }
0x8c: {  	s17 =	sshll.u32 s0, $0xA;
	s2 =	sadd.s32 s3, s2  }
0x8d: {  	s2 =	sadd.s32 s2, s17  }
0x8e: {  	[smem:$0x3FC6] =	sst s2  }
0x8f: {  	_ = 	snop  }
0x90: {  	s2 =	sld [smem:$0x3FC9]  }
0x91: {  	s18 =	sld [smem:$0x3FD0];
	(tm) =	ssettm $0x1  }
0x92: {  	s4 =	sld [smem:$0x3FFB];
	_ =	sdelay $0x3  }
0x93: {  	_ =	strace s4  }
0x94: {  	s4 =	sld [smem:$0x3FFC];
	_ =	sdelay $0x3  }
0x95: {  	_ =	strace s4  }
0x96: {  	s4 =	sld [smem:$0x3FFD];
	_ =	sdelay $0x3  }
0x97: {  	_ =	strace s4  }
0x98: {  	_ =	strace $0x8FFFFFFF  }
0x99: {  	s19 =	sld [smem:$0x3FDB];
	_ =	sdelay $0x1  }
0x9a: {  	s5 =	simm.s32 $_scs_section_size  }
0x9b: {  	s6 =	simm.s32 $_size__tile_overlayer_lowered;
	s7 =	simm.s32 $_tile_overlayer_lowered  }
0x9c: {  	s22 =	simm.s32 $0x1BFF;
	s21 =	sshll.u32 s7, $0x1;
	s4 =	sadd.s32 s5, s19  }
0x9d: {  	s8 =	simm.s32 $0x0;
	s20 =	sshll.u32 s6, $0x1;
	s6 =	sadd.s32 s21, s4  }
0x9e: {  	[timem:s8], [sflag:s22] =	dma.local [hbm:s6], s20  }
0x9f: {  	_ =	swait.ge [sflag:s22], s20  }
0xa0: {  	s5 =	ssub.s32 $0x0, s20;
	[sflag:s22] =	ssyncset.done $0x0  }
0xa1: {  	[sflag:s22] =	ssyncadd.s32 s5;
	_ =	sdelay $0x1  }
0xa2: {  	s23 =	simm.s32 $0x1B8B  }
0xa3: {  	_ =	swait.ge [sflag:s23], $0x1  }
0xa4: {  	[sflag:s23] =	ssyncset.done $0x0  }
0xa5: {  	s25 =	simm.s32 $0x1B8E;
	s24 =	sld [smem:$0x3FFE];
	[sflag:s23] =	ssyncadd.s32 $0xFFFFFFFF  }
0xa6: {  	s26 =	simm.s32 $execute0_lowered;
	[smem:$0x3FD2] =	sst s25  }
0xa7: {  	s6 =	sshll.u32 s26, $0x1;
	_ =	strace $0x80000046;
	[dreg:$0x1] =	wrdreg $0xFFFFFFFF  }
0xa8: {  	s28 =	simm.s32 $_size_execute0_lowered;
	s4 =	sadd.s32 s4, s6;
	[dreg:$0x0] =	wrdreg $0x0  }
0xa9: {  	s6 =	sshll.u32 s28, $0x1;
	[dreg:$0x2] =	wrdreg s4  }
0xaa: {  	[dreg:$0x3] =	wrdreg s6  }
0xab: {  	[dreg:$0x4] =	wrdreg $0xC0  }
0xac: {  	_ =	task [dreg:s8], $0x5FFFF  }
0xad: {  	[dreg:$0x1] =	wrdreg $0xFFFFFFFF  }
0xae: {  	[dreg:$0x0] =	wrdreg $0x60  }
0xaf: {  	[dreg:$0x2] =	wrdreg s2  }
0xb0: {  	[dreg:$0x3] =	wrdreg s24  }
0xb1: {  	[dreg:$0x4] =	wrdreg s18  }
0xb2: {  	[dreg:$0x5] =	wrdreg $0x9  }
0xb3: {  	_ =	task.clear_ibuf [dreg:s8], $0x6FFFF;
	_ =	strace $0x90000046  }
0xb4: {  	s29 =	simm.s32 $0x9;
	_ =	strace $0x80000048  }
0xb5: {  	_ =	swait.ge [sflag:s29], $0x1  }
0xb6: {  	[sflag:s29] =	ssyncadd.s32 $0xFFFFFFFF  }
0xb7: {  	_ =	strace $0x90000048  }
0xb8: {  	_ =	sfence  }
0xb9: {  	s30 =	sld [smem:$0x0];
	_ =	sdelay $0x2  }
0xba: {  	s31 =	sshll.u32 s1, $0xD;
	s1 =	sshrl.u32 s1, $0x2  }
0xbb: {  	s3 =	sand.u32 $0x4000, s31;
	s1 =	sadd.s32 s1, s30  }
0xbc: {  	s0 =	sor.u32 s3, s0;
	s1 =	sshll.u32 s1, $0x11  }
0xbd: {  	s0 =	sor.u32 s1, s0  }
0xbe: {  	s0 =	sadd.s32 $0x8F2B, s0  }
0xbf: {  	[sflag:s0] =	ssyncadd.remote.s32 $0x1  }
0xc0: {  	_ =	sfence.sel $0xFFFF  }
0xc1: {  	[dreg:$0x0] =	wrdreg $0xFFFFFFFF;
	(pc) =	sbr.abs _section_cstart, $3  }
0xc2: {  	[dreg:$0x1] =	wrdreg $0xFFFFFFFF  }
0xc3: {  	_ =	task.clear_ibuf [dreg:s8], $0x2FFFF;
	_ =	strace $0x9FFFFFFF  }
0xc4: {  	(tm) =	ssettm $0x7FFFFFFF  }
0xc5: {  	_ =	shalt  }
tec
execute0_lowered:
.L_overlay_start_1:
0x0: {  	(tag) =	ssettag $0x1  }
0x1: {  	v0 =	vlaneseq.u32  }
0x2: {  	v0 =	vmul.u32 $0x88, v0  }
0x3: {  	s5 =	rddreg [dreg:$0x0];
	v1 =	vimm.s32 $0x0;
	vm0 =	vcmask $0x300  }
0x4: {  	s4 =	rddreg [dreg:$0x1];
	v1 =	vsel vm0, $0x3, v1;
	v2 =	vadd.s32 $0x880, v0  }
0x5: {  	s1 =	srdreg.scid;
	s0 =	stileid.u32;
	v3 =	vadd.s32 $0x1100, v0;
	v4 =	vadd.s32 $0x1980, v0;
	v5 =	vor.u32 $0x1, v0  }
0x6: {  	s2 =	rddreg [dreg:$0x2];
	s3 =	simm.s32 $0x0;
	s10 =	simm.s32 $0x6400;
	v6 =	vadd.s32 $0x881, v0;
	v7 =	vadd.s32 $0x1101, v0;
	v8 =	vadd.s32 $0x1981, v0  }
0x7: {  	s11 =	simm.s32 $0x8400;
	s12 =	simm.s32 $0x1;
	s13 =	simm.s32 $0xA400;
	v9 =	vor.u32 $0x2, v0;
	v10 =	vadd.s32 $0x882, v0;
	v11 =	vadd.s32 $0x1102, v0  }
0x8: {  	s14 =	simm.s32 $0x2;
	s15 =	simm.s32 $0x4;
	s16 =	simm.s32 $0xC600;
	v12 =	vadd.s32 $0x1982, v0;
	v13 =	vor.u32 $0x3, v0;
	v14 =	vadd.s32 $0x883, v0  }
0x9: {  	s17 =	simm.s32 $0x3;
	s6 =	sand.u32 $0x1, s1;
	s7 =	sshll.u32 s0, $0x1;
	v15 =	vadd.s32 $0x1103, v0;
	v16 =	vadd.s32 $0x1983, v0;
	v17 =	vor.u32 $0x4, v0  }
0xa: {  	s18 =	simm.s32 $0x0;
	s1 =	rddreg [dreg:$0x3];
	s7 =	sor.u32 s6, s7;
	v18 =	vadd.s32 $0x884, v0;
	v19 =	vadd.s32 $0x1104, v0;
	v20 =	vadd.s32 $0x1984, v0  }
0xb: {  	[smem:$0x7FF] =	sst s3;
	s6 =	ssub.s32 $0x2, s6;
	s8 =	smul.u32 $0xC80, s7;
	v21 =	vor.u32 $0x5, v0;
	v22 =	vadd.s32 $0x885, v0;
	v23 =	vadd.s32 $0x1105, v0  }
0xc: {  	s4 =	sadd.s32 $0x1E84C00, s4;
	_ =	strace $0x80000047;
	s9 =	sshrl.u32 s6, $0x1;
	v24 =	vadd.s32 $0x1985, v0;
	v25 =	vor.u32 $0x6, v0;
	v26 =	vadd.s32 $0x886, v0  }
0xd: {  	v27 =	vadd.s32 $0x1106, v0;
	v28 =	vadd.s32 $0x1986, v0;
	v29 =	vor.u32 $0x7, v0;
	s9 =	ssub.s32 s6, s9;
	s6 =	smul.u32 $0xC8, s7;
	s5 =	sadd.s32 s5, s8  }
0xe: {  	v30 =	vadd.s32 $0x887, v0;
	v31 =	vadd.s32 $0x1107, v0;
	v32 =	vadd.s32 $0x1987, v0;
	s7 =	smax.u32 s9, $0x1;
	s8 =	simm.s32 $0x5;
	s9 =	simm.s32 $0x80  }
.LBB2_1:
0xf: {  	[tilespmem:s3], [sflag:$0x5] =	stream.linear.gather [hbm4b:s5+s3], $0x6400, $0x38;
	[tilespmem:$0xE800] =	vst v63  }
0x10: {  	_ =	swait.ge [sflag:s8], $0x6400  }
0x11: {  	[sflag:s8] =	ssyncset.done $0x0  }
0x12: {  	s19 =	simm.s32 $0x0;
	[sflag:s8] =	ssyncadd.s32 $0xFFFF9C00  }
0x13: {  	[tilespmem:s10], [sflag:$0x1] =	stream.indirect.gather [hbm4b:s4+s9], $0x40, s3, s9, $0xb8;
	[tilespmem:$0xE800] =	vst v63  }
.LBB2_2:
0x14: {  	s20 =	sshllo.u32 s19, $0x1  }
0x15: {  	s21 =	sshll.u32 s20, $0x7  }
0x16: {  	s21 =	sand.u32 $0x3FFFFF80, s21  }
0x17: {  	[tilespmem:s11], [sflag:$0x2] =	stream.indirect.gather [hbm4b:s4+s9], $0x40, s21, s9, $0xb8;
	[tilespmem:$0xE800] =	vst v63  }
0x18: {  	s23 =	simm.s32 $0x0;
	_ =	swait.ge [sflag:s12], $0x2000  }
0x19: {  	p0 =	seq.s32 s19, $0x0;
	v33 =	vmov s23;
	[sflag:s12] =	ssyncset.done $0x0  }
0x1a: {  	v33 =	vshrl.u32 v33, $0x3;
	s21 =	simm.s32 @!p0 $0x3;
	[sflag:s12] =	ssyncadd.s32 $0xFFFFE000  }
0x1b: {  	v33 =	vshll.u32 v33, v1;
	_ =	swait.ge @!p0 [sflag:s21], $0x2000  }
0x1c: {  	v33 =	vbroadcast v33, $0x0;
	[sflag:s21] =	ssyncset.done @!p0 $0x0  }
0x1d: {  	s22 =	simm.s32 $0x6600;
	[sflag:s21] =	ssyncadd.s32 @!p0 $0xFFFFE000  }
0x1e: {  	v35 =	vadd.s32 v0, v33;
	v34 =	vld [tilespmem:s22+$0xFFFFFE00];
	_ =	sdelay $0x4  }
0x1f: {  	[tilespmem:v35+s13+$0x0] =	vst.idx.msk $0xffff, v34  }
0x20: {  	v44 =	vadd.s32 v2, v33;
	v34 =	vld [tilespmem:s22+$0xFFFFFE10];
	_ =	sdelay $0x4  }
0x21: {  	[tilespmem:v44+s13+$0x0] =	vst.idx.msk $0xffff, v34  }
0x22: {  	v45 =	vadd.s32 v3, v33;
	v34 =	vld [tilespmem:s22+$0xFFFFFE20];
	_ =	sdelay $0x4  }
0x23: {  	[tilespmem:v45+s13+$0x0] =	vst.idx.msk $0xffff, v34  }
0x24: {  	s24 =	simm.s32 $0x1;
	v33 =	vadd.s32 v4, v33;
	v34 =	vld [tilespmem:s22+$0xFFFFFE30]  }
0x25: {  	v46 =	vmov s24  }
0x26: {  	v35 =	vshrl.u32 v46, $0x3  }
0x27: {  	v35 =	vshll.u32 v35, v1  }
0x28: {  	v35 =	vbroadcast v35, $0x0  }
0x29: {  	[tilespmem:v33+s13+$0x0] =	vst.idx.msk $0xffff, v34  }
0x2a: {  	v47 =	vadd.s32 v5, v35;
	v33 =	vld [tilespmem:s22+$0xFFFFFE40];
	_ =	sdelay $0x4  }
0x2b: {  	[tilespmem:v47+s13+$0x0] =	vst.idx.msk $0xffff, v33  }
0x2c: {  	v48 =	vadd.s32 v6, v35;
	v33 =	vld [tilespmem:s22+$0xFFFFFE50];
	_ =	sdelay $0x4  }
0x2d: {  	[tilespmem:v48+s13+$0x0] =	vst.idx.msk $0xffff, v33  }
0x2e: {  	v49 =	vadd.s32 v7, v35;
	v33 =	vld [tilespmem:s22+$0xFFFFFE60];
	_ =	sdelay $0x4  }
0x2f: {  	[tilespmem:v49+s13+$0x0] =	vst.idx.msk $0xffff, v33  }
0x30: {  	s25 =	simm.s32 $0x2;
	v50 =	vadd.s32 v8, v35;
	v33 =	vld [tilespmem:s22+$0xFFFFFE70]  }
0x31: {  	v51 =	vmov s25  }
0x32: {  	v35 =	vshrl.u32 v51, $0x3  }
0x33: {  	v35 =	vshll.u32 v35, v1  }
0x34: {  	v35 =	vbroadcast v35, $0x0  }
0x35: {  	[tilespmem:v50+s13+$0x0] =	vst.idx.msk $0xffff, v33  }
0x36: {  	v52 =	vadd.s32 v9, v35;
	v33 =	vld [tilespmem:s22+$0xFFFFFE80];
	_ =	sdelay $0x4  }
0x37: {  	[tilespmem:v52+s13+$0x0] =	vst.idx.msk $0xffff, v33  }
0x38: {  	v53 =	vadd.s32 v10, v35;
	v33 =	vld [tilespmem:s22+$0xFFFFFE90];
	_ =	sdelay $0x4  }
0x39: {  	[tilespmem:v53+s13+$0x0] =	vst.idx.msk $0xffff, v33  }
0x3a: {  	v54 =	vadd.s32 v11, v35;
	v33 =	vld [tilespmem:s22+$0xFFFFFEA0];
	_ =	sdelay $0x4  }
0x3b: {  	[tilespmem:v54+s13+$0x0] =	vst.idx.msk $0xffff, v33  }
0x3c: {  	s26 =	simm.s32 $0x3;
	v55 =	vadd.s32 v12, v35;
	v33 =	vld [tilespmem:s22+$0xFFFFFEB0]  }
0x3d: {  	v56 =	vmov s26  }
0x3e: {  	v35 =	vshrl.u32 v56, $0x3  }
0x3f: {  	v35 =	vshll.u32 v35, v1  }
0x40: {  	v35 =	vbroadcast v35, $0x0  }
0x41: {  	[tilespmem:v55+s13+$0x0] =	vst.idx.msk $0xffff, v33  }
0x42: {  	v57 =	vadd.s32 v13, v35;
	v33 =	vld [tilespmem:s22+$0xFFFFFEC0];
	_ =	sdelay $0x4  }
0x43: {  	[tilespmem:v57+s13+$0x0] =	vst.idx.msk $0xffff, v33  }
0x44: {  	v58 =	vadd.s32 v14, v35;
	v33 =	vld [tilespmem:s22+$0xFFFFFED0];
	_ =	sdelay $0x4  }
0x45: {  	[tilespmem:v58+s13+$0x0] =	vst.idx.msk $0xffff, v33  }
0x46: {  	v59 =	vadd.s32 v15, v35;
	v33 =	vld [tilespmem:s22+$0xFFFFFEE0];
	_ =	sdelay $0x4  }
0x47: {  	[tilespmem:v59+s13+$0x0] =	vst.idx.msk $0xffff, v33  }
0x48: {  	s28 =	simm.s32 $0x4;
	v60 =	vadd.s32 v16, v35;
	v33 =	vld [tilespmem:s22+$0xFFFFFEF0]  }
0x49: {  	v61 =	vmov s28  }
0x4a: {  	v35 =	vshrl.u32 v61, $0x3  }
0x4b: {  	v35 =	vshll.u32 v35, v1  }
0x4c: {  	v35 =	vbroadcast v35, $0x0  }
0x4d: {  	[tilespmem:v60+s13+$0x0] =	vst.idx.msk $0xffff, v33  }
0x4e: {  	v62 =	vadd.s32 v17, v35;
	v33 =	vld [tilespmem:s22+$0xFFFFFF00];
	_ =	sdelay $0x4  }
0x4f: {  	[tilespmem:v62+s13+$0x0] =	vst.idx.msk $0xffff, v33  }
0x50: {  	v63 =	vadd.s32 v18, v35;
	v33 =	vld [tilespmem:s22+$0xFFFFFF10];
	_ =	sdelay $0x4  }
0x51: {  	[tilespmem:v63+s13+$0x0] =	vst.idx.msk $0xffff, v33  }
0x52: {  	v36 =	vadd.s32 v19, v35;
	v33 =	vld [tilespmem:s22+$0xFFFFFF20];
	_ =	sdelay $0x4  }
0x53: {  	[tilespmem:v36+s13+$0x0] =	vst.idx.msk $0xffff, v33  }
0x54: {  	s29 =	simm.s32 $0x5;
	v37 =	vadd.s32 v20, v35;
	v33 =	vld [tilespmem:s22+$0xFFFFFF30]  }
0x55: {  	v38 =	vmov s29  }
0x56: {  	v35 =	vshrl.u32 v38, $0x3  }
0x57: {  	v35 =	vshll.u32 v35, v1  }
0x58: {  	v35 =	vbroadcast v35, $0x0  }
0x59: {  	[tilespmem:v37+s13+$0x0] =	vst.idx.msk $0xffff, v33  }
0x5a: {  	v39 =	vadd.s32 v21, v35;
	v33 =	vld [tilespmem:s22+$0xFFFFFF40];
	_ =	sdelay $0x4  }
0x5b: {  	[tilespmem:v39+s13+$0x0] =	vst.idx.msk $0xffff, v33  }
0x5c: {  	v40 =	vadd.s32 v22, v35;
	v33 =	vld [tilespmem:s22+$0xFFFFFF50];
	_ =	sdelay $0x4  }
0x5d: {  	[tilespmem:v40+s13+$0x0] =	vst.idx.msk $0xffff, v33  }
0x5e: {  	v41 =	vadd.s32 v23, v35;
	v33 =	vld [tilespmem:s22+$0xFFFFFF60];
	_ =	sdelay $0x4  }
0x5f: {  	[tilespmem:v41+s13+$0x0] =	vst.idx.msk $0xffff, v33  }
0x60: {  	s30 =	simm.s32 $0x6;
	v42 =	vadd.s32 v24, v35;
	v33 =	vld [tilespmem:s22+$0xFFFFFF70]  }
0x61: {  	v43 =	vmov s30  }
0x62: {  	v35 =	vshrl.u32 v43, $0x3  }
0x63: {  	v35 =	vshll.u32 v35, v1  }
0x64: {  	v35 =	vbroadcast v35, $0x0  }
0x65: {  	[tilespmem:v42+s13+$0x0] =	vst.idx.msk $0xffff, v33  }
0x66: {  	v44 =	vadd.s32 v25, v35;
	v33 =	vld [tilespmem:s22+$0xFFFFFF80];
	_ =	sdelay $0x4  }
0x67: {  	[tilespmem:v44+s13+$0x0] =	vst.idx.msk $0xffff, v33  }
0x68: {  	v45 =	vadd.s32 v26, v35;
	v33 =	vld [tilespmem:s22+$0xFFFFFF90];
	_ =	sdelay $0x4  }
0x69: {  	[tilespmem:v45+s13+$0x0] =	vst.idx.msk $0xffff, v33  }
0x6a: {  	v46 =	vadd.s32 v27, v35;
	v33 =	vld [tilespmem:s22+$0xFFFFFFA0];
	_ =	sdelay $0x4  }
0x6b: {  	[tilespmem:v46+s13+$0x0] =	vst.idx.msk $0xffff, v33  }
0x6c: {  	s31 =	simm.s32 $0x7;
	v47 =	vadd.s32 v28, v35;
	v33 =	vld [tilespmem:s22+$0xFFFFFFB0]  }
0x6d: {  	v48 =	vmov s31  }
0x6e: {  	v35 =	vshrl.u32 v48, $0x3  }
0x6f: {  	v35 =	vshll.u32 v35, v1  }
0x70: {  	v35 =	vbroadcast v35, $0x0  }
0x71: {  	[tilespmem:v47+s13+$0x0] =	vst.idx.msk $0xffff, v33  }
0x72: {  	v49 =	vadd.s32 v29, v35;
	v33 =	vld [tilespmem:s22+$0xFFFFFFC0];
	_ =	sdelay $0x4  }
0x73: {  	[tilespmem:v49+s13+$0x0] =	vst.idx.msk $0xffff, v33  }
0x74: {  	v50 =	vadd.s32 v30, v35;
	v33 =	vld [tilespmem:s22+$0xFFFFFFD0];
	_ =	sdelay $0x4  }
0x75: {  	[tilespmem:v50+s13+$0x0] =	vst.idx.msk $0xffff, v33  }
0x76: {  	v51 =	vadd.s32 v31, v35;
	v33 =	vld [tilespmem:s22+$0xFFFFFFE0];
	_ =	sdelay $0x4  }
0x77: {  	[tilespmem:v51+s13+$0x0] =	vst.idx.msk $0xffff, v33  }
0x78: {  	s23 =	simm.s32 $0x8;
	v52 =	vadd.s32 v32, v35;
	v33 =	vld [tilespmem:s22+$0xFFFFFFF0]  }
0x79: {  	v53 =	vmov s23  }
0x7a: {  	v35 =	vshrl.u32 v53, $0x3  }
0x7b: {  	v35 =	vshll.u32 v35, v1  }
0x7c: {  	v35 =	vbroadcast v35, $0x0  }
0x7d: {  	[tilespmem:v52+s13+$0x0] =	vst.idx.msk $0xffff, v33  }
0x7e: {  	v54 =	vadd.s32 v0, v35;
	v33 =	vld [tilespmem:s22+$0x0];
	_ =	sdelay $0x4  }
0x7f: {  	[tilespmem:v54+s13+$0x0] =	vst.idx.msk $0xffff, v33  }
0x80: {  	v55 =	vadd.s32 v2, v35;
	v33 =	vld [tilespmem:s22+$0x10];
	_ =	sdelay $0x4  }
0x81: {  	[tilespmem:v55+s13+$0x0] =	vst.idx.msk $0xffff, v33  }
0x82: {  	v56 =	vadd.s32 v3, v35;
	v33 =	vld [tilespmem:s22+$0x20];
	_ =	sdelay $0x4  }
0x83: {  	[tilespmem:v56+s13+$0x0] =	vst.idx.msk $0xffff, v33  }
0x84: {  	s24 =	simm.s32 $0x9;
	v57 =	vadd.s32 v4, v35;
	v33 =	vld [tilespmem:s22+$0x30]  }
0x85: {  	v58 =	vmov s24  }
0x86: {  	v35 =	vshrl.u32 v58, $0x3  }
0x87: {  	v35 =	vshll.u32 v35, v1  }
0x88: {  	v35 =	vbroadcast v35, $0x0  }
0x89: {  	[tilespmem:v57+s13+$0x0] =	vst.idx.msk $0xffff, v33  }
0x8a: {  	v59 =	vadd.s32 v5, v35;
	v33 =	vld [tilespmem:s22+$0x40];
	_ =	sdelay $0x4  }
0x8b: {  	[tilespmem:v59+s13+$0x0] =	vst.idx.msk $0xffff, v33  }
0x8c: {  	v60 =	vadd.s32 v6, v35;
	v33 =	vld [tilespmem:s22+$0x50];
	_ =	sdelay $0x4  }
0x8d: {  	[tilespmem:v60+s13+$0x0] =	vst.idx.msk $0xffff, v33  }
0x8e: {  	v61 =	vadd.s32 v7, v35;
	v33 =	vld [tilespmem:s22+$0x60];
	_ =	sdelay $0x4  }
0x8f: {  	[tilespmem:v61+s13+$0x0] =	vst.idx.msk $0xffff, v33  }
0x90: {  	s25 =	simm.s32 $0xA;
	v62 =	vadd.s32 v8, v35;
	v33 =	vld [tilespmem:s22+$0x70]  }
0x91: {  	v63 =	vmov s25  }
0x92: {  	v35 =	vshrl.u32 v63, $0x3  }
0x93: {  	v35 =	vshll.u32 v35, v1  }
0x94: {  	v35 =	vbroadcast v35, $0x0  }
0x95: {  	[tilespmem:v62+s13+$0x0] =	vst.idx.msk $0xffff, v33  }
0x96: {  	v36 =	vadd.s32 v9, v35;
	v33 =	vld [tilespmem:s22+$0x80];
	_ =	sdelay $0x4  }
0x97: {  	[tilespmem:v36+s13+$0x0] =	vst.idx.msk $0xffff, v33  }
0x98: {  	v37 =	vadd.s32 v10, v35;
	v33 =	vld [tilespmem:s22+$0x90];
	_ =	sdelay $0x4  }
0x99: {  	[tilespmem:v37+s13+$0x0] =	vst.idx.msk $0xffff, v33  }
0x9a: {  	v38 =	vadd.s32 v11, v35;
	v33 =	vld [tilespmem:s22+$0xA0];
	_ =	sdelay $0x4  }
0x9b: {  	[tilespmem:v38+s13+$0x0] =	vst.idx.msk $0xffff, v33  }
0x9c: {  	s26 =	simm.s32 $0xB;
	v39 =	vadd.s32 v12, v35;
	v33 =	vld [tilespmem:s22+$0xB0]  }
0x9d: {  	v40 =	vmov s26  }
0x9e: {  	v35 =	vshrl.u32 v40, $0x3  }
0x9f: {  	v35 =	vshll.u32 v35, v1  }
0xa0: {  	v35 =	vbroadcast v35, $0x0  }
0xa1: {  	[tilespmem:v39+s13+$0x0] =	vst.idx.msk $0xffff, v33  }
0xa2: {  	v41 =	vadd.s32 v13, v35;
	v33 =	vld [tilespmem:s22+$0xC0];
	_ =	sdelay $0x4  }
0xa3: {  	[tilespmem:v41+s13+$0x0] =	vst.idx.msk $0xffff, v33  }
0xa4: {  	v42 =	vadd.s32 v14, v35;
	v33 =	vld [tilespmem:s22+$0xD0];
	_ =	sdelay $0x4  }
0xa5: {  	[tilespmem:v42+s13+$0x0] =	vst.idx.msk $0xffff, v33  }
0xa6: {  	v43 =	vadd.s32 v15, v35;
	v33 =	vld [tilespmem:s22+$0xE0];
	_ =	sdelay $0x4  }
0xa7: {  	[tilespmem:v43+s13+$0x0] =	vst.idx.msk $0xffff, v33  }
0xa8: {  	s28 =	simm.s32 $0xC;
	v44 =	vadd.s32 v16, v35;
	v33 =	vld [tilespmem:s22+$0xF0]  }
0xa9: {  	v45 =	vmov s28  }
0xaa: {  	v35 =	vshrl.u32 v45, $0x3  }
0xab: {  	v35 =	vshll.u32 v35, v1  }
0xac: {  	v35 =	vbroadcast v35, $0x0  }
0xad: {  	[tilespmem:v44+s13+$0x0] =	vst.idx.msk $0xffff, v33  }
0xae: {  	v46 =	vadd.s32 v17, v35;
	v33 =	vld [tilespmem:s22+$0x100];
	_ =	sdelay $0x4  }
0xaf: {  	[tilespmem:v46+s13+$0x0] =	vst.idx.msk $0xffff, v33  }
0xb0: {  	v47 =	vadd.s32 v18, v35;
	v33 =	vld [tilespmem:s22+$0x110];
	_ =	sdelay $0x4  }
0xb1: {  	[tilespmem:v47+s13+$0x0] =	vst.idx.msk $0xffff, v33  }
0xb2: {  	v48 =	vadd.s32 v19, v35;
	v33 =	vld [tilespmem:s22+$0x120];
	_ =	sdelay $0x4  }
0xb3: {  	[tilespmem:v48+s13+$0x0] =	vst.idx.msk $0xffff, v33  }
0xb4: {  	s29 =	simm.s32 $0xD;
	v49 =	vadd.s32 v20, v35;
	v33 =	vld [tilespmem:s22+$0x130]  }
0xb5: {  	v50 =	vmov s29  }
0xb6: {  	v35 =	vshrl.u32 v50, $0x3  }
0xb7: {  	v35 =	vshll.u32 v35, v1  }
0xb8: {  	v35 =	vbroadcast v35, $0x0  }
0xb9: {  	[tilespmem:v49+s13+$0x0] =	vst.idx.msk $0xffff, v33  }
0xba: {  	v51 =	vadd.s32 v21, v35;
	v33 =	vld [tilespmem:s22+$0x140];
	_ =	sdelay $0x4  }
0xbb: {  	[tilespmem:v51+s13+$0x0] =	vst.idx.msk $0xffff, v33  }
0xbc: {  	v52 =	vadd.s32 v22, v35;
	v33 =	vld [tilespmem:s22+$0x150];
	_ =	sdelay $0x4  }
0xbd: {  	[tilespmem:v52+s13+$0x0] =	vst.idx.msk $0xffff, v33  }
0xbe: {  	v53 =	vadd.s32 v23, v35;
	v33 =	vld [tilespmem:s22+$0x160];
	_ =	sdelay $0x4  }
0xbf: {  	[tilespmem:v53+s13+$0x0] =	vst.idx.msk $0xffff, v33  }
0xc0: {  	s30 =	simm.s32 $0xE;
	v54 =	vadd.s32 v24, v35;
	v33 =	vld [tilespmem:s22+$0x170]  }
0xc1: {  	v55 =	vmov s30  }
0xc2: {  	v35 =	vshrl.u32 v55, $0x3  }
0xc3: {  	v35 =	vshll.u32 v35, v1  }
0xc4: {  	v35 =	vbroadcast v35, $0x0  }
0xc5: {  	[tilespmem:v54+s13+$0x0] =	vst.idx.msk $0xffff, v33  }
0xc6: {  	v56 =	vadd.s32 v25, v35;
	v33 =	vld [tilespmem:s22+$0x180];
	_ =	sdelay $0x4  }
0xc7: {  	[tilespmem:v56+s13+$0x0] =	vst.idx.msk $0xffff, v33  }
0xc8: {  	v57 =	vadd.s32 v26, v35;
	v33 =	vld [tilespmem:s22+$0x190];
	_ =	sdelay $0x4  }
0xc9: {  	[tilespmem:v57+s13+$0x0] =	vst.idx.msk $0xffff, v33  }
0xca: {  	v58 =	vadd.s32 v27, v35;
	v33 =	vld [tilespmem:s22+$0x1A0];
	_ =	sdelay $0x4  }
0xcb: {  	[tilespmem:v58+s13+$0x0] =	vst.idx.msk $0xffff, v33  }
0xcc: {  	s31 =	simm.s32 $0xF;
	v59 =	vadd.s32 v28, v35;
	v33 =	vld [tilespmem:s22+$0x1B0]  }
0xcd: {  	v60 =	vmov s31  }
0xce: {  	v35 =	vshrl.u32 v60, $0x3  }
0xcf: {  	v35 =	vshll.u32 v35, v1  }
0xd0: {  	v35 =	vbroadcast v35, $0x0  }
0xd1: {  	[tilespmem:v59+s13+$0x0] =	vst.idx.msk $0xffff, v33  }
0xd2: {  	v61 =	vadd.s32 v29, v35;
	v33 =	vld [tilespmem:s22+$0x1C0];
	_ =	sdelay $0x4  }
0xd3: {  	[tilespmem:v61+s13+$0x0] =	vst.idx.msk $0xffff, v33  }
0xd4: {  	v62 =	vadd.s32 v30, v35;
	v33 =	vld [tilespmem:s22+$0x1D0];
	_ =	sdelay $0x4  }
0xd5: {  	[tilespmem:v62+s13+$0x0] =	vst.idx.msk $0xffff, v33  }
0xd6: {  	v63 =	vadd.s32 v31, v35;
	v33 =	vld [tilespmem:s22+$0x1E0];
	_ =	sdelay $0x4  }
0xd7: {  	s21 =	sshll.u32 s19, $0x1;
	[tilespmem:v63+s13+$0x0] =	vst.idx.msk $0xffff, v33  }
0xd8: {  	s23 =	simm.s32 $0x1F;
	s24 =	simm.s32 $0x2F;
	s25 =	simm.s32 $0x10;
	v34 =	vadd.s32 v32, v35;
	v33 =	vld [tilespmem:s22+$0x1F0]  }
.LBB2_3:
0xd9: {  	p1 =	sne.s32 s24, $0x7F;
	v35 =	vmov s25  }
0xda: {  	v35 =	vshrl.u32 v35, $0x3  }
0xdb: {  	v35 =	vshll.u32 v35, v1  }
0xdc: {  	v35 =	vbroadcast v35, $0x0  }
0xdd: {  	s22 =	sadd.s32 $0x400, s22;
	[tilespmem:v34+s13+$0x0] =	vst.idx.msk $0xffff, v33  }
0xde: {  	v33 =	vld [tilespmem:s22+$0xFFFFFE00];
	v34 =	vadd.s32 v0, v35;
	_ =	sdelay $0x4  }
0xdf: {  	[tilespmem:v34+s13+$0x0] =	vst.idx.msk $0xffff, v33  }
0xe0: {  	v34 =	vadd.s32 v2, v35;
	v33 =	vld [tilespmem:s22+$0xFFFFFE10];
	_ =	sdelay $0x4  }
0xe1: {  	[tilespmem:v34+s13+$0x0] =	vst.idx.msk $0xffff, v33  }
0xe2: {  	v34 =	vadd.s32 v3, v35;
	v33 =	vld [tilespmem:s22+$0xFFFFFE20];
	_ =	sdelay $0x4  }
0xe3: {  	[tilespmem:v34+s13+$0x0] =	vst.idx.msk $0xffff, v33  }
0xe4: {  	s25 =	sadd.s32 $0xFFFFFFF2, s23;
	v34 =	vadd.s32 v4, v35;
	v33 =	vld [tilespmem:s22+$0xFFFFFE30]  }
0xe5: {  	v35 =	vmov s25  }
0xe6: {  	v35 =	vshrl.u32 v35, $0x3  }
0xe7: {  	v35 =	vshll.u32 v35, v1  }
0xe8: {  	v35 =	vbroadcast v35, $0x0  }
0xe9: {  	[tilespmem:v34+s13+$0x0] =	vst.idx.msk $0xffff, v33  }
0xea: {  	v34 =	vadd.s32 v5, v35;
	v33 =	vld [tilespmem:s22+$0xFFFFFE40];
	_ =	sdelay $0x4  }
0xeb: {  	[tilespmem:v34+s13+$0x0] =	vst.idx.msk $0xffff, v33  }
0xec: {  	v34 =	vadd.s32 v6, v35;
	v33 =	vld [tilespmem:s22+$0xFFFFFE50];
	_ =	sdelay $0x4  }
0xed: {  	[tilespmem:v34+s13+$0x0] =	vst.idx.msk $0xffff, v33  }
0xee: {  	v34 =	vadd.s32 v7, v35;
	v33 =	vld [tilespmem:s22+$0xFFFFFE60];
	_ =	sdelay $0x4  }
0xef: {  	[tilespmem:v34+s13+$0x0] =	vst.idx.msk $0xffff, v33  }
0xf0: {  	s25 =	sadd.s32 $0xFFFFFFF3, s23;
	v34 =	vadd.s32 v8, v35;
	v33 =	vld [tilespmem:s22+$0xFFFFFE70]  }
0xf1: {  	v35 =	vmov s25  }
0xf2: {  	v35 =	vshrl.u32 v35, $0x3  }
0xf3: {  	v35 =	vshll.u32 v35, v1  }
0xf4: {  	v35 =	vbroadcast v35, $0x0  }
0xf5: {  	[tilespmem:v34+s13+$0x0] =	vst.idx.msk $0xffff, v33  }
0xf6: {  	v34 =	vadd.s32 v9, v35;
	v33 =	vld [tilespmem:s22+$0xFFFFFE80];
	_ =	sdelay $0x4  }
0xf7: {  	[tilespmem:v34+s13+$0x0] =	vst.idx.msk $0xffff, v33  }
0xf8: {  	v34 =	vadd.s32 v10, v35;
	v33 =	vld [tilespmem:s22+$0xFFFFFE90];
	_ =	sdelay $0x4  }
0xf9: {  	[tilespmem:v34+s13+$0x0] =	vst.idx.msk $0xffff, v33  }
0xfa: {  	v34 =	vadd.s32 v11, v35;
	v33 =	vld [tilespmem:s22+$0xFFFFFEA0];
	_ =	sdelay $0x4  }
0xfb: {  	[tilespmem:v34+s13+$0x0] =	vst.idx.msk $0xffff, v33  }
0xfc: {  	s25 =	sadd.s32 $0xFFFFFFF4, s23;
	v34 =	vadd.s32 v12, v35;
	v33 =	vld [tilespmem:s22+$0xFFFFFEB0]  }
0xfd: {  	v35 =	vmov s25  }
0xfe: {  	v35 =	vshrl.u32 v35, $0x3  }
0xff: {  	v35 =	vshll.u32 v35, v1  }
0x100: {  	v35 =	vbroadcast v35, $0x0  }
0x101: {  	[tilespmem:v34+s13+$0x0] =	vst.idx.msk $0xffff, v33  }
0x102: {  	v34 =	vadd.s32 v13, v35;
	v33 =	vld [tilespmem:s22+$0xFFFFFEC0];
	_ =	sdelay $0x4  }
0x103: {  	[tilespmem:v34+s13+$0x0] =	vst.idx.msk $0xffff, v33  }
0x104: {  	v34 =	vadd.s32 v14, v35;
	v33 =	vld [tilespmem:s22+$0xFFFFFED0];
	_ =	sdelay $0x4  }
0x105: {  	[tilespmem:v34+s13+$0x0] =	vst.idx.msk $0xffff, v33  }
0x106: {  	v34 =	vadd.s32 v15, v35;
	v33 =	vld [tilespmem:s22+$0xFFFFFEE0];
	_ =	sdelay $0x4  }
0x107: {  	[tilespmem:v34+s13+$0x0] =	vst.idx.msk $0xffff, v33  }
0x108: {  	s25 =	sadd.s32 $0xFFFFFFF5, s23;
	v34 =	vadd.s32 v16, v35;
	v33 =	vld [tilespmem:s22+$0xFFFFFEF0]  }
0x109: {  	v35 =	vmov s25  }
0x10a: {  	v35 =	vshrl.u32 v35, $0x3  }
0x10b: {  	v35 =	vshll.u32 v35, v1  }
0x10c: {  	v35 =	vbroadcast v35, $0x0  }
0x10d: {  	[tilespmem:v34+s13+$0x0] =	vst.idx.msk $0xffff, v33  }
0x10e: {  	v34 =	vadd.s32 v17, v35;
	v33 =	vld [tilespmem:s22+$0xFFFFFF00];
	_ =	sdelay $0x4  }
0x10f: {  	[tilespmem:v34+s13+$0x0] =	vst.idx.msk $0xffff, v33  }
0x110: {  	v34 =	vadd.s32 v18, v35;
	v33 =	vld [tilespmem:s22+$0xFFFFFF10];
	_ =	sdelay $0x4  }
0x111: {  	[tilespmem:v34+s13+$0x0] =	vst.idx.msk $0xffff, v33  }
0x112: {  	v34 =	vadd.s32 v19, v35;
	v33 =	vld [tilespmem:s22+$0xFFFFFF20];
	_ =	sdelay $0x4  }
0x113: {  	[tilespmem:v34+s13+$0x0] =	vst.idx.msk $0xffff, v33  }
0x114: {  	s25 =	sadd.s32 $0xFFFFFFF6, s23;
	v34 =	vadd.s32 v20, v35;
	v33 =	vld [tilespmem:s22+$0xFFFFFF30]  }
0x115: {  	v35 =	vmov s25  }
0x116: {  	v35 =	vshrl.u32 v35, $0x3  }
0x117: {  	v35 =	vshll.u32 v35, v1  }
0x118: {  	v35 =	vbroadcast v35, $0x0  }
0x119: {  	[tilespmem:v34+s13+$0x0] =	vst.idx.msk $0xffff, v33  }
0x11a: {  	v34 =	vadd.s32 v21, v35;
	v33 =	vld [tilespmem:s22+$0xFFFFFF40];
	_ =	sdelay $0x4  }
0x11b: {  	[tilespmem:v34+s13+$0x0] =	vst.idx.msk $0xffff, v33  }
0x11c: {  	v34 =	vadd.s32 v22, v35;
	v33 =	vld [tilespmem:s22+$0xFFFFFF50];
	_ =	sdelay $0x4  }
0x11d: {  	[tilespmem:v34+s13+$0x0] =	vst.idx.msk $0xffff, v33  }
0x11e: {  	v34 =	vadd.s32 v23, v35;
	v33 =	vld [tilespmem:s22+$0xFFFFFF60];
	_ =	sdelay $0x4  }
0x11f: {  	[tilespmem:v34+s13+$0x0] =	vst.idx.msk $0xffff, v33  }
0x120: {  	s25 =	sadd.s32 $0xFFFFFFF7, s23;
	v34 =	vadd.s32 v24, v35;
	v33 =	vld [tilespmem:s22+$0xFFFFFF70]  }
0x121: {  	v35 =	vmov s25  }
0x122: {  	v35 =	vshrl.u32 v35, $0x3  }
0x123: {  	v35 =	vshll.u32 v35, v1  }
0x124: {  	v35 =	vbroadcast v35, $0x0  }
0x125: {  	[tilespmem:v34+s13+$0x0] =	vst.idx.msk $0xffff, v33  }
0x126: {  	v34 =	vadd.s32 v25, v35;
	v33 =	vld [tilespmem:s22+$0xFFFFFF80];
	_ =	sdelay $0x4  }
0x127: {  	[tilespmem:v34+s13+$0x0] =	vst.idx.msk $0xffff, v33  }
0x128: {  	v34 =	vadd.s32 v26, v35;
	v33 =	vld [tilespmem:s22+$0xFFFFFF90];
	_ =	sdelay $0x4  }
0x129: {  	[tilespmem:v34+s13+$0x0] =	vst.idx.msk $0xffff, v33  }
0x12a: {  	v34 =	vadd.s32 v27, v35;
	v33 =	vld [tilespmem:s22+$0xFFFFFFA0];
	_ =	sdelay $0x4  }
0x12b: {  	[tilespmem:v34+s13+$0x0] =	vst.idx.msk $0xffff, v33  }
0x12c: {  	s25 =	sadd.s32 $0xFFFFFFF8, s23;
	v34 =	vadd.s32 v28, v35;
	v33 =	vld [tilespmem:s22+$0xFFFFFFB0]  }
0x12d: {  	v35 =	vmov s25  }
0x12e: {  	v35 =	vshrl.u32 v35, $0x3  }
0x12f: {  	v35 =	vshll.u32 v35, v1  }
0x130: {  	v35 =	vbroadcast v35, $0x0  }
0x131: {  	[tilespmem:v34+s13+$0x0] =	vst.idx.msk $0xffff, v33  }
0x132: {  	v34 =	vadd.s32 v29, v35;
	v33 =	vld [tilespmem:s22+$0xFFFFFFC0];
	_ =	sdelay $0x4  }
0x133: {  	[tilespmem:v34+s13+$0x0] =	vst.idx.msk $0xffff, v33  }
0x134: {  	v34 =	vadd.s32 v30, v35;
	v33 =	vld [tilespmem:s22+$0xFFFFFFD0];
	_ =	sdelay $0x4  }
0x135: {  	[tilespmem:v34+s13+$0x0] =	vst.idx.msk $0xffff, v33  }
0x136: {  	v34 =	vadd.s32 v31, v35;
	v33 =	vld [tilespmem:s22+$0xFFFFFFE0];
	_ =	sdelay $0x4  }
0x137: {  	[tilespmem:v34+s13+$0x0] =	vst.idx.msk $0xffff, v33  }
0x138: {  	s25 =	sadd.s32 $0xFFFFFFF9, s23;
	v34 =	vadd.s32 v32, v35;
	v33 =	vld [tilespmem:s22+$0xFFFFFFF0]  }
0x139: {  	v35 =	vmov s25  }
0x13a: {  	v35 =	vshrl.u32 v35, $0x3  }
0x13b: {  	v35 =	vshll.u32 v35, v1  }
0x13c: {  	v35 =	vbroadcast v35, $0x0  }
0x13d: {  	[tilespmem:v34+s13+$0x0] =	vst.idx.msk $0xffff, v33  }
0x13e: {  	v34 =	vadd.s32 v0, v35;
	v33 =	vld [tilespmem:s22+$0x0];
	_ =	sdelay $0x4  }
0x13f: {  	[tilespmem:v34+s13+$0x0] =	vst.idx.msk $0xffff, v33  }
0x140: {  	v34 =	vadd.s32 v2, v35;
	v33 =	vld [tilespmem:s22+$0x10];
	_ =	sdelay $0x4  }
0x141: {  	[tilespmem:v34+s13+$0x0] =	vst.idx.msk $0xffff, v33  }
0x142: {  	v34 =	vadd.s32 v3, v35;
	v33 =	vld [tilespmem:s22+$0x20];
	_ =	sdelay $0x4  }
0x143: {  	[tilespmem:v34+s13+$0x0] =	vst.idx.msk $0xffff, v33  }
0x144: {  	s25 =	sadd.s32 $0xFFFFFFFA, s23;
	v34 =	vadd.s32 v4, v35;
	v33 =	vld [tilespmem:s22+$0x30]  }
0x145: {  	v35 =	vmov s25  }
0x146: {  	v35 =	vshrl.u32 v35, $0x3  }
0x147: {  	v35 =	vshll.u32 v35, v1  }
0x148: {  	v35 =	vbroadcast v35, $0x0  }
0x149: {  	[tilespmem:v34+s13+$0x0] =	vst.idx.msk $0xffff, v33  }
0x14a: {  	v34 =	vadd.s32 v5, v35;
	v33 =	vld [tilespmem:s22+$0x40];
	_ =	sdelay $0x4  }
0x14b: {  	[tilespmem:v34+s13+$0x0] =	vst.idx.msk $0xffff, v33  }
0x14c: {  	v34 =	vadd.s32 v6, v35;
	v33 =	vld [tilespmem:s22+$0x50];
	_ =	sdelay $0x4  }
0x14d: {  	[tilespmem:v34+s13+$0x0] =	vst.idx.msk $0xffff, v33  }
0x14e: {  	v34 =	vadd.s32 v7, v35;
	v33 =	vld [tilespmem:s22+$0x60];
	_ =	sdelay $0x4  }
0x14f: {  	[tilespmem:v34+s13+$0x0] =	vst.idx.msk $0xffff, v33  }
0x150: {  	s25 =	sadd.s32 $0xFFFFFFFB, s23;
	v34 =	vadd.s32 v8, v35;
	v33 =	vld [tilespmem:s22+$0x70]  }
0x151: {  	v35 =	vmov s25  }
0x152: {  	v35 =	vshrl.u32 v35, $0x3  }
0x153: {  	v35 =	vshll.u32 v35, v1  }
0x154: {  	v35 =	vbroadcast v35, $0x0  }
0x155: {  	[tilespmem:v34+s13+$0x0] =	vst.idx.msk $0xffff, v33  }
0x156: {  	v34 =	vadd.s32 v9, v35;
	v33 =	vld [tilespmem:s22+$0x80];
	_ =	sdelay $0x4  }
0x157: {  	[tilespmem:v34+s13+$0x0] =	vst.idx.msk $0xffff, v33  }
0x158: {  	v34 =	vadd.s32 v10, v35;
	v33 =	vld [tilespmem:s22+$0x90];
	_ =	sdelay $0x4  }
0x159: {  	[tilespmem:v34+s13+$0x0] =	vst.idx.msk $0xffff, v33  }
0x15a: {  	v34 =	vadd.s32 v11, v35;
	v33 =	vld [tilespmem:s22+$0xA0];
	_ =	sdelay $0x4  }
0x15b: {  	[tilespmem:v34+s13+$0x0] =	vst.idx.msk $0xffff, v33  }
0x15c: {  	s25 =	sadd.s32 $0xFFFFFFFC, s23;
	v34 =	vadd.s32 v12, v35;
	v33 =	vld [tilespmem:s22+$0xB0]  }
0x15d: {  	v35 =	vmov s25  }
0x15e: {  	v35 =	vshrl.u32 v35, $0x3  }
0x15f: {  	v35 =	vshll.u32 v35, v1  }
0x160: {  	v35 =	vbroadcast v35, $0x0  }
0x161: {  	[tilespmem:v34+s13+$0x0] =	vst.idx.msk $0xffff, v33  }
0x162: {  	v34 =	vadd.s32 v13, v35;
	v33 =	vld [tilespmem:s22+$0xC0];
	_ =	sdelay $0x4  }
0x163: {  	[tilespmem:v34+s13+$0x0] =	vst.idx.msk $0xffff, v33  }
0x164: {  	v34 =	vadd.s32 v14, v35;
	v33 =	vld [tilespmem:s22+$0xD0];
	_ =	sdelay $0x4  }
0x165: {  	[tilespmem:v34+s13+$0x0] =	vst.idx.msk $0xffff, v33  }
0x166: {  	v34 =	vadd.s32 v15, v35;
	v33 =	vld [tilespmem:s22+$0xE0];
	_ =	sdelay $0x4  }
0x167: {  	[tilespmem:v34+s13+$0x0] =	vst.idx.msk $0xffff, v33  }
0x168: {  	s25 =	sadd.s32 $0xFFFFFFFD, s23;
	v34 =	vadd.s32 v16, v35;
	v33 =	vld [tilespmem:s22+$0xF0]  }
0x169: {  	v35 =	vmov s25  }
0x16a: {  	v35 =	vshrl.u32 v35, $0x3  }
0x16b: {  	v35 =	vshll.u32 v35, v1  }
0x16c: {  	v35 =	vbroadcast v35, $0x0  }
0x16d: {  	[tilespmem:v34+s13+$0x0] =	vst.idx.msk $0xffff, v33  }
0x16e: {  	v34 =	vadd.s32 v17, v35;
	v33 =	vld [tilespmem:s22+$0x100];
	_ =	sdelay $0x4  }
0x16f: {  	[tilespmem:v34+s13+$0x0] =	vst.idx.msk $0xffff, v33  }
0x170: {  	v34 =	vadd.s32 v18, v35;
	v33 =	vld [tilespmem:s22+$0x110];
	_ =	sdelay $0x4  }
0x171: {  	[tilespmem:v34+s13+$0x0] =	vst.idx.msk $0xffff, v33  }
0x172: {  	v34 =	vadd.s32 v19, v35;
	v33 =	vld [tilespmem:s22+$0x120];
	_ =	sdelay $0x4  }
0x173: {  	[tilespmem:v34+s13+$0x0] =	vst.idx.msk $0xffff, v33  }
0x174: {  	s25 =	sadd.s32 $0xFFFFFFFE, s23;
	v34 =	vadd.s32 v20, v35;
	v33 =	vld [tilespmem:s22+$0x130]  }
0x175: {  	v35 =	vmov s25  }
0x176: {  	v35 =	vshrl.u32 v35, $0x3  }
0x177: {  	v35 =	vshll.u32 v35, v1  }
0x178: {  	v35 =	vbroadcast v35, $0x0  }
0x179: {  	[tilespmem:v34+s13+$0x0] =	vst.idx.msk $0xffff, v33  }
0x17a: {  	v34 =	vadd.s32 v21, v35;
	v33 =	vld [tilespmem:s22+$0x140];
	_ =	sdelay $0x4  }
0x17b: {  	[tilespmem:v34+s13+$0x0] =	vst.idx.msk $0xffff, v33  }
0x17c: {  	v34 =	vadd.s32 v22, v35;
	v33 =	vld [tilespmem:s22+$0x150];
	_ =	sdelay $0x4  }
0x17d: {  	[tilespmem:v34+s13+$0x0] =	vst.idx.msk $0xffff, v33  }
0x17e: {  	v34 =	vadd.s32 v23, v35;
	v33 =	vld [tilespmem:s22+$0x160];
	_ =	sdelay $0x4  }
0x17f: {  	[tilespmem:v34+s13+$0x0] =	vst.idx.msk $0xffff, v33  }
0x180: {  	s25 =	sadd.s32 $0xFFFFFFFF, s23;
	v34 =	vadd.s32 v24, v35;
	v33 =	vld [tilespmem:s22+$0x170]  }
0x181: {  	v35 =	vmov s25  }
0x182: {  	v35 =	vshrl.u32 v35, $0x3  }
0x183: {  	v35 =	vshll.u32 v35, v1  }
0x184: {  	v35 =	vbroadcast v35, $0x0  }
0x185: {  	[tilespmem:v34+s13+$0x0] =	vst.idx.msk $0xffff, v33  }
0x186: {  	v34 =	vadd.s32 v25, v35;
	v33 =	vld [tilespmem:s22+$0x180];
	_ =	sdelay $0x4  }
0x187: {  	[tilespmem:v34+s13+$0x0] =	vst.idx.msk $0xffff, v33  }
0x188: {  	v34 =	vadd.s32 v26, v35;
	v33 =	vld [tilespmem:s22+$0x190];
	_ =	sdelay $0x4  }
0x189: {  	[tilespmem:v34+s13+$0x0] =	vst.idx.msk $0xffff, v33  }
0x18a: {  	v34 =	vadd.s32 v27, v35;
	v33 =	vld [tilespmem:s22+$0x1A0];
	_ =	sdelay $0x4  }
0x18b: {  	[tilespmem:v34+s13+$0x0] =	vst.idx.msk $0xffff, v33  }
0x18c: {  	v34 =	vadd.s32 v28, v35;
	v33 =	vld [tilespmem:s22+$0x1B0]  }
0x18d: {  	v35 =	vmov s23;
	s23 =	smov.u32 s24  }
0x18e: {  	v35 =	vshrl.u32 v35, $0x3  }
0x18f: {  	v35 =	vshll.u32 v35, v1  }
0x190: {  	v35 =	vbroadcast v35, $0x0  }
0x191: {  	[tilespmem:v34+s13+$0x0] =	vst.idx.msk $0xffff, v33  }
0x192: {  	v34 =	vadd.s32 v29, v35;
	v33 =	vld [tilespmem:s22+$0x1C0];
	_ =	sdelay $0x4  }
0x193: {  	[tilespmem:v34+s13+$0x0] =	vst.idx.msk $0xffff, v33  }
0x194: {  	v34 =	vadd.s32 v30, v35;
	v33 =	vld [tilespmem:s22+$0x1D0];
	_ =	sdelay $0x4  }
0x195: {  	[tilespmem:v34+s13+$0x0] =	vst.idx.msk $0xffff, v33  }
0x196: {  	v34 =	vadd.s32 v31, v35;
	v33 =	vld [tilespmem:s22+$0x1E0];
	_ =	sdelay $0x1  }
.Ltmp0:
0x197: {  	(pc) =	sbr.rel @p1 .LBB2_3-.Ltmp0, $3  }
0x198: {  	_ =	sdelay $0x1  }
0x199: {  	[tilespmem:v34+s13+$0x0] =	vst.idx.msk $0xffff, v33  }
0x19a: {  	s24 =	sadd.s32 $0x10, s24;
	s25 =	sadd.s32 $0xFFFFFFF1, s23;
	v34 =	vadd.s32 v32, v35;
	v33 =	vld [tilespmem:s22+$0x1F0]  }
0x19b: {  	v35 =	vmov s25  }
0x19c: {  	v35 =	vshrl.u32 v35, $0x3  }
0x19d: {  	v35 =	vshll.u32 v35, v1  }
0x19e: {  	v35 =	vbroadcast v35, $0x0  }
0x19f: {  	s22 =	sadd.s32 $0x400, s22;
	[tilespmem:v34+s13+$0x0] =	vst.idx.msk $0xffff, v33  }
0x1a0: {  	v33 =	vld [tilespmem:s22+$0xFFFFFE00];
	v41 =	vadd.s32 v0, v35;
	_ =	sdelay $0x4  }
0x1a1: {  	[tilespmem:v41+s13+$0x0] =	vst.idx.msk $0xffff, v33  }
0x1a2: {  	v42 =	vadd.s32 v2, v35;
	v33 =	vld [tilespmem:s22+$0xFFFFFE10];
	_ =	sdelay $0x4  }
0x1a3: {  	[tilespmem:v42+s13+$0x0] =	vst.idx.msk $0xffff, v33  }
0x1a4: {  	v43 =	vadd.s32 v3, v35;
	v33 =	vld [tilespmem:s22+$0xFFFFFE20];
	_ =	sdelay $0x4  }
0x1a5: {  	[tilespmem:v43+s13+$0x0] =	vst.idx.msk $0xffff, v33  }
0x1a6: {  	s24 =	sadd.s32 $0xFFFFFFF2, s23;
	v44 =	vadd.s32 v4, v35;
	v33 =	vld [tilespmem:s22+$0xFFFFFE30]  }
0x1a7: {  	v45 =	vmov s24  }
0x1a8: {  	v35 =	vshrl.u32 v45, $0x3  }
0x1a9: {  	v35 =	vshll.u32 v35, v1  }
0x1aa: {  	v35 =	vbroadcast v35, $0x0  }
0x1ab: {  	[tilespmem:v44+s13+$0x0] =	vst.idx.msk $0xffff, v33  }
0x1ac: {  	v46 =	vadd.s32 v5, v35;
	v33 =	vld [tilespmem:s22+$0xFFFFFE40];
	_ =	sdelay $0x4  }
0x1ad: {  	[tilespmem:v46+s13+$0x0] =	vst.idx.msk $0xffff, v33  }
0x1ae: {  	v47 =	vadd.s32 v6, v35;
	v33 =	vld [tilespmem:s22+$0xFFFFFE50];
	_ =	sdelay $0x4  }
0x1af: {  	[tilespmem:v47+s13+$0x0] =	vst.idx.msk $0xffff, v33  }
0x1b0: {  	v48 =	vadd.s32 v7, v35;
	v33 =	vld [tilespmem:s22+$0xFFFFFE60];
	_ =	sdelay $0x4  }
0x1b1: {  	[tilespmem:v48+s13+$0x0] =	vst.idx.msk $0xffff, v33  }
0x1b2: {  	s31 =	sadd.s32 $0xFFFFFFF3, s23;
	v49 =	vadd.s32 v8, v35;
	v33 =	vld [tilespmem:s22+$0xFFFFFE70]  }
0x1b3: {  	v50 =	vmov s31  }
0x1b4: {  	v35 =	vshrl.u32 v50, $0x3  }
0x1b5: {  	v35 =	vshll.u32 v35, v1  }
0x1b6: {  	v35 =	vbroadcast v35, $0x0  }
0x1b7: {  	[tilespmem:v49+s13+$0x0] =	vst.idx.msk $0xffff, v33  }
0x1b8: {  	v51 =	vadd.s32 v9, v35;
	v33 =	vld [tilespmem:s22+$0xFFFFFE80];
	_ =	sdelay $0x4  }
0x1b9: {  	[tilespmem:v51+s13+$0x0] =	vst.idx.msk $0xffff, v33  }
0x1ba: {  	v52 =	vadd.s32 v10, v35;
	v33 =	vld [tilespmem:s22+$0xFFFFFE90];
	_ =	sdelay $0x4  }
0x1bb: {  	[tilespmem:v52+s13+$0x0] =	vst.idx.msk $0xffff, v33  }
0x1bc: {  	v53 =	vadd.s32 v11, v35;
	v33 =	vld [tilespmem:s22+$0xFFFFFEA0];
	_ =	sdelay $0x4  }
0x1bd: {  	[tilespmem:v53+s13+$0x0] =	vst.idx.msk $0xffff, v33  }
0x1be: {  	s25 =	sadd.s32 $0xFFFFFFF4, s23;
	v54 =	vadd.s32 v12, v35;
	v33 =	vld [tilespmem:s22+$0xFFFFFEB0]  }
0x1bf: {  	v55 =	vmov s25  }
0x1c0: {  	v35 =	vshrl.u32 v55, $0x3  }
0x1c1: {  	v35 =	vshll.u32 v35, v1  }
0x1c2: {  	v35 =	vbroadcast v35, $0x0  }
0x1c3: {  	[tilespmem:v54+s13+$0x0] =	vst.idx.msk $0xffff, v33  }
0x1c4: {  	v56 =	vadd.s32 v13, v35;
	v33 =	vld [tilespmem:s22+$0xFFFFFEC0];
	_ =	sdelay $0x4  }
0x1c5: {  	[tilespmem:v56+s13+$0x0] =	vst.idx.msk $0xffff, v33  }
0x1c6: {  	v57 =	vadd.s32 v14, v35;
	v33 =	vld [tilespmem:s22+$0xFFFFFED0];
	_ =	sdelay $0x4  }
0x1c7: {  	[tilespmem:v57+s13+$0x0] =	vst.idx.msk $0xffff, v33  }
0x1c8: {  	v58 =	vadd.s32 v15, v35;
	v33 =	vld [tilespmem:s22+$0xFFFFFEE0];
	_ =	sdelay $0x4  }
0x1c9: {  	[tilespmem:v58+s13+$0x0] =	vst.idx.msk $0xffff, v33  }
0x1ca: {  	s26 =	sadd.s32 $0xFFFFFFF5, s23;
	v59 =	vadd.s32 v16, v35;
	v33 =	vld [tilespmem:s22+$0xFFFFFEF0]  }
0x1cb: {  	v60 =	vmov s26  }
0x1cc: {  	v35 =	vshrl.u32 v60, $0x3  }
0x1cd: {  	v35 =	vshll.u32 v35, v1  }
0x1ce: {  	v35 =	vbroadcast v35, $0x0  }
0x1cf: {  	[tilespmem:v59+s13+$0x0] =	vst.idx.msk $0xffff, v33  }
0x1d0: {  	v61 =	vadd.s32 v17, v35;
	v33 =	vld [tilespmem:s22+$0xFFFFFF00];
	_ =	sdelay $0x4  }
0x1d1: {  	[tilespmem:v61+s13+$0x0] =	vst.idx.msk $0xffff, v33  }
0x1d2: {  	v62 =	vadd.s32 v18, v35;
	v33 =	vld [tilespmem:s22+$0xFFFFFF10];
	_ =	sdelay $0x4  }
0x1d3: {  	[tilespmem:v62+s13+$0x0] =	vst.idx.msk $0xffff, v33  }
0x1d4: {  	v63 =	vadd.s32 v19, v35;
	v33 =	vld [tilespmem:s22+$0xFFFFFF20];
	_ =	sdelay $0x4  }
0x1d5: {  	[tilespmem:v63+s13+$0x0] =	vst.idx.msk $0xffff, v33  }
0x1d6: {  	s28 =	sadd.s32 $0xFFFFFFF6, s23;
	v36 =	vadd.s32 v20, v35;
	v33 =	vld [tilespmem:s22+$0xFFFFFF30]  }
0x1d7: {  	v37 =	vmov s28  }
0x1d8: {  	v35 =	vshrl.u32 v37, $0x3  }
0x1d9: {  	v35 =	vshll.u32 v35, v1  }
0x1da: {  	v35 =	vbroadcast v35, $0x0  }
0x1db: {  	[tilespmem:v36+s13+$0x0] =	vst.idx.msk $0xffff, v33  }
0x1dc: {  	v38 =	vadd.s32 v21, v35;
	v33 =	vld [tilespmem:s22+$0xFFFFFF40];
	_ =	sdelay $0x4  }
0x1dd: {  	[tilespmem:v38+s13+$0x0] =	vst.idx.msk $0xffff, v33  }
0x1de: {  	v39 =	vadd.s32 v22, v35;
	v33 =	vld [tilespmem:s22+$0xFFFFFF50];
	_ =	sdelay $0x4  }
0x1df: {  	[tilespmem:v39+s13+$0x0] =	vst.idx.msk $0xffff, v33  }
0x1e0: {  	v40 =	vadd.s32 v23, v35;
	v33 =	vld [tilespmem:s22+$0xFFFFFF60];
	_ =	sdelay $0x4  }
0x1e1: {  	[tilespmem:v40+s13+$0x0] =	vst.idx.msk $0xffff, v33  }
0x1e2: {  	s29 =	sadd.s32 $0xFFFFFFF7, s23;
	v41 =	vadd.s32 v24, v35;
	v33 =	vld [tilespmem:s22+$0xFFFFFF70]  }
0x1e3: {  	v42 =	vmov s29  }
0x1e4: {  	v35 =	vshrl.u32 v42, $0x3  }
0x1e5: {  	v35 =	vshll.u32 v35, v1  }
0x1e6: {  	v35 =	vbroadcast v35, $0x0  }
0x1e7: {  	[tilespmem:v41+s13+$0x0] =	vst.idx.msk $0xffff, v33  }
0x1e8: {  	v43 =	vadd.s32 v25, v35;
	v33 =	vld [tilespmem:s22+$0xFFFFFF80];
	_ =	sdelay $0x4  }
0x1e9: {  	[tilespmem:v43+s13+$0x0] =	vst.idx.msk $0xffff, v33  }
0x1ea: {  	v44 =	vadd.s32 v26, v35;
	v33 =	vld [tilespmem:s22+$0xFFFFFF90];
	_ =	sdelay $0x4  }
0x1eb: {  	[tilespmem:v44+s13+$0x0] =	vst.idx.msk $0xffff, v33  }
0x1ec: {  	v45 =	vadd.s32 v27, v35;
	v33 =	vld [tilespmem:s22+$0xFFFFFFA0];
	_ =	sdelay $0x4  }
0x1ed: {  	[tilespmem:v45+s13+$0x0] =	vst.idx.msk $0xffff, v33  }
0x1ee: {  	s30 =	sadd.s32 $0xFFFFFFF8, s23;
	v46 =	vadd.s32 v28, v35;
	v33 =	vld [tilespmem:s22+$0xFFFFFFB0]  }
0x1ef: {  	v47 =	vmov s30  }
0x1f0: {  	v35 =	vshrl.u32 v47, $0x3  }
0x1f1: {  	v35 =	vshll.u32 v35, v1  }
0x1f2: {  	v35 =	vbroadcast v35, $0x0  }
0x1f3: {  	[tilespmem:v46+s13+$0x0] =	vst.idx.msk $0xffff, v33  }
0x1f4: {  	v48 =	vadd.s32 v29, v35;
	v33 =	vld [tilespmem:s22+$0xFFFFFFC0];
	_ =	sdelay $0x4  }
0x1f5: {  	[tilespmem:v48+s13+$0x0] =	vst.idx.msk $0xffff, v33  }
0x1f6: {  	v49 =	vadd.s32 v30, v35;
	v33 =	vld [tilespmem:s22+$0xFFFFFFD0];
	_ =	sdelay $0x4  }
0x1f7: {  	[tilespmem:v49+s13+$0x0] =	vst.idx.msk $0xffff, v33  }
0x1f8: {  	v50 =	vadd.s32 v31, v35;
	v33 =	vld [tilespmem:s22+$0xFFFFFFE0];
	_ =	sdelay $0x4  }
0x1f9: {  	[tilespmem:v50+s13+$0x0] =	vst.idx.msk $0xffff, v33  }
0x1fa: {  	s31 =	sadd.s32 $0xFFFFFFF9, s23;
	v51 =	vadd.s32 v32, v35;
	v33 =	vld [tilespmem:s22+$0xFFFFFFF0]  }
0x1fb: {  	v52 =	vmov s31  }
0x1fc: {  	v35 =	vshrl.u32 v52, $0x3  }
0x1fd: {  	v35 =	vshll.u32 v35, v1  }
0x1fe: {  	v35 =	vbroadcast v35, $0x0  }
0x1ff: {  	[tilespmem:v51+s13+$0x0] =	vst.idx.msk $0xffff, v33  }
0x200: {  	v53 =	vadd.s32 v0, v35;
	v33 =	vld [tilespmem:s22+$0x0];
	_ =	sdelay $0x4  }
0x201: {  	[tilespmem:v53+s13+$0x0] =	vst.idx.msk $0xffff, v33  }
0x202: {  	v54 =	vadd.s32 v2, v35;
	v33 =	vld [tilespmem:s22+$0x10];
	_ =	sdelay $0x4  }
0x203: {  	[tilespmem:v54+s13+$0x0] =	vst.idx.msk $0xffff, v33  }
0x204: {  	v55 =	vadd.s32 v3, v35;
	v33 =	vld [tilespmem:s22+$0x20];
	_ =	sdelay $0x4  }
0x205: {  	[tilespmem:v55+s13+$0x0] =	vst.idx.msk $0xffff, v33  }
0x206: {  	s25 =	sadd.s32 $0xFFFFFFFA, s23;
	v56 =	vadd.s32 v4, v35;
	v33 =	vld [tilespmem:s22+$0x30]  }
0x207: {  	v57 =	vmov s25  }
0x208: {  	v35 =	vshrl.u32 v57, $0x3  }
0x209: {  	v35 =	vshll.u32 v35, v1  }
0x20a: {  	v35 =	vbroadcast v35, $0x0  }
0x20b: {  	[tilespmem:v56+s13+$0x0] =	vst.idx.msk $0xffff, v33  }
0x20c: {  	v58 =	vadd.s32 v5, v35;
	v33 =	vld [tilespmem:s22+$0x40];
	_ =	sdelay $0x4  }
0x20d: {  	[tilespmem:v58+s13+$0x0] =	vst.idx.msk $0xffff, v33  }
0x20e: {  	v59 =	vadd.s32 v6, v35;
	v33 =	vld [tilespmem:s22+$0x50];
	_ =	sdelay $0x4  }
0x20f: {  	[tilespmem:v59+s13+$0x0] =	vst.idx.msk $0xffff, v33  }
0x210: {  	v60 =	vadd.s32 v7, v35;
	v33 =	vld [tilespmem:s22+$0x60];
	_ =	sdelay $0x4  }
0x211: {  	[tilespmem:v60+s13+$0x0] =	vst.idx.msk $0xffff, v33  }
0x212: {  	s26 =	sadd.s32 $0xFFFFFFFB, s23;
	v61 =	vadd.s32 v8, v35;
	v33 =	vld [tilespmem:s22+$0x70]  }
0x213: {  	v62 =	vmov s26  }
0x214: {  	v35 =	vshrl.u32 v62, $0x3  }
0x215: {  	v35 =	vshll.u32 v35, v1  }
0x216: {  	v35 =	vbroadcast v35, $0x0  }
0x217: {  	[tilespmem:v61+s13+$0x0] =	vst.idx.msk $0xffff, v33  }
0x218: {  	v63 =	vadd.s32 v9, v35;
	v33 =	vld [tilespmem:s22+$0x80];
	_ =	sdelay $0x4  }
0x219: {  	[tilespmem:v63+s13+$0x0] =	vst.idx.msk $0xffff, v33  }
0x21a: {  	v36 =	vadd.s32 v10, v35;
	v33 =	vld [tilespmem:s22+$0x90];
	_ =	sdelay $0x4  }
0x21b: {  	[tilespmem:v36+s13+$0x0] =	vst.idx.msk $0xffff, v33  }
0x21c: {  	v37 =	vadd.s32 v11, v35;
	v33 =	vld [tilespmem:s22+$0xA0];
	_ =	sdelay $0x4  }
0x21d: {  	[tilespmem:v37+s13+$0x0] =	vst.idx.msk $0xffff, v33  }
0x21e: {  	s28 =	sadd.s32 $0xFFFFFFFC, s23;
	v38 =	vadd.s32 v12, v35;
	v33 =	vld [tilespmem:s22+$0xB0]  }
0x21f: {  	v39 =	vmov s28  }
0x220: {  	v35 =	vshrl.u32 v39, $0x3  }
0x221: {  	v35 =	vshll.u32 v35, v1  }
0x222: {  	v35 =	vbroadcast v35, $0x0  }
0x223: {  	[tilespmem:v38+s13+$0x0] =	vst.idx.msk $0xffff, v33  }
0x224: {  	v40 =	vadd.s32 v13, v35;
	v33 =	vld [tilespmem:s22+$0xC0];
	_ =	sdelay $0x4  }
0x225: {  	[tilespmem:v40+s13+$0x0] =	vst.idx.msk $0xffff, v33  }
0x226: {  	v41 =	vadd.s32 v14, v35;
	v33 =	vld [tilespmem:s22+$0xD0];
	_ =	sdelay $0x4  }
0x227: {  	[tilespmem:v41+s13+$0x0] =	vst.idx.msk $0xffff, v33  }
0x228: {  	v42 =	vadd.s32 v15, v35;
	v33 =	vld [tilespmem:s22+$0xE0];
	_ =	sdelay $0x4  }
0x229: {  	[tilespmem:v42+s13+$0x0] =	vst.idx.msk $0xffff, v33  }
0x22a: {  	s29 =	sadd.s32 $0xFFFFFFFD, s23;
	v43 =	vadd.s32 v16, v35;
	v33 =	vld [tilespmem:s22+$0xF0]  }
0x22b: {  	v44 =	vmov s29  }
0x22c: {  	v35 =	vshrl.u32 v44, $0x3  }
0x22d: {  	v35 =	vshll.u32 v35, v1  }
0x22e: {  	v35 =	vbroadcast v35, $0x0  }
0x22f: {  	[tilespmem:v43+s13+$0x0] =	vst.idx.msk $0xffff, v33  }
0x230: {  	v45 =	vadd.s32 v17, v35;
	v33 =	vld [tilespmem:s22+$0x100];
	_ =	sdelay $0x4  }
0x231: {  	[tilespmem:v45+s13+$0x0] =	vst.idx.msk $0xffff, v33  }
0x232: {  	v46 =	vadd.s32 v18, v35;
	v33 =	vld [tilespmem:s22+$0x110];
	_ =	sdelay $0x4  }
0x233: {  	[tilespmem:v46+s13+$0x0] =	vst.idx.msk $0xffff, v33  }
0x234: {  	v47 =	vadd.s32 v19, v35;
	v33 =	vld [tilespmem:s22+$0x120];
	_ =	sdelay $0x4  }
0x235: {  	[tilespmem:v47+s13+$0x0] =	vst.idx.msk $0xffff, v33  }
0x236: {  	s30 =	sadd.s32 $0xFFFFFFFE, s23;
	v48 =	vadd.s32 v20, v35;
	v33 =	vld [tilespmem:s22+$0x130]  }
0x237: {  	v49 =	vmov s30  }
0x238: {  	v35 =	vshrl.u32 v49, $0x3  }
0x239: {  	v35 =	vshll.u32 v35, v1  }
0x23a: {  	v35 =	vbroadcast v35, $0x0  }
0x23b: {  	[tilespmem:v48+s13+$0x0] =	vst.idx.msk $0xffff, v33  }
0x23c: {  	v50 =	vadd.s32 v21, v35;
	v33 =	vld [tilespmem:s22+$0x140];
	_ =	sdelay $0x4  }
0x23d: {  	[tilespmem:v50+s13+$0x0] =	vst.idx.msk $0xffff, v33  }
0x23e: {  	v51 =	vadd.s32 v22, v35;
	v33 =	vld [tilespmem:s22+$0x150];
	_ =	sdelay $0x4  }
0x23f: {  	[tilespmem:v51+s13+$0x0] =	vst.idx.msk $0xffff, v33  }
0x240: {  	v52 =	vadd.s32 v23, v35;
	v33 =	vld [tilespmem:s22+$0x160];
	_ =	sdelay $0x4  }
0x241: {  	[tilespmem:v52+s13+$0x0] =	vst.idx.msk $0xffff, v33  }
0x242: {  	s31 =	sadd.s32 $0xFFFFFFFF, s23;
	v53 =	vadd.s32 v24, v35;
	v33 =	vld [tilespmem:s22+$0x170]  }
0x243: {  	v54 =	vmov s31  }
0x244: {  	v35 =	vshrl.u32 v54, $0x3  }
0x245: {  	v35 =	vshll.u32 v35, v1  }
0x246: {  	v35 =	vbroadcast v35, $0x0  }
0x247: {  	[tilespmem:v53+s13+$0x0] =	vst.idx.msk $0xffff, v33  }
0x248: {  	v55 =	vadd.s32 v25, v35;
	v33 =	vld [tilespmem:s22+$0x180];
	_ =	sdelay $0x4  }
0x249: {  	[tilespmem:v55+s13+$0x0] =	vst.idx.msk $0xffff, v33  }
0x24a: {  	v56 =	vadd.s32 v26, v35;
	v33 =	vld [tilespmem:s22+$0x190];
	_ =	sdelay $0x4  }
0x24b: {  	[tilespmem:v56+s13+$0x0] =	vst.idx.msk $0xffff, v33  }
0x24c: {  	v57 =	vadd.s32 v27, v35;
	v33 =	vld [tilespmem:s22+$0x1A0];
	_ =	sdelay $0x4  }
0x24d: {  	[tilespmem:v57+s13+$0x0] =	vst.idx.msk $0xffff, v33  }
0x24e: {  	v58 =	vadd.s32 v28, v35;
	v33 =	vld [tilespmem:s22+$0x1B0]  }
0x24f: {  	v59 =	vmov s23  }
0x250: {  	v35 =	vshrl.u32 v59, $0x3  }
0x251: {  	v35 =	vshll.u32 v35, v1  }
0x252: {  	v35 =	vbroadcast v35, $0x0  }
0x253: {  	[tilespmem:v58+s13+$0x0] =	vst.idx.msk $0xffff, v33  }
0x254: {  	v60 =	vadd.s32 v29, v35;
	v33 =	vld [tilespmem:s22+$0x1C0];
	_ =	sdelay $0x4  }
0x255: {  	[tilespmem:v60+s13+$0x0] =	vst.idx.msk $0xffff, v33  }
0x256: {  	v61 =	vadd.s32 v30, v35;
	v33 =	vld [tilespmem:s22+$0x1D0];
	_ =	sdelay $0x4  }
0x257: {  	[tilespmem:v61+s13+$0x0] =	vst.idx.msk $0xffff, v33  }
0x258: {  	v62 =	vadd.s32 v31, v35;
	v33 =	vld [tilespmem:s22+$0x1E0];
	_ =	sdelay $0x4  }
0x259: {  	[tilespmem:v62+s13+$0x0] =	vst.idx.msk $0xffff, v33  }
0x25a: {  	v63 =	vadd.s32 v32, v35;
	v33 =	vld [tilespmem:s22+$0x1F0]  }
0x25b: {  	s21 =	sadd.s32 s6, s21  }
0x25c: {  	s25 =	sshll.u32 s21, $0x7  }
0x25d: {  	s21 =	sshll.u32 s21, $0xA;
	s22 =	sand.u32 $0xF00, s25  }
0x25e: {  	s21 =	sand.u32 $0xFFF8000, s21;
	s22 =	sadd.s32 s2, s22  }
0x25f: {  	s26 =	simm.s32 $0xA400;
	s22 =	sadd.s32 s21, s22;
	[tilespmem:v63+s13+$0x0] =	vst.idx.msk $0xffff, v33  }
0x260: {  	[hbm4b:s22+s3] =	stream.linear.scatter [tilespmem:s26], [sflag:$0x3], $0x80, $0x38;
	[tilespmem:$0xE800] =	vst v63  }
0x261: {  	s28 =	simm.s32 $0xA488;
	s29 =	sadd.s32 $0x10, s22  }
0x262: {  	[hbm4b:s29+s3] =	stream.linear.scatter [tilespmem:s28], [sflag:$0x3], $0x80, $0x38;
	[tilespmem:$0xE800] =	vst v63  }
0x263: {  	s30 =	simm.s32 $0xA510;
	s23 =	simm.s32 $0xA598;
	s31 =	sadd.s32 $0x20, s22  }
0x264: {  	[hbm4b:s31+s3] =	stream.linear.scatter [tilespmem:s30], [sflag:$0x3], $0x80, $0x38;
	[tilespmem:$0xE800] =	vst v63  }
0x265: {  	s25 =	simm.s32 $0xA620;
	s21 =	simm.s32 $0x440;
	s24 =	sadd.s32 $0x30, s22  }
0x266: {  	[hbm4b:s24+s3] =	stream.linear.scatter [tilespmem:s23], [sflag:$0x3], $0x80, $0x38;
	[tilespmem:$0xE800] =	vst v63  }
0x267: {  	s26 =	sadd.s32 $0x40, s22;
	s28 =	simm.s32 $0xA6A8;
	s29 =	sadd.s32 $0x50, s22  }
0x268: {  	[hbm4b:s26+s3] =	stream.linear.scatter [tilespmem:s25], [sflag:$0x3], $0x80, $0x38;
	[tilespmem:$0xE800] =	vst v63  }
0x269: {  	s30 =	simm.s32 $0xA730;
	s31 =	sadd.s32 $0x60, s22;
	s23 =	simm.s32 $0x2200  }
0x26a: {  	[hbm4b:s29+s3] =	stream.linear.scatter [tilespmem:s28], [sflag:$0x3], $0x80, $0x38;
	[tilespmem:$0xE800] =	vst v63  }
0x26b: {  	s24 =	simm.s32 $0xA7B8;
	s25 =	sadd.s32 $0x70, s22;
	s22 =	sadd.s32 $0x1000, s22  }
0x26c: {  	[hbm4b:s31+s3] =	stream.linear.scatter [tilespmem:s30], [sflag:$0x3], $0x80, $0x38;
	[tilespmem:$0xE800] =	vst v63  }
.LBB2_5:
0x26d: {  	[hbm4b:s25+s3] =	stream.linear.scatter [tilespmem:s24], [sflag:$0x3], $0x80, $0x38;
	[tilespmem:$0xE800] =	vst v63  }
0x26e: {  	s24 =	smov.u32 s21;
	s21 =	smov.u32 s23  }
0x26f: {  	s26 =	sadd.s32 $0x1100, s23;
	s21 =	sshra.s32 s21, $0x2;
	s25 =	sadd.s32 $0xA400, s24  }
0x270: {  	[hbm4b:s22+s3] =	stream.linear.scatter [tilespmem:s25], [sflag:$0x3], $0x80, $0x38;
	[tilespmem:$0xE800] =	vst v63  }
0x271: {  	p1 =	sne.s32 s23, $0x7700;
	s23 =	sadd.s32 $0xA488, s24;
	s25 =	sadd.s32 $0x10, s22  }
0x272: {  	[hbm4b:s25+s3] =	stream.linear.scatter [tilespmem:s23], [sflag:$0x3], $0x80, $0x38;
	[tilespmem:$0xE800] =	vst v63  }
0x273: {  	s23 =	sadd.s32 $0xA510, s24;
	s25 =	sadd.s32 $0x20, s22  }
0x274: {  	[hbm4b:s25+s3] =	stream.linear.scatter [tilespmem:s23], [sflag:$0x3], $0x80, $0x38;
	[tilespmem:$0xE800] =	vst v63  }
0x275: {  	s23 =	sadd.s32 $0xA598, s24;
	s25 =	sadd.s32 $0x30, s22  }
0x276: {  	[hbm4b:s25+s3] =	stream.linear.scatter [tilespmem:s23], [sflag:$0x3], $0x80, $0x38;
	[tilespmem:$0xE800] =	vst v63  }
0x277: {  	s23 =	sadd.s32 $0xA620, s24;
	s25 =	sadd.s32 $0x40, s22  }
0x278: {  	[hbm4b:s25+s3] =	stream.linear.scatter [tilespmem:s23], [sflag:$0x3], $0x80, $0x38;
	[tilespmem:$0xE800] =	vst v63  }
.Ltmp1:
0x279: {  	s23 =	sadd.s32 $0xA6A8, s24;
	s25 =	sadd.s32 $0x50, s22;
	(pc) =	sbr.rel @p1 .LBB2_5-.Ltmp1, $4  }
0x27a: {  	[hbm4b:s25+s3] =	stream.linear.scatter [tilespmem:s23], [sflag:$0x3], $0x80, $0x38;
	[tilespmem:$0xE800] =	vst v63  }
0x27b: {  	s23 =	sadd.s32 $0xA730, s24;
	s25 =	sadd.s32 $0x60, s22;
	s24 =	sadd.s32 $0xA7B8, s24  }
0x27c: {  	[hbm4b:s25+s3] =	stream.linear.scatter [tilespmem:s23], [sflag:$0x3], $0x80, $0x38;
	[tilespmem:$0xE800] =	vst v63  }
0x27d: {  	s25 =	sadd.s32 $0x70, s22;
	s22 =	sadd.s32 $0x1000, s22;
	s23 =	smov.u32 s26  }
0x27e: {  	[hbm4b:s25+s3] =	stream.linear.scatter [tilespmem:s24], [sflag:$0x3], $0x80, $0x38;
	[tilespmem:$0xE800] =	vst v63  }
0x27f: {  	s23 =	sadd.s32 $0xA400, s21  }
0x280: {  	[hbm4b:s22+s3] =	stream.linear.scatter [tilespmem:s23], [sflag:$0x3], $0x80, $0x38;
	[tilespmem:$0xE800] =	vst v63  }
0x281: {  	s30 =	sadd.s32 $0xA488, s21;
	s31 =	sadd.s32 $0x10, s22  }
0x282: {  	[hbm4b:s31+s3] =	stream.linear.scatter [tilespmem:s30], [sflag:$0x3], $0x80, $0x38;
	[tilespmem:$0xE800] =	vst v63  }
0x283: {  	s25 =	sadd.s32 $0xA510, s21;
	s26 =	sadd.s32 $0x20, s22  }
0x284: {  	[hbm4b:s26+s3] =	stream.linear.scatter [tilespmem:s25], [sflag:$0x3], $0x80, $0x38;
	[tilespmem:$0xE800] =	vst v63  }
0x285: {  	s28 =	sadd.s32 $0xA598, s21;
	s29 =	sadd.s32 $0x30, s22  }
0x286: {  	[hbm4b:s29+s3] =	stream.linear.scatter [tilespmem:s28], [sflag:$0x3], $0x80, $0x38;
	[tilespmem:$0xE800] =	vst v63  }
0x287: {  	s30 =	sadd.s32 $0xA620, s21;
	s31 =	sadd.s32 $0x40, s22  }
0x288: {  	[hbm4b:s31+s3] =	stream.linear.scatter [tilespmem:s30], [sflag:$0x3], $0x80, $0x38;
	[tilespmem:$0xE800] =	vst v63  }
0x289: {  	p1 =	sne.s32 s19, $0x63;
	s25 =	sadd.s32 $0xA6A8, s21;
	s26 =	sadd.s32 $0x50, s22  }
0x28a: {  	[hbm4b:s26+s3] =	stream.linear.scatter [tilespmem:s25], [sflag:$0x3], $0x80, $0x38;
	[tilespmem:$0xE800] =	vst v63  }
.Ltmp2:
0x28b: {  	_ = 	snop;
	(pc) =	sbr.rel @p1 .LBB2_8-.Ltmp2, $4  }
0x28c: {  	s28 =	sadd.s32 $0xA730, s21;
	s29 =	sadd.s32 $0x60, s22  }
0x28d: {  	[hbm4b:s29+s3] =	stream.linear.scatter [tilespmem:s28], [sflag:$0x3], $0x80, $0x38;
	[tilespmem:$0xE800] =	vst v63  }
0x28e: {  	s30 =	sadd.s32 $0xA7B8, s21;
	s31 =	sadd.s32 $0x70, s22  }
0x28f: {  	[hbm4b:s31+s3] =	stream.linear.scatter [tilespmem:s30], [sflag:$0x3], $0x80, $0x38;
	[tilespmem:$0xE800] =	vst v63  }
.Ltmp3:
0x290: {  	(pc) =	sbr.rel .LBB2_9-.Ltmp3, $4  }
0x291: {  	_ = 	snop  }
0x292: {  	_ =	swait.ge [sflag:s14], $0x2000  }
0x293: {  	[sflag:s14] =	ssyncset.done $0x0  }
0x294: {  	[sflag:s14] =	ssyncadd.s32 $0xFFFFE000  }
.LBB2_8:
0x295: {  	s21 =	sshll.u32 s19, $0x8  }
0x296: {  	s21 =	sand.u32 $0x3FFFFF00, s21  }
.Ltmp4:
0x297: {  	s21 =	sadd.s32 $0x100, s21;
	(pc) =	sbr.rel @p0 .LBB2_10-.Ltmp4, $4  }
0x298: {  	[tilespmem:s10], [sflag:$0x1] =	stream.indirect.gather [hbm4b:s4+s9], $0x40, s21, s9, $0xb8;
	[tilespmem:$0xE800] =	vst v63  }
0x299: {  	_ =	swait.ge [sflag:s14], $0x2000  }
0x29a: {  	[sflag:s14] =	ssyncset.done $0x0  }
0x29b: {  	[sflag:s14] =	ssyncadd.s32 $0xFFFFE000  }
.LBB2_9:
0x29c: {  	_ =	swait.ge [sflag:s15], $0x2000  }
0x29d: {  	[sflag:s15] =	ssyncset.done $0x0  }
0x29e: {  	[sflag:s15] =	ssyncadd.s32 $0xFFFFE000  }
.LBB2_10:
0x29f: {  	s21 =	simm.s32 $0x0  }
0x2a0: {  	v33 =	vmov s21  }
0x2a1: {  	v33 =	vshrl.u32 v33, $0x3  }
0x2a2: {  	v33 =	vshll.u32 v33, v1  }
0x2a3: {  	v33 =	vbroadcast v33, $0x0  }
0x2a4: {  	s21 =	simm.s32 $0x8600  }
0x2a5: {  	v34 =	vld [tilespmem:s21+$0xFFFFFE00];
	v35 =	vadd.s32 v0, v33;
	_ =	sdelay $0x4  }
0x2a6: {  	[tilespmem:v35+s16+$0x0] =	vst.idx.msk $0xffff, v34  }
0x2a7: {  	v44 =	vadd.s32 v2, v33;
	v34 =	vld [tilespmem:s21+$0xFFFFFE10];
	_ =	sdelay $0x4  }
0x2a8: {  	[tilespmem:v44+s16+$0x0] =	vst.idx.msk $0xffff, v34  }
0x2a9: {  	v45 =	vadd.s32 v3, v33;
	v34 =	vld [tilespmem:s21+$0xFFFFFE20];
	_ =	sdelay $0x4  }
0x2aa: {  	[tilespmem:v45+s16+$0x0] =	vst.idx.msk $0xffff, v34  }
0x2ab: {  	s22 =	simm.s32 $0x1;
	v33 =	vadd.s32 v4, v33;
	v34 =	vld [tilespmem:s21+$0xFFFFFE30]  }
0x2ac: {  	v46 =	vmov s22  }
0x2ad: {  	v35 =	vshrl.u32 v46, $0x3  }
0x2ae: {  	v35 =	vshll.u32 v35, v1  }
0x2af: {  	v35 =	vbroadcast v35, $0x0  }
0x2b0: {  	[tilespmem:v33+s16+$0x0] =	vst.idx.msk $0xffff, v34  }
0x2b1: {  	v47 =	vadd.s32 v5, v35;
	v33 =	vld [tilespmem:s21+$0xFFFFFE40];
	_ =	sdelay $0x4  }
0x2b2: {  	[tilespmem:v47+s16+$0x0] =	vst.idx.msk $0xffff, v33  }
0x2b3: {  	v48 =	vadd.s32 v6, v35;
	v33 =	vld [tilespmem:s21+$0xFFFFFE50];
	_ =	sdelay $0x4  }
0x2b4: {  	[tilespmem:v48+s16+$0x0] =	vst.idx.msk $0xffff, v33  }
0x2b5: {  	v49 =	vadd.s32 v7, v35;
	v33 =	vld [tilespmem:s21+$0xFFFFFE60];
	_ =	sdelay $0x4  }
0x2b6: {  	[tilespmem:v49+s16+$0x0] =	vst.idx.msk $0xffff, v33  }
0x2b7: {  	s25 =	simm.s32 $0x2;
	v50 =	vadd.s32 v8, v35;
	v33 =	vld [tilespmem:s21+$0xFFFFFE70]  }
0x2b8: {  	v51 =	vmov s25  }
0x2b9: {  	v35 =	vshrl.u32 v51, $0x3  }
0x2ba: {  	v35 =	vshll.u32 v35, v1  }
0x2bb: {  	v35 =	vbroadcast v35, $0x0  }
0x2bc: {  	[tilespmem:v50+s16+$0x0] =	vst.idx.msk $0xffff, v33  }
0x2bd: {  	v52 =	vadd.s32 v9, v35;
	v33 =	vld [tilespmem:s21+$0xFFFFFE80];
	_ =	sdelay $0x4  }
0x2be: {  	[tilespmem:v52+s16+$0x0] =	vst.idx.msk $0xffff, v33  }
0x2bf: {  	v53 =	vadd.s32 v10, v35;
	v33 =	vld [tilespmem:s21+$0xFFFFFE90];
	_ =	sdelay $0x4  }
0x2c0: {  	[tilespmem:v53+s16+$0x0] =	vst.idx.msk $0xffff, v33  }
0x2c1: {  	v54 =	vadd.s32 v11, v35;
	v33 =	vld [tilespmem:s21+$0xFFFFFEA0];
	_ =	sdelay $0x4  }
0x2c2: {  	[tilespmem:v54+s16+$0x0] =	vst.idx.msk $0xffff, v33  }
0x2c3: {  	s26 =	simm.s32 $0x3;
	v55 =	vadd.s32 v12, v35;
	v33 =	vld [tilespmem:s21+$0xFFFFFEB0]  }
0x2c4: {  	v56 =	vmov s26  }
0x2c5: {  	v35 =	vshrl.u32 v56, $0x3  }
0x2c6: {  	v35 =	vshll.u32 v35, v1  }
0x2c7: {  	v35 =	vbroadcast v35, $0x0  }
0x2c8: {  	[tilespmem:v55+s16+$0x0] =	vst.idx.msk $0xffff, v33  }
0x2c9: {  	v57 =	vadd.s32 v13, v35;
	v33 =	vld [tilespmem:s21+$0xFFFFFEC0];
	_ =	sdelay $0x4  }
0x2ca: {  	[tilespmem:v57+s16+$0x0] =	vst.idx.msk $0xffff, v33  }
0x2cb: {  	v58 =	vadd.s32 v14, v35;
	v33 =	vld [tilespmem:s21+$0xFFFFFED0];
	_ =	sdelay $0x4  }
0x2cc: {  	[tilespmem:v58+s16+$0x0] =	vst.idx.msk $0xffff, v33  }
0x2cd: {  	v59 =	vadd.s32 v15, v35;
	v33 =	vld [tilespmem:s21+$0xFFFFFEE0];
	_ =	sdelay $0x4  }
0x2ce: {  	[tilespmem:v59+s16+$0x0] =	vst.idx.msk $0xffff, v33  }
0x2cf: {  	s28 =	simm.s32 $0x4;
	v60 =	vadd.s32 v16, v35;
	v33 =	vld [tilespmem:s21+$0xFFFFFEF0]  }
0x2d0: {  	v61 =	vmov s28  }
0x2d1: {  	v35 =	vshrl.u32 v61, $0x3  }
0x2d2: {  	v35 =	vshll.u32 v35, v1  }
0x2d3: {  	v35 =	vbroadcast v35, $0x0  }
0x2d4: {  	[tilespmem:v60+s16+$0x0] =	vst.idx.msk $0xffff, v33  }
0x2d5: {  	v62 =	vadd.s32 v17, v35;
	v33 =	vld [tilespmem:s21+$0xFFFFFF00];
	_ =	sdelay $0x4  }
0x2d6: {  	[tilespmem:v62+s16+$0x0] =	vst.idx.msk $0xffff, v33  }
0x2d7: {  	v63 =	vadd.s32 v18, v35;
	v33 =	vld [tilespmem:s21+$0xFFFFFF10];
	_ =	sdelay $0x4  }
0x2d8: {  	[tilespmem:v63+s16+$0x0] =	vst.idx.msk $0xffff, v33  }
0x2d9: {  	v36 =	vadd.s32 v19, v35;
	v33 =	vld [tilespmem:s21+$0xFFFFFF20];
	_ =	sdelay $0x4  }
0x2da: {  	[tilespmem:v36+s16+$0x0] =	vst.idx.msk $0xffff, v33  }
0x2db: {  	s29 =	simm.s32 $0x5;
	v37 =	vadd.s32 v20, v35;
	v33 =	vld [tilespmem:s21+$0xFFFFFF30]  }
0x2dc: {  	v38 =	vmov s29  }
0x2dd: {  	v35 =	vshrl.u32 v38, $0x3  }
0x2de: {  	v35 =	vshll.u32 v35, v1  }
0x2df: {  	v35 =	vbroadcast v35, $0x0  }
0x2e0: {  	[tilespmem:v37+s16+$0x0] =	vst.idx.msk $0xffff, v33  }
0x2e1: {  	v39 =	vadd.s32 v21, v35;
	v33 =	vld [tilespmem:s21+$0xFFFFFF40];
	_ =	sdelay $0x4  }
0x2e2: {  	[tilespmem:v39+s16+$0x0] =	vst.idx.msk $0xffff, v33  }
0x2e3: {  	v40 =	vadd.s32 v22, v35;
	v33 =	vld [tilespmem:s21+$0xFFFFFF50];
	_ =	sdelay $0x4  }
0x2e4: {  	[tilespmem:v40+s16+$0x0] =	vst.idx.msk $0xffff, v33  }
0x2e5: {  	v41 =	vadd.s32 v23, v35;
	v33 =	vld [tilespmem:s21+$0xFFFFFF60];
	_ =	sdelay $0x4  }
0x2e6: {  	[tilespmem:v41+s16+$0x0] =	vst.idx.msk $0xffff, v33  }
0x2e7: {  	s30 =	simm.s32 $0x6;
	v42 =	vadd.s32 v24, v35;
	v33 =	vld [tilespmem:s21+$0xFFFFFF70]  }
0x2e8: {  	v43 =	vmov s30  }
0x2e9: {  	v35 =	vshrl.u32 v43, $0x3  }
0x2ea: {  	v35 =	vshll.u32 v35, v1  }
0x2eb: {  	v35 =	vbroadcast v35, $0x0  }
0x2ec: {  	[tilespmem:v42+s16+$0x0] =	vst.idx.msk $0xffff, v33  }
0x2ed: {  	v44 =	vadd.s32 v25, v35;
	v33 =	vld [tilespmem:s21+$0xFFFFFF80];
	_ =	sdelay $0x4  }
0x2ee: {  	[tilespmem:v44+s16+$0x0] =	vst.idx.msk $0xffff, v33  }
0x2ef: {  	v45 =	vadd.s32 v26, v35;
	v33 =	vld [tilespmem:s21+$0xFFFFFF90];
	_ =	sdelay $0x4  }
0x2f0: {  	[tilespmem:v45+s16+$0x0] =	vst.idx.msk $0xffff, v33  }
0x2f1: {  	v46 =	vadd.s32 v27, v35;
	v33 =	vld [tilespmem:s21+$0xFFFFFFA0];
	_ =	sdelay $0x4  }
0x2f2: {  	[tilespmem:v46+s16+$0x0] =	vst.idx.msk $0xffff, v33  }
0x2f3: {  	s31 =	simm.s32 $0x7;
	v47 =	vadd.s32 v28, v35;
	v33 =	vld [tilespmem:s21+$0xFFFFFFB0]  }
0x2f4: {  	v48 =	vmov s31  }
0x2f5: {  	v35 =	vshrl.u32 v48, $0x3  }
0x2f6: {  	v35 =	vshll.u32 v35, v1  }
0x2f7: {  	v35 =	vbroadcast v35, $0x0  }
0x2f8: {  	[tilespmem:v47+s16+$0x0] =	vst.idx.msk $0xffff, v33  }
0x2f9: {  	v49 =	vadd.s32 v29, v35;
	v33 =	vld [tilespmem:s21+$0xFFFFFFC0];
	_ =	sdelay $0x4  }
0x2fa: {  	[tilespmem:v49+s16+$0x0] =	vst.idx.msk $0xffff, v33  }
0x2fb: {  	v50 =	vadd.s32 v30, v35;
	v33 =	vld [tilespmem:s21+$0xFFFFFFD0];
	_ =	sdelay $0x4  }
0x2fc: {  	[tilespmem:v50+s16+$0x0] =	vst.idx.msk $0xffff, v33  }
0x2fd: {  	v51 =	vadd.s32 v31, v35;
	v33 =	vld [tilespmem:s21+$0xFFFFFFE0];
	_ =	sdelay $0x4  }
0x2fe: {  	[tilespmem:v51+s16+$0x0] =	vst.idx.msk $0xffff, v33  }
0x2ff: {  	s23 =	simm.s32 $0x8;
	v52 =	vadd.s32 v32, v35;
	v33 =	vld [tilespmem:s21+$0xFFFFFFF0]  }
0x300: {  	v53 =	vmov s23  }
0x301: {  	v35 =	vshrl.u32 v53, $0x3  }
0x302: {  	v35 =	vshll.u32 v35, v1  }
0x303: {  	v35 =	vbroadcast v35, $0x0  }
0x304: {  	[tilespmem:v52+s16+$0x0] =	vst.idx.msk $0xffff, v33  }
0x305: {  	v54 =	vadd.s32 v0, v35;
	v33 =	vld [tilespmem:s21+$0x0];
	_ =	sdelay $0x4  }
0x306: {  	[tilespmem:v54+s16+$0x0] =	vst.idx.msk $0xffff, v33  }
0x307: {  	v55 =	vadd.s32 v2, v35;
	v33 =	vld [tilespmem:s21+$0x10];
	_ =	sdelay $0x4  }
0x308: {  	[tilespmem:v55+s16+$0x0] =	vst.idx.msk $0xffff, v33  }
0x309: {  	v56 =	vadd.s32 v3, v35;
	v33 =	vld [tilespmem:s21+$0x20];
	_ =	sdelay $0x4  }
0x30a: {  	[tilespmem:v56+s16+$0x0] =	vst.idx.msk $0xffff, v33  }
0x30b: {  	s24 =	simm.s32 $0x9;
	v57 =	vadd.s32 v4, v35;
	v33 =	vld [tilespmem:s21+$0x30]  }
0x30c: {  	v58 =	vmov s24  }
0x30d: {  	v35 =	vshrl.u32 v58, $0x3  }
0x30e: {  	v35 =	vshll.u32 v35, v1  }
0x30f: {  	v35 =	vbroadcast v35, $0x0  }
0x310: {  	[tilespmem:v57+s16+$0x0] =	vst.idx.msk $0xffff, v33  }
0x311: {  	v59 =	vadd.s32 v5, v35;
	v33 =	vld [tilespmem:s21+$0x40];
	_ =	sdelay $0x4  }
0x312: {  	[tilespmem:v59+s16+$0x0] =	vst.idx.msk $0xffff, v33  }
0x313: {  	v60 =	vadd.s32 v6, v35;
	v33 =	vld [tilespmem:s21+$0x50];
	_ =	sdelay $0x4  }
0x314: {  	[tilespmem:v60+s16+$0x0] =	vst.idx.msk $0xffff, v33  }
0x315: {  	v61 =	vadd.s32 v7, v35;
	v33 =	vld [tilespmem:s21+$0x60];
	_ =	sdelay $0x4  }
0x316: {  	[tilespmem:v61+s16+$0x0] =	vst.idx.msk $0xffff, v33  }
0x317: {  	s25 =	simm.s32 $0xA;
	v62 =	vadd.s32 v8, v35;
	v33 =	vld [tilespmem:s21+$0x70]  }
0x318: {  	v63 =	vmov s25  }
0x319: {  	v35 =	vshrl.u32 v63, $0x3  }
0x31a: {  	v35 =	vshll.u32 v35, v1  }
0x31b: {  	v35 =	vbroadcast v35, $0x0  }
0x31c: {  	[tilespmem:v62+s16+$0x0] =	vst.idx.msk $0xffff, v33  }
0x31d: {  	v36 =	vadd.s32 v9, v35;
	v33 =	vld [tilespmem:s21+$0x80];
	_ =	sdelay $0x4  }
0x31e: {  	[tilespmem:v36+s16+$0x0] =	vst.idx.msk $0xffff, v33  }
0x31f: {  	v37 =	vadd.s32 v10, v35;
	v33 =	vld [tilespmem:s21+$0x90];
	_ =	sdelay $0x4  }
0x320: {  	[tilespmem:v37+s16+$0x0] =	vst.idx.msk $0xffff, v33  }
0x321: {  	v38 =	vadd.s32 v11, v35;
	v33 =	vld [tilespmem:s21+$0xA0];
	_ =	sdelay $0x4  }
0x322: {  	[tilespmem:v38+s16+$0x0] =	vst.idx.msk $0xffff, v33  }
0x323: {  	s26 =	simm.s32 $0xB;
	v39 =	vadd.s32 v12, v35;
	v33 =	vld [tilespmem:s21+$0xB0]  }
0x324: {  	v40 =	vmov s26  }
0x325: {  	v35 =	vshrl.u32 v40, $0x3  }
0x326: {  	v35 =	vshll.u32 v35, v1  }
0x327: {  	v35 =	vbroadcast v35, $0x0  }
0x328: {  	[tilespmem:v39+s16+$0x0] =	vst.idx.msk $0xffff, v33  }
0x329: {  	v41 =	vadd.s32 v13, v35;
	v33 =	vld [tilespmem:s21+$0xC0];
	_ =	sdelay $0x4  }
0x32a: {  	[tilespmem:v41+s16+$0x0] =	vst.idx.msk $0xffff, v33  }
0x32b: {  	v42 =	vadd.s32 v14, v35;
	v33 =	vld [tilespmem:s21+$0xD0];
	_ =	sdelay $0x4  }
0x32c: {  	[tilespmem:v42+s16+$0x0] =	vst.idx.msk $0xffff, v33  }
0x32d: {  	v43 =	vadd.s32 v15, v35;
	v33 =	vld [tilespmem:s21+$0xE0];
	_ =	sdelay $0x4  }
0x32e: {  	[tilespmem:v43+s16+$0x0] =	vst.idx.msk $0xffff, v33  }
0x32f: {  	s28 =	simm.s32 $0xC;
	v44 =	vadd.s32 v16, v35;
	v33 =	vld [tilespmem:s21+$0xF0]  }
0x330: {  	v45 =	vmov s28  }
0x331: {  	v35 =	vshrl.u32 v45, $0x3  }
0x332: {  	v35 =	vshll.u32 v35, v1  }
0x333: {  	v35 =	vbroadcast v35, $0x0  }
0x334: {  	[tilespmem:v44+s16+$0x0] =	vst.idx.msk $0xffff, v33  }
0x335: {  	v46 =	vadd.s32 v17, v35;
	v33 =	vld [tilespmem:s21+$0x100];
	_ =	sdelay $0x4  }
0x336: {  	[tilespmem:v46+s16+$0x0] =	vst.idx.msk $0xffff, v33  }
0x337: {  	v47 =	vadd.s32 v18, v35;
	v33 =	vld [tilespmem:s21+$0x110];
	_ =	sdelay $0x4  }
0x338: {  	[tilespmem:v47+s16+$0x0] =	vst.idx.msk $0xffff, v33  }
0x339: {  	v48 =	vadd.s32 v19, v35;
	v33 =	vld [tilespmem:s21+$0x120];
	_ =	sdelay $0x4  }
0x33a: {  	[tilespmem:v48+s16+$0x0] =	vst.idx.msk $0xffff, v33  }
0x33b: {  	s29 =	simm.s32 $0xD;
	v49 =	vadd.s32 v20, v35;
	v33 =	vld [tilespmem:s21+$0x130]  }
0x33c: {  	v50 =	vmov s29  }
0x33d: {  	v35 =	vshrl.u32 v50, $0x3  }
0x33e: {  	v35 =	vshll.u32 v35, v1  }
0x33f: {  	v35 =	vbroadcast v35, $0x0  }
0x340: {  	[tilespmem:v49+s16+$0x0] =	vst.idx.msk $0xffff, v33  }
0x341: {  	v51 =	vadd.s32 v21, v35;
	v33 =	vld [tilespmem:s21+$0x140];
	_ =	sdelay $0x4  }
0x342: {  	[tilespmem:v51+s16+$0x0] =	vst.idx.msk $0xffff, v33  }
0x343: {  	v52 =	vadd.s32 v22, v35;
	v33 =	vld [tilespmem:s21+$0x150];
	_ =	sdelay $0x4  }
0x344: {  	[tilespmem:v52+s16+$0x0] =	vst.idx.msk $0xffff, v33  }
0x345: {  	v53 =	vadd.s32 v23, v35;
	v33 =	vld [tilespmem:s21+$0x160];
	_ =	sdelay $0x4  }
0x346: {  	[tilespmem:v53+s16+$0x0] =	vst.idx.msk $0xffff, v33  }
0x347: {  	s30 =	simm.s32 $0xE;
	v54 =	vadd.s32 v24, v35;
	v33 =	vld [tilespmem:s21+$0x170]  }
0x348: {  	v55 =	vmov s30  }
0x349: {  	v35 =	vshrl.u32 v55, $0x3  }
0x34a: {  	v35 =	vshll.u32 v35, v1  }
0x34b: {  	v35 =	vbroadcast v35, $0x0  }
0x34c: {  	[tilespmem:v54+s16+$0x0] =	vst.idx.msk $0xffff, v33  }
0x34d: {  	v56 =	vadd.s32 v25, v35;
	v33 =	vld [tilespmem:s21+$0x180];
	_ =	sdelay $0x4  }
0x34e: {  	[tilespmem:v56+s16+$0x0] =	vst.idx.msk $0xffff, v33  }
0x34f: {  	v57 =	vadd.s32 v26, v35;
	v33 =	vld [tilespmem:s21+$0x190];
	_ =	sdelay $0x4  }
0x350: {  	[tilespmem:v57+s16+$0x0] =	vst.idx.msk $0xffff, v33  }
0x351: {  	v58 =	vadd.s32 v27, v35;
	v33 =	vld [tilespmem:s21+$0x1A0];
	_ =	sdelay $0x4  }
0x352: {  	[tilespmem:v58+s16+$0x0] =	vst.idx.msk $0xffff, v33  }
0x353: {  	s31 =	simm.s32 $0xF;
	v59 =	vadd.s32 v28, v35;
	v33 =	vld [tilespmem:s21+$0x1B0]  }
0x354: {  	v60 =	vmov s31  }
0x355: {  	v35 =	vshrl.u32 v60, $0x3  }
0x356: {  	v35 =	vshll.u32 v35, v1  }
0x357: {  	v35 =	vbroadcast v35, $0x0  }
0x358: {  	[tilespmem:v59+s16+$0x0] =	vst.idx.msk $0xffff, v33  }
0x359: {  	v61 =	vadd.s32 v29, v35;
	v33 =	vld [tilespmem:s21+$0x1C0];
	_ =	sdelay $0x4  }
0x35a: {  	[tilespmem:v61+s16+$0x0] =	vst.idx.msk $0xffff, v33  }
0x35b: {  	v62 =	vadd.s32 v30, v35;
	v33 =	vld [tilespmem:s21+$0x1D0];
	_ =	sdelay $0x4  }
0x35c: {  	[tilespmem:v62+s16+$0x0] =	vst.idx.msk $0xffff, v33  }
0x35d: {  	v63 =	vadd.s32 v31, v35;
	v33 =	vld [tilespmem:s21+$0x1E0];
	_ =	sdelay $0x4  }
0x35e: {  	[tilespmem:v63+s16+$0x0] =	vst.idx.msk $0xffff, v33  }
0x35f: {  	s22 =	simm.s32 $0x1F;
	s23 =	simm.s32 $0x2F;
	s24 =	simm.s32 $0x10;
	v34 =	vadd.s32 v32, v35;
	v33 =	vld [tilespmem:s21+$0x1F0]  }
.LBB2_11:
0x360: {  	p0 =	sne.s32 s23, $0x7F;
	v35 =	vmov s24  }
0x361: {  	v35 =	vshrl.u32 v35, $0x3  }
0x362: {  	v35 =	vshll.u32 v35, v1  }
0x363: {  	v35 =	vbroadcast v35, $0x0  }
0x364: {  	s21 =	sadd.s32 $0x400, s21;
	[tilespmem:v34+s16+$0x0] =	vst.idx.msk $0xffff, v33  }
0x365: {  	v33 =	vld [tilespmem:s21+$0xFFFFFE00];
	v34 =	vadd.s32 v0, v35;
	_ =	sdelay $0x4  }
0x366: {  	[tilespmem:v34+s16+$0x0] =	vst.idx.msk $0xffff, v33  }
0x367: {  	v34 =	vadd.s32 v2, v35;
	v33 =	vld [tilespmem:s21+$0xFFFFFE10];
	_ =	sdelay $0x4  }
0x368: {  	[tilespmem:v34+s16+$0x0] =	vst.idx.msk $0xffff, v33  }
0x369: {  	v34 =	vadd.s32 v3, v35;
	v33 =	vld [tilespmem:s21+$0xFFFFFE20];
	_ =	sdelay $0x4  }
0x36a: {  	[tilespmem:v34+s16+$0x0] =	vst.idx.msk $0xffff, v33  }
0x36b: {  	s24 =	sadd.s32 $0xFFFFFFF2, s22;
	v34 =	vadd.s32 v4, v35;
	v33 =	vld [tilespmem:s21+$0xFFFFFE30]  }
0x36c: {  	v35 =	vmov s24  }
0x36d: {  	v35 =	vshrl.u32 v35, $0x3  }
0x36e: {  	v35 =	vshll.u32 v35, v1  }
0x36f: {  	v35 =	vbroadcast v35, $0x0  }
0x370: {  	[tilespmem:v34+s16+$0x0] =	vst.idx.msk $0xffff, v33  }
0x371: {  	v34 =	vadd.s32 v5, v35;
	v33 =	vld [tilespmem:s21+$0xFFFFFE40];
	_ =	sdelay $0x4  }
0x372: {  	[tilespmem:v34+s16+$0x0] =	vst.idx.msk $0xffff, v33  }
0x373: {  	v34 =	vadd.s32 v6, v35;
	v33 =	vld [tilespmem:s21+$0xFFFFFE50];
	_ =	sdelay $0x4  }
0x374: {  	[tilespmem:v34+s16+$0x0] =	vst.idx.msk $0xffff, v33  }
0x375: {  	v34 =	vadd.s32 v7, v35;
	v33 =	vld [tilespmem:s21+$0xFFFFFE60];
	_ =	sdelay $0x4  }
0x376: {  	[tilespmem:v34+s16+$0x0] =	vst.idx.msk $0xffff, v33  }
0x377: {  	s24 =	sadd.s32 $0xFFFFFFF3, s22;
	v34 =	vadd.s32 v8, v35;
	v33 =	vld [tilespmem:s21+$0xFFFFFE70]  }
0x378: {  	v35 =	vmov s24  }
0x379: {  	v35 =	vshrl.u32 v35, $0x3  }
0x37a: {  	v35 =	vshll.u32 v35, v1  }
0x37b: {  	v35 =	vbroadcast v35, $0x0  }
0x37c: {  	[tilespmem:v34+s16+$0x0] =	vst.idx.msk $0xffff, v33  }
0x37d: {  	v34 =	vadd.s32 v9, v35;
	v33 =	vld [tilespmem:s21+$0xFFFFFE80];
	_ =	sdelay $0x4  }
0x37e: {  	[tilespmem:v34+s16+$0x0] =	vst.idx.msk $0xffff, v33  }
0x37f: {  	v34 =	vadd.s32 v10, v35;
	v33 =	vld [tilespmem:s21+$0xFFFFFE90];
	_ =	sdelay $0x4  }
0x380: {  	[tilespmem:v34+s16+$0x0] =	vst.idx.msk $0xffff, v33  }
0x381: {  	v34 =	vadd.s32 v11, v35;
	v33 =	vld [tilespmem:s21+$0xFFFFFEA0];
	_ =	sdelay $0x4  }
0x382: {  	[tilespmem:v34+s16+$0x0] =	vst.idx.msk $0xffff, v33  }
0x383: {  	s24 =	sadd.s32 $0xFFFFFFF4, s22;
	v34 =	vadd.s32 v12, v35;
	v33 =	vld [tilespmem:s21+$0xFFFFFEB0]  }
0x384: {  	v35 =	vmov s24  }
0x385: {  	v35 =	vshrl.u32 v35, $0x3  }
0x386: {  	v35 =	vshll.u32 v35, v1  }
0x387: {  	v35 =	vbroadcast v35, $0x0  }
0x388: {  	[tilespmem:v34+s16+$0x0] =	vst.idx.msk $0xffff, v33  }
0x389: {  	v34 =	vadd.s32 v13, v35;
	v33 =	vld [tilespmem:s21+$0xFFFFFEC0];
	_ =	sdelay $0x4  }
0x38a: {  	[tilespmem:v34+s16+$0x0] =	vst.idx.msk $0xffff, v33  }
0x38b: {  	v34 =	vadd.s32 v14, v35;
	v33 =	vld [tilespmem:s21+$0xFFFFFED0];
	_ =	sdelay $0x4  }
0x38c: {  	[tilespmem:v34+s16+$0x0] =	vst.idx.msk $0xffff, v33  }
0x38d: {  	v34 =	vadd.s32 v15, v35;
	v33 =	vld [tilespmem:s21+$0xFFFFFEE0];
	_ =	sdelay $0x4  }
0x38e: {  	[tilespmem:v34+s16+$0x0] =	vst.idx.msk $0xffff, v33  }
0x38f: {  	s24 =	sadd.s32 $0xFFFFFFF5, s22;
	v34 =	vadd.s32 v16, v35;
	v33 =	vld [tilespmem:s21+$0xFFFFFEF0]  }
0x390: {  	v35 =	vmov s24  }
0x391: {  	v35 =	vshrl.u32 v35, $0x3  }
0x392: {  	v35 =	vshll.u32 v35, v1  }
0x393: {  	v35 =	vbroadcast v35, $0x0  }
0x394: {  	[tilespmem:v34+s16+$0x0] =	vst.idx.msk $0xffff, v33  }
0x395: {  	v34 =	vadd.s32 v17, v35;
	v33 =	vld [tilespmem:s21+$0xFFFFFF00];
	_ =	sdelay $0x4  }
0x396: {  	[tilespmem:v34+s16+$0x0] =	vst.idx.msk $0xffff, v33  }
0x397: {  	v34 =	vadd.s32 v18, v35;
	v33 =	vld [tilespmem:s21+$0xFFFFFF10];
	_ =	sdelay $0x4  }
0x398: {  	[tilespmem:v34+s16+$0x0] =	vst.idx.msk $0xffff, v33  }
0x399: {  	v34 =	vadd.s32 v19, v35;
	v33 =	vld [tilespmem:s21+$0xFFFFFF20];
	_ =	sdelay $0x4  }
0x39a: {  	[tilespmem:v34+s16+$0x0] =	vst.idx.msk $0xffff, v33  }
0x39b: {  	s24 =	sadd.s32 $0xFFFFFFF6, s22;
	v34 =	vadd.s32 v20, v35;
	v33 =	vld [tilespmem:s21+$0xFFFFFF30]  }
0x39c: {  	v35 =	vmov s24  }
0x39d: {  	v35 =	vshrl.u32 v35, $0x3  }
0x39e: {  	v35 =	vshll.u32 v35, v1  }
0x39f: {  	v35 =	vbroadcast v35, $0x0  }
0x3a0: {  	[tilespmem:v34+s16+$0x0] =	vst.idx.msk $0xffff, v33  }
0x3a1: {  	v34 =	vadd.s32 v21, v35;
	v33 =	vld [tilespmem:s21+$0xFFFFFF40];
	_ =	sdelay $0x4  }
0x3a2: {  	[tilespmem:v34+s16+$0x0] =	vst.idx.msk $0xffff, v33  }
0x3a3: {  	v34 =	vadd.s32 v22, v35;
	v33 =	vld [tilespmem:s21+$0xFFFFFF50];
	_ =	sdelay $0x4  }
0x3a4: {  	[tilespmem:v34+s16+$0x0] =	vst.idx.msk $0xffff, v33  }
0x3a5: {  	v34 =	vadd.s32 v23, v35;
	v33 =	vld [tilespmem:s21+$0xFFFFFF60];
	_ =	sdelay $0x4  }
0x3a6: {  	[tilespmem:v34+s16+$0x0] =	vst.idx.msk $0xffff, v33  }
0x3a7: {  	s24 =	sadd.s32 $0xFFFFFFF7, s22;
	v34 =	vadd.s32 v24, v35;
	v33 =	vld [tilespmem:s21+$0xFFFFFF70]  }
0x3a8: {  	v35 =	vmov s24  }
0x3a9: {  	v35 =	vshrl.u32 v35, $0x3  }
0x3aa: {  	v35 =	vshll.u32 v35, v1  }
0x3ab: {  	v35 =	vbroadcast v35, $0x0  }
0x3ac: {  	[tilespmem:v34+s16+$0x0] =	vst.idx.msk $0xffff, v33  }
0x3ad: {  	v34 =	vadd.s32 v25, v35;
	v33 =	vld [tilespmem:s21+$0xFFFFFF80];
	_ =	sdelay $0x4  }
0x3ae: {  	[tilespmem:v34+s16+$0x0] =	vst.idx.msk $0xffff, v33  }
0x3af: {  	v34 =	vadd.s32 v26, v35;
	v33 =	vld [tilespmem:s21+$0xFFFFFF90];
	_ =	sdelay $0x4  }
0x3b0: {  	[tilespmem:v34+s16+$0x0] =	vst.idx.msk $0xffff, v33  }
0x3b1: {  	v34 =	vadd.s32 v27, v35;
	v33 =	vld [tilespmem:s21+$0xFFFFFFA0];
	_ =	sdelay $0x4  }
0x3b2: {  	[tilespmem:v34+s16+$0x0] =	vst.idx.msk $0xffff, v33  }
0x3b3: {  	s24 =	sadd.s32 $0xFFFFFFF8, s22;
	v34 =	vadd.s32 v28, v35;
	v33 =	vld [tilespmem:s21+$0xFFFFFFB0]  }
0x3b4: {  	v35 =	vmov s24  }
0x3b5: {  	v35 =	vshrl.u32 v35, $0x3  }
0x3b6: {  	v35 =	vshll.u32 v35, v1  }
0x3b7: {  	v35 =	vbroadcast v35, $0x0  }
0x3b8: {  	[tilespmem:v34+s16+$0x0] =	vst.idx.msk $0xffff, v33  }
0x3b9: {  	v34 =	vadd.s32 v29, v35;
	v33 =	vld [tilespmem:s21+$0xFFFFFFC0];
	_ =	sdelay $0x4  }
0x3ba: {  	[tilespmem:v34+s16+$0x0] =	vst.idx.msk $0xffff, v33  }
0x3bb: {  	v34 =	vadd.s32 v30, v35;
	v33 =	vld [tilespmem:s21+$0xFFFFFFD0];
	_ =	sdelay $0x4  }
0x3bc: {  	[tilespmem:v34+s16+$0x0] =	vst.idx.msk $0xffff, v33  }
0x3bd: {  	v34 =	vadd.s32 v31, v35;
	v33 =	vld [tilespmem:s21+$0xFFFFFFE0];
	_ =	sdelay $0x4  }
0x3be: {  	[tilespmem:v34+s16+$0x0] =	vst.idx.msk $0xffff, v33  }
0x3bf: {  	s24 =	sadd.s32 $0xFFFFFFF9, s22;
	v34 =	vadd.s32 v32, v35;
	v33 =	vld [tilespmem:s21+$0xFFFFFFF0]  }
0x3c0: {  	v35 =	vmov s24  }
0x3c1: {  	v35 =	vshrl.u32 v35, $0x3  }
0x3c2: {  	v35 =	vshll.u32 v35, v1  }
0x3c3: {  	v35 =	vbroadcast v35, $0x0  }
0x3c4: {  	[tilespmem:v34+s16+$0x0] =	vst.idx.msk $0xffff, v33  }
0x3c5: {  	v34 =	vadd.s32 v0, v35;
	v33 =	vld [tilespmem:s21+$0x0];
	_ =	sdelay $0x4  }
0x3c6: {  	[tilespmem:v34+s16+$0x0] =	vst.idx.msk $0xffff, v33  }
0x3c7: {  	v34 =	vadd.s32 v2, v35;
	v33 =	vld [tilespmem:s21+$0x10];
	_ =	sdelay $0x4  }
0x3c8: {  	[tilespmem:v34+s16+$0x0] =	vst.idx.msk $0xffff, v33  }
0x3c9: {  	v34 =	vadd.s32 v3, v35;
	v33 =	vld [tilespmem:s21+$0x20];
	_ =	sdelay $0x4  }
0x3ca: {  	[tilespmem:v34+s16+$0x0] =	vst.idx.msk $0xffff, v33  }
0x3cb: {  	s24 =	sadd.s32 $0xFFFFFFFA, s22;
	v34 =	vadd.s32 v4, v35;
	v33 =	vld [tilespmem:s21+$0x30]  }
0x3cc: {  	v35 =	vmov s24  }
0x3cd: {  	v35 =	vshrl.u32 v35, $0x3  }
0x3ce: {  	v35 =	vshll.u32 v35, v1  }
0x3cf: {  	v35 =	vbroadcast v35, $0x0  }
0x3d0: {  	[tilespmem:v34+s16+$0x0] =	vst.idx.msk $0xffff, v33  }
0x3d1: {  	v34 =	vadd.s32 v5, v35;
	v33 =	vld [tilespmem:s21+$0x40];
	_ =	sdelay $0x4  }
0x3d2: {  	[tilespmem:v34+s16+$0x0] =	vst.idx.msk $0xffff, v33  }
0x3d3: {  	v34 =	vadd.s32 v6, v35;
	v33 =	vld [tilespmem:s21+$0x50];
	_ =	sdelay $0x4  }
0x3d4: {  	[tilespmem:v34+s16+$0x0] =	vst.idx.msk $0xffff, v33  }
0x3d5: {  	v34 =	vadd.s32 v7, v35;
	v33 =	vld [tilespmem:s21+$0x60];
	_ =	sdelay $0x4  }
0x3d6: {  	[tilespmem:v34+s16+$0x0] =	vst.idx.msk $0xffff, v33  }
0x3d7: {  	s24 =	sadd.s32 $0xFFFFFFFB, s22;
	v34 =	vadd.s32 v8, v35;
	v33 =	vld [tilespmem:s21+$0x70]  }
0x3d8: {  	v35 =	vmov s24  }
0x3d9: {  	v35 =	vshrl.u32 v35, $0x3  }
0x3da: {  	v35 =	vshll.u32 v35, v1  }
0x3db: {  	v35 =	vbroadcast v35, $0x0  }
0x3dc: {  	[tilespmem:v34+s16+$0x0] =	vst.idx.msk $0xffff, v33  }
0x3dd: {  	v34 =	vadd.s32 v9, v35;
	v33 =	vld [tilespmem:s21+$0x80];
	_ =	sdelay $0x4  }
0x3de: {  	[tilespmem:v34+s16+$0x0] =	vst.idx.msk $0xffff, v33  }
0x3df: {  	v34 =	vadd.s32 v10, v35;
	v33 =	vld [tilespmem:s21+$0x90];
	_ =	sdelay $0x4  }
0x3e0: {  	[tilespmem:v34+s16+$0x0] =	vst.idx.msk $0xffff, v33  }
0x3e1: {  	v34 =	vadd.s32 v11, v35;
	v33 =	vld [tilespmem:s21+$0xA0];
	_ =	sdelay $0x4  }
0x3e2: {  	[tilespmem:v34+s16+$0x0] =	vst.idx.msk $0xffff, v33  }
0x3e3: {  	s24 =	sadd.s32 $0xFFFFFFFC, s22;
	v34 =	vadd.s32 v12, v35;
	v33 =	vld [tilespmem:s21+$0xB0]  }
0x3e4: {  	v35 =	vmov s24  }
0x3e5: {  	v35 =	vshrl.u32 v35, $0x3  }
0x3e6: {  	v35 =	vshll.u32 v35, v1  }
0x3e7: {  	v35 =	vbroadcast v35, $0x0  }
0x3e8: {  	[tilespmem:v34+s16+$0x0] =	vst.idx.msk $0xffff, v33  }
0x3e9: {  	v34 =	vadd.s32 v13, v35;
	v33 =	vld [tilespmem:s21+$0xC0];
	_ =	sdelay $0x4  }
0x3ea: {  	[tilespmem:v34+s16+$0x0] =	vst.idx.msk $0xffff, v33  }
0x3eb: {  	v34 =	vadd.s32 v14, v35;
	v33 =	vld [tilespmem:s21+$0xD0];
	_ =	sdelay $0x4  }
0x3ec: {  	[tilespmem:v34+s16+$0x0] =	vst.idx.msk $0xffff, v33  }
0x3ed: {  	v34 =	vadd.s32 v15, v35;
	v33 =	vld [tilespmem:s21+$0xE0];
	_ =	sdelay $0x4  }
0x3ee: {  	[tilespmem:v34+s16+$0x0] =	vst.idx.msk $0xffff, v33  }
0x3ef: {  	s24 =	sadd.s32 $0xFFFFFFFD, s22;
	v34 =	vadd.s32 v16, v35;
	v33 =	vld [tilespmem:s21+$0xF0]  }
0x3f0: {  	v35 =	vmov s24  }
0x3f1: {  	v35 =	vshrl.u32 v35, $0x3  }
0x3f2: {  	v35 =	vshll.u32 v35, v1  }
0x3f3: {  	v35 =	vbroadcast v35, $0x0  }
0x3f4: {  	[tilespmem:v34+s16+$0x0] =	vst.idx.msk $0xffff, v33  }
0x3f5: {  	v34 =	vadd.s32 v17, v35;
	v33 =	vld [tilespmem:s21+$0x100];
	_ =	sdelay $0x4  }
0x3f6: {  	[tilespmem:v34+s16+$0x0] =	vst.idx.msk $0xffff, v33  }
0x3f7: {  	v34 =	vadd.s32 v18, v35;
	v33 =	vld [tilespmem:s21+$0x110];
	_ =	sdelay $0x4  }
0x3f8: {  	[tilespmem:v34+s16+$0x0] =	vst.idx.msk $0xffff, v33  }
0x3f9: {  	v34 =	vadd.s32 v19, v35;
	v33 =	vld [tilespmem:s21+$0x120];
	_ =	sdelay $0x4  }
0x3fa: {  	[tilespmem:v34+s16+$0x0] =	vst.idx.msk $0xffff, v33  }
0x3fb: {  	s24 =	sadd.s32 $0xFFFFFFFE, s22;
	v34 =	vadd.s32 v20, v35;
	v33 =	vld [tilespmem:s21+$0x130]  }
0x3fc: {  	v35 =	vmov s24  }
0x3fd: {  	v35 =	vshrl.u32 v35, $0x3  }
0x3fe: {  	v35 =	vshll.u32 v35, v1  }
0x3ff: {  	v35 =	vbroadcast v35, $0x0  }
0x400: {  	[tilespmem:v34+s16+$0x0] =	vst.idx.msk $0xffff, v33  }
0x401: {  	v34 =	vadd.s32 v21, v35;
	v33 =	vld [tilespmem:s21+$0x140];
	_ =	sdelay $0x4  }
0x402: {  	[tilespmem:v34+s16+$0x0] =	vst.idx.msk $0xffff, v33  }
0x403: {  	v34 =	vadd.s32 v22, v35;
	v33 =	vld [tilespmem:s21+$0x150];
	_ =	sdelay $0x4  }
0x404: {  	[tilespmem:v34+s16+$0x0] =	vst.idx.msk $0xffff, v33  }
0x405: {  	v34 =	vadd.s32 v23, v35;
	v33 =	vld [tilespmem:s21+$0x160];
	_ =	sdelay $0x4  }
0x406: {  	[tilespmem:v34+s16+$0x0] =	vst.idx.msk $0xffff, v33  }
0x407: {  	s24 =	sadd.s32 $0xFFFFFFFF, s22;
	v34 =	vadd.s32 v24, v35;
	v33 =	vld [tilespmem:s21+$0x170]  }
0x408: {  	v35 =	vmov s24  }
0x409: {  	v35 =	vshrl.u32 v35, $0x3  }
0x40a: {  	v35 =	vshll.u32 v35, v1  }
0x40b: {  	v35 =	vbroadcast v35, $0x0  }
0x40c: {  	[tilespmem:v34+s16+$0x0] =	vst.idx.msk $0xffff, v33  }
0x40d: {  	v34 =	vadd.s32 v25, v35;
	v33 =	vld [tilespmem:s21+$0x180];
	_ =	sdelay $0x4  }
0x40e: {  	[tilespmem:v34+s16+$0x0] =	vst.idx.msk $0xffff, v33  }
0x40f: {  	v34 =	vadd.s32 v26, v35;
	v33 =	vld [tilespmem:s21+$0x190];
	_ =	sdelay $0x4  }
0x410: {  	[tilespmem:v34+s16+$0x0] =	vst.idx.msk $0xffff, v33  }
0x411: {  	v34 =	vadd.s32 v27, v35;
	v33 =	vld [tilespmem:s21+$0x1A0];
	_ =	sdelay $0x4  }
0x412: {  	[tilespmem:v34+s16+$0x0] =	vst.idx.msk $0xffff, v33  }
0x413: {  	v34 =	vadd.s32 v28, v35;
	v33 =	vld [tilespmem:s21+$0x1B0]  }
0x414: {  	v35 =	vmov s22;
	s22 =	smov.u32 s23  }
0x415: {  	v35 =	vshrl.u32 v35, $0x3  }
0x416: {  	v35 =	vshll.u32 v35, v1  }
0x417: {  	v35 =	vbroadcast v35, $0x0  }
0x418: {  	[tilespmem:v34+s16+$0x0] =	vst.idx.msk $0xffff, v33  }
0x419: {  	v34 =	vadd.s32 v29, v35;
	v33 =	vld [tilespmem:s21+$0x1C0];
	_ =	sdelay $0x4  }
0x41a: {  	[tilespmem:v34+s16+$0x0] =	vst.idx.msk $0xffff, v33  }
0x41b: {  	v34 =	vadd.s32 v30, v35;
	v33 =	vld [tilespmem:s21+$0x1D0];
	_ =	sdelay $0x4  }
0x41c: {  	[tilespmem:v34+s16+$0x0] =	vst.idx.msk $0xffff, v33  }
0x41d: {  	v34 =	vadd.s32 v31, v35;
	v33 =	vld [tilespmem:s21+$0x1E0];
	_ =	sdelay $0x1  }
.Ltmp5:
0x41e: {  	(pc) =	sbr.rel @p0 .LBB2_11-.Ltmp5, $3  }
0x41f: {  	_ =	sdelay $0x1  }
0x420: {  	[tilespmem:v34+s16+$0x0] =	vst.idx.msk $0xffff, v33  }
0x421: {  	s23 =	sadd.s32 $0x10, s23;
	s24 =	sadd.s32 $0xFFFFFFF1, s22;
	v34 =	vadd.s32 v32, v35;
	v33 =	vld [tilespmem:s21+$0x1F0]  }
0x422: {  	v35 =	vmov s24  }
0x423: {  	v35 =	vshrl.u32 v35, $0x3  }
0x424: {  	v35 =	vshll.u32 v35, v1  }
0x425: {  	v35 =	vbroadcast v35, $0x0  }
0x426: {  	s21 =	sadd.s32 $0x400, s21;
	[tilespmem:v34+s16+$0x0] =	vst.idx.msk $0xffff, v33  }
0x427: {  	v33 =	vld [tilespmem:s21+$0xFFFFFE00];
	v41 =	vadd.s32 v0, v35;
	_ =	sdelay $0x4  }
0x428: {  	[tilespmem:v41+s16+$0x0] =	vst.idx.msk $0xffff, v33  }
0x429: {  	v42 =	vadd.s32 v2, v35;
	v33 =	vld [tilespmem:s21+$0xFFFFFE10];
	_ =	sdelay $0x4  }
0x42a: {  	[tilespmem:v42+s16+$0x0] =	vst.idx.msk $0xffff, v33  }
0x42b: {  	v43 =	vadd.s32 v3, v35;
	v33 =	vld [tilespmem:s21+$0xFFFFFE20];
	_ =	sdelay $0x4  }
0x42c: {  	[tilespmem:v43+s16+$0x0] =	vst.idx.msk $0xffff, v33  }
0x42d: {  	s23 =	sadd.s32 $0xFFFFFFF2, s22;
	v44 =	vadd.s32 v4, v35;
	v33 =	vld [tilespmem:s21+$0xFFFFFE30]  }
0x42e: {  	v45 =	vmov s23  }
0x42f: {  	v35 =	vshrl.u32 v45, $0x3  }
0x430: {  	v35 =	vshll.u32 v35, v1  }
0x431: {  	v35 =	vbroadcast v35, $0x0  }
0x432: {  	[tilespmem:v44+s16+$0x0] =	vst.idx.msk $0xffff, v33  }
0x433: {  	v46 =	vadd.s32 v5, v35;
	v33 =	vld [tilespmem:s21+$0xFFFFFE40];
	_ =	sdelay $0x4  }
0x434: {  	[tilespmem:v46+s16+$0x0] =	vst.idx.msk $0xffff, v33  }
0x435: {  	v47 =	vadd.s32 v6, v35;
	v33 =	vld [tilespmem:s21+$0xFFFFFE50];
	_ =	sdelay $0x4  }
0x436: {  	[tilespmem:v47+s16+$0x0] =	vst.idx.msk $0xffff, v33  }
0x437: {  	v48 =	vadd.s32 v7, v35;
	v33 =	vld [tilespmem:s21+$0xFFFFFE60];
	_ =	sdelay $0x4  }
0x438: {  	[tilespmem:v48+s16+$0x0] =	vst.idx.msk $0xffff, v33  }
0x439: {  	s26 =	sadd.s32 $0xFFFFFFF3, s22;
	v49 =	vadd.s32 v8, v35;
	v33 =	vld [tilespmem:s21+$0xFFFFFE70]  }
0x43a: {  	v50 =	vmov s26  }
0x43b: {  	v35 =	vshrl.u32 v50, $0x3  }
0x43c: {  	v35 =	vshll.u32 v35, v1  }
0x43d: {  	v35 =	vbroadcast v35, $0x0  }
0x43e: {  	[tilespmem:v49+s16+$0x0] =	vst.idx.msk $0xffff, v33  }
0x43f: {  	v51 =	vadd.s32 v9, v35;
	v33 =	vld [tilespmem:s21+$0xFFFFFE80];
	_ =	sdelay $0x4  }
0x440: {  	[tilespmem:v51+s16+$0x0] =	vst.idx.msk $0xffff, v33  }
0x441: {  	v52 =	vadd.s32 v10, v35;
	v33 =	vld [tilespmem:s21+$0xFFFFFE90];
	_ =	sdelay $0x4  }
0x442: {  	[tilespmem:v52+s16+$0x0] =	vst.idx.msk $0xffff, v33  }
0x443: {  	v53 =	vadd.s32 v11, v35;
	v33 =	vld [tilespmem:s21+$0xFFFFFEA0];
	_ =	sdelay $0x4  }
0x444: {  	[tilespmem:v53+s16+$0x0] =	vst.idx.msk $0xffff, v33  }
0x445: {  	s28 =	sadd.s32 $0xFFFFFFF4, s22;
	v54 =	vadd.s32 v12, v35;
	v33 =	vld [tilespmem:s21+$0xFFFFFEB0]  }
0x446: {  	v55 =	vmov s28  }
0x447: {  	v35 =	vshrl.u32 v55, $0x3  }
0x448: {  	v35 =	vshll.u32 v35, v1  }
0x449: {  	v35 =	vbroadcast v35, $0x0  }
0x44a: {  	[tilespmem:v54+s16+$0x0] =	vst.idx.msk $0xffff, v33  }
0x44b: {  	v56 =	vadd.s32 v13, v35;
	v33 =	vld [tilespmem:s21+$0xFFFFFEC0];
	_ =	sdelay $0x4  }
0x44c: {  	[tilespmem:v56+s16+$0x0] =	vst.idx.msk $0xffff, v33  }
0x44d: {  	v57 =	vadd.s32 v14, v35;
	v33 =	vld [tilespmem:s21+$0xFFFFFED0];
	_ =	sdelay $0x4  }
0x44e: {  	[tilespmem:v57+s16+$0x0] =	vst.idx.msk $0xffff, v33  }
0x44f: {  	v58 =	vadd.s32 v15, v35;
	v33 =	vld [tilespmem:s21+$0xFFFFFEE0];
	_ =	sdelay $0x4  }
0x450: {  	[tilespmem:v58+s16+$0x0] =	vst.idx.msk $0xffff, v33  }
0x451: {  	s29 =	sadd.s32 $0xFFFFFFF5, s22;
	v59 =	vadd.s32 v16, v35;
	v33 =	vld [tilespmem:s21+$0xFFFFFEF0]  }
0x452: {  	v60 =	vmov s29  }
0x453: {  	v35 =	vshrl.u32 v60, $0x3  }
0x454: {  	v35 =	vshll.u32 v35, v1  }
0x455: {  	v35 =	vbroadcast v35, $0x0  }
0x456: {  	[tilespmem:v59+s16+$0x0] =	vst.idx.msk $0xffff, v33  }
0x457: {  	v61 =	vadd.s32 v17, v35;
	v33 =	vld [tilespmem:s21+$0xFFFFFF00];
	_ =	sdelay $0x4  }
0x458: {  	[tilespmem:v61+s16+$0x0] =	vst.idx.msk $0xffff, v33  }
0x459: {  	v62 =	vadd.s32 v18, v35;
	v33 =	vld [tilespmem:s21+$0xFFFFFF10];
	_ =	sdelay $0x4  }
0x45a: {  	[tilespmem:v62+s16+$0x0] =	vst.idx.msk $0xffff, v33  }
0x45b: {  	v63 =	vadd.s32 v19, v35;
	v33 =	vld [tilespmem:s21+$0xFFFFFF20];
	_ =	sdelay $0x4  }
0x45c: {  	[tilespmem:v63+s16+$0x0] =	vst.idx.msk $0xffff, v33  }
0x45d: {  	s30 =	sadd.s32 $0xFFFFFFF6, s22;
	v36 =	vadd.s32 v20, v35;
	v33 =	vld [tilespmem:s21+$0xFFFFFF30]  }
0x45e: {  	v37 =	vmov s30  }
0x45f: {  	v35 =	vshrl.u32 v37, $0x3  }
0x460: {  	v35 =	vshll.u32 v35, v1  }
0x461: {  	v35 =	vbroadcast v35, $0x0  }
0x462: {  	[tilespmem:v36+s16+$0x0] =	vst.idx.msk $0xffff, v33  }
0x463: {  	v38 =	vadd.s32 v21, v35;
	v33 =	vld [tilespmem:s21+$0xFFFFFF40];
	_ =	sdelay $0x4  }
0x464: {  	[tilespmem:v38+s16+$0x0] =	vst.idx.msk $0xffff, v33  }
0x465: {  	v39 =	vadd.s32 v22, v35;
	v33 =	vld [tilespmem:s21+$0xFFFFFF50];
	_ =	sdelay $0x4  }
0x466: {  	[tilespmem:v39+s16+$0x0] =	vst.idx.msk $0xffff, v33  }
0x467: {  	v40 =	vadd.s32 v23, v35;
	v33 =	vld [tilespmem:s21+$0xFFFFFF60];
	_ =	sdelay $0x4  }
0x468: {  	[tilespmem:v40+s16+$0x0] =	vst.idx.msk $0xffff, v33  }
0x469: {  	s31 =	sadd.s32 $0xFFFFFFF7, s22;
	v41 =	vadd.s32 v24, v35;
	v33 =	vld [tilespmem:s21+$0xFFFFFF70]  }
0x46a: {  	v42 =	vmov s31  }
0x46b: {  	v35 =	vshrl.u32 v42, $0x3  }
0x46c: {  	v35 =	vshll.u32 v35, v1  }
0x46d: {  	v35 =	vbroadcast v35, $0x0  }
0x46e: {  	[tilespmem:v41+s16+$0x0] =	vst.idx.msk $0xffff, v33  }
0x46f: {  	v43 =	vadd.s32 v25, v35;
	v33 =	vld [tilespmem:s21+$0xFFFFFF80];
	_ =	sdelay $0x4  }
0x470: {  	[tilespmem:v43+s16+$0x0] =	vst.idx.msk $0xffff, v33  }
0x471: {  	v44 =	vadd.s32 v26, v35;
	v33 =	vld [tilespmem:s21+$0xFFFFFF90];
	_ =	sdelay $0x4  }
0x472: {  	[tilespmem:v44+s16+$0x0] =	vst.idx.msk $0xffff, v33  }
0x473: {  	v45 =	vadd.s32 v27, v35;
	v33 =	vld [tilespmem:s21+$0xFFFFFFA0];
	_ =	sdelay $0x4  }
0x474: {  	[tilespmem:v45+s16+$0x0] =	vst.idx.msk $0xffff, v33  }
0x475: {  	s24 =	sadd.s32 $0xFFFFFFF8, s22;
	v46 =	vadd.s32 v28, v35;
	v33 =	vld [tilespmem:s21+$0xFFFFFFB0]  }
0x476: {  	v47 =	vmov s24  }
0x477: {  	v35 =	vshrl.u32 v47, $0x3  }
0x478: {  	v35 =	vshll.u32 v35, v1  }
0x479: {  	v35 =	vbroadcast v35, $0x0  }
0x47a: {  	[tilespmem:v46+s16+$0x0] =	vst.idx.msk $0xffff, v33  }
0x47b: {  	v48 =	vadd.s32 v29, v35;
	v33 =	vld [tilespmem:s21+$0xFFFFFFC0];
	_ =	sdelay $0x4  }
0x47c: {  	[tilespmem:v48+s16+$0x0] =	vst.idx.msk $0xffff, v33  }
0x47d: {  	v49 =	vadd.s32 v30, v35;
	v33 =	vld [tilespmem:s21+$0xFFFFFFD0];
	_ =	sdelay $0x4  }
0x47e: {  	[tilespmem:v49+s16+$0x0] =	vst.idx.msk $0xffff, v33  }
0x47f: {  	v50 =	vadd.s32 v31, v35;
	v33 =	vld [tilespmem:s21+$0xFFFFFFE0];
	_ =	sdelay $0x4  }
0x480: {  	[tilespmem:v50+s16+$0x0] =	vst.idx.msk $0xffff, v33  }
0x481: {  	s25 =	sadd.s32 $0xFFFFFFF9, s22;
	v51 =	vadd.s32 v32, v35;
	v33 =	vld [tilespmem:s21+$0xFFFFFFF0]  }
0x482: {  	v52 =	vmov s25  }
0x483: {  	v35 =	vshrl.u32 v52, $0x3  }
0x484: {  	v35 =	vshll.u32 v35, v1  }
0x485: {  	v35 =	vbroadcast v35, $0x0  }
0x486: {  	[tilespmem:v51+s16+$0x0] =	vst.idx.msk $0xffff, v33  }
0x487: {  	v53 =	vadd.s32 v0, v35;
	v33 =	vld [tilespmem:s21+$0x0];
	_ =	sdelay $0x4  }
0x488: {  	[tilespmem:v53+s16+$0x0] =	vst.idx.msk $0xffff, v33  }
0x489: {  	v54 =	vadd.s32 v2, v35;
	v33 =	vld [tilespmem:s21+$0x10];
	_ =	sdelay $0x4  }
0x48a: {  	[tilespmem:v54+s16+$0x0] =	vst.idx.msk $0xffff, v33  }
0x48b: {  	v55 =	vadd.s32 v3, v35;
	v33 =	vld [tilespmem:s21+$0x20];
	_ =	sdelay $0x4  }
0x48c: {  	[tilespmem:v55+s16+$0x0] =	vst.idx.msk $0xffff, v33  }
0x48d: {  	s26 =	sadd.s32 $0xFFFFFFFA, s22;
	v56 =	vadd.s32 v4, v35;
	v33 =	vld [tilespmem:s21+$0x30]  }
0x48e: {  	v57 =	vmov s26  }
0x48f: {  	v35 =	vshrl.u32 v57, $0x3  }
0x490: {  	v35 =	vshll.u32 v35, v1  }
0x491: {  	v35 =	vbroadcast v35, $0x0  }
0x492: {  	[tilespmem:v56+s16+$0x0] =	vst.idx.msk $0xffff, v33  }
0x493: {  	v58 =	vadd.s32 v5, v35;
	v33 =	vld [tilespmem:s21+$0x40];
	_ =	sdelay $0x4  }
0x494: {  	[tilespmem:v58+s16+$0x0] =	vst.idx.msk $0xffff, v33  }
0x495: {  	v59 =	vadd.s32 v6, v35;
	v33 =	vld [tilespmem:s21+$0x50];
	_ =	sdelay $0x4  }
0x496: {  	[tilespmem:v59+s16+$0x0] =	vst.idx.msk $0xffff, v33  }
0x497: {  	v60 =	vadd.s32 v7, v35;
	v33 =	vld [tilespmem:s21+$0x60];
	_ =	sdelay $0x4  }
0x498: {  	[tilespmem:v60+s16+$0x0] =	vst.idx.msk $0xffff, v33  }
0x499: {  	s28 =	sadd.s32 $0xFFFFFFFB, s22;
	v61 =	vadd.s32 v8, v35;
	v33 =	vld [tilespmem:s21+$0x70]  }
0x49a: {  	v62 =	vmov s28  }
0x49b: {  	v35 =	vshrl.u32 v62, $0x3  }
0x49c: {  	v35 =	vshll.u32 v35, v1  }
0x49d: {  	v35 =	vbroadcast v35, $0x0  }
0x49e: {  	[tilespmem:v61+s16+$0x0] =	vst.idx.msk $0xffff, v33  }
0x49f: {  	v63 =	vadd.s32 v9, v35;
	v33 =	vld [tilespmem:s21+$0x80];
	_ =	sdelay $0x4  }
0x4a0: {  	[tilespmem:v63+s16+$0x0] =	vst.idx.msk $0xffff, v33  }
0x4a1: {  	v36 =	vadd.s32 v10, v35;
	v33 =	vld [tilespmem:s21+$0x90];
	_ =	sdelay $0x4  }
0x4a2: {  	[tilespmem:v36+s16+$0x0] =	vst.idx.msk $0xffff, v33  }
0x4a3: {  	v37 =	vadd.s32 v11, v35;
	v33 =	vld [tilespmem:s21+$0xA0];
	_ =	sdelay $0x4  }
0x4a4: {  	[tilespmem:v37+s16+$0x0] =	vst.idx.msk $0xffff, v33  }
0x4a5: {  	s29 =	sadd.s32 $0xFFFFFFFC, s22;
	v38 =	vadd.s32 v12, v35;
	v33 =	vld [tilespmem:s21+$0xB0]  }
0x4a6: {  	v39 =	vmov s29  }
0x4a7: {  	v35 =	vshrl.u32 v39, $0x3  }
0x4a8: {  	v35 =	vshll.u32 v35, v1  }
0x4a9: {  	v35 =	vbroadcast v35, $0x0  }
0x4aa: {  	[tilespmem:v38+s16+$0x0] =	vst.idx.msk $0xffff, v33  }
0x4ab: {  	v40 =	vadd.s32 v13, v35;
	v33 =	vld [tilespmem:s21+$0xC0];
	_ =	sdelay $0x4  }
0x4ac: {  	[tilespmem:v40+s16+$0x0] =	vst.idx.msk $0xffff, v33  }
0x4ad: {  	v41 =	vadd.s32 v14, v35;
	v33 =	vld [tilespmem:s21+$0xD0];
	_ =	sdelay $0x4  }
0x4ae: {  	[tilespmem:v41+s16+$0x0] =	vst.idx.msk $0xffff, v33  }
0x4af: {  	v42 =	vadd.s32 v15, v35;
	v33 =	vld [tilespmem:s21+$0xE0];
	_ =	sdelay $0x4  }
0x4b0: {  	[tilespmem:v42+s16+$0x0] =	vst.idx.msk $0xffff, v33  }
0x4b1: {  	s30 =	sadd.s32 $0xFFFFFFFD, s22;
	v43 =	vadd.s32 v16, v35;
	v33 =	vld [tilespmem:s21+$0xF0]  }
0x4b2: {  	v44 =	vmov s30  }
0x4b3: {  	v35 =	vshrl.u32 v44, $0x3  }
0x4b4: {  	v35 =	vshll.u32 v35, v1  }
0x4b5: {  	v35 =	vbroadcast v35, $0x0  }
0x4b6: {  	[tilespmem:v43+s16+$0x0] =	vst.idx.msk $0xffff, v33  }
0x4b7: {  	v45 =	vadd.s32 v17, v35;
	v33 =	vld [tilespmem:s21+$0x100];
	_ =	sdelay $0x4  }
0x4b8: {  	[tilespmem:v45+s16+$0x0] =	vst.idx.msk $0xffff, v33  }
0x4b9: {  	v46 =	vadd.s32 v18, v35;
	v33 =	vld [tilespmem:s21+$0x110];
	_ =	sdelay $0x4  }
0x4ba: {  	[tilespmem:v46+s16+$0x0] =	vst.idx.msk $0xffff, v33  }
0x4bb: {  	v47 =	vadd.s32 v19, v35;
	v33 =	vld [tilespmem:s21+$0x120];
	_ =	sdelay $0x4  }
0x4bc: {  	[tilespmem:v47+s16+$0x0] =	vst.idx.msk $0xffff, v33  }
0x4bd: {  	s31 =	sadd.s32 $0xFFFFFFFE, s22;
	v48 =	vadd.s32 v20, v35;
	v33 =	vld [tilespmem:s21+$0x130]  }
0x4be: {  	v49 =	vmov s31  }
0x4bf: {  	v35 =	vshrl.u32 v49, $0x3  }
0x4c0: {  	v35 =	vshll.u32 v35, v1  }
0x4c1: {  	v35 =	vbroadcast v35, $0x0  }
0x4c2: {  	[tilespmem:v48+s16+$0x0] =	vst.idx.msk $0xffff, v33  }
0x4c3: {  	v50 =	vadd.s32 v21, v35;
	v33 =	vld [tilespmem:s21+$0x140];
	_ =	sdelay $0x4  }
0x4c4: {  	[tilespmem:v50+s16+$0x0] =	vst.idx.msk $0xffff, v33  }
0x4c5: {  	v51 =	vadd.s32 v22, v35;
	v33 =	vld [tilespmem:s21+$0x150];
	_ =	sdelay $0x4  }
0x4c6: {  	[tilespmem:v51+s16+$0x0] =	vst.idx.msk $0xffff, v33  }
0x4c7: {  	v52 =	vadd.s32 v23, v35;
	v33 =	vld [tilespmem:s21+$0x160];
	_ =	sdelay $0x4  }
0x4c8: {  	[tilespmem:v52+s16+$0x0] =	vst.idx.msk $0xffff, v33  }
0x4c9: {  	s24 =	sadd.s32 $0xFFFFFFFF, s22;
	v53 =	vadd.s32 v24, v35;
	v33 =	vld [tilespmem:s21+$0x170]  }
0x4ca: {  	v54 =	vmov s24  }
0x4cb: {  	v35 =	vshrl.u32 v54, $0x3  }
0x4cc: {  	v35 =	vshll.u32 v35, v1  }
0x4cd: {  	v35 =	vbroadcast v35, $0x0  }
0x4ce: {  	[tilespmem:v53+s16+$0x0] =	vst.idx.msk $0xffff, v33  }
0x4cf: {  	v55 =	vadd.s32 v25, v35;
	v33 =	vld [tilespmem:s21+$0x180];
	_ =	sdelay $0x4  }
0x4d0: {  	[tilespmem:v55+s16+$0x0] =	vst.idx.msk $0xffff, v33  }
0x4d1: {  	v56 =	vadd.s32 v26, v35;
	v33 =	vld [tilespmem:s21+$0x190];
	_ =	sdelay $0x4  }
0x4d2: {  	[tilespmem:v56+s16+$0x0] =	vst.idx.msk $0xffff, v33  }
0x4d3: {  	v57 =	vadd.s32 v27, v35;
	v33 =	vld [tilespmem:s21+$0x1A0];
	_ =	sdelay $0x4  }
0x4d4: {  	[tilespmem:v57+s16+$0x0] =	vst.idx.msk $0xffff, v33  }
0x4d5: {  	v58 =	vadd.s32 v28, v35;
	v33 =	vld [tilespmem:s21+$0x1B0]  }
0x4d6: {  	v59 =	vmov s22  }
0x4d7: {  	v35 =	vshrl.u32 v59, $0x3  }
0x4d8: {  	v35 =	vshll.u32 v35, v1  }
0x4d9: {  	v35 =	vbroadcast v35, $0x0  }
0x4da: {  	[tilespmem:v58+s16+$0x0] =	vst.idx.msk $0xffff, v33  }
0x4db: {  	v60 =	vadd.s32 v29, v35;
	v33 =	vld [tilespmem:s21+$0x1C0];
	_ =	sdelay $0x4  }
0x4dc: {  	[tilespmem:v60+s16+$0x0] =	vst.idx.msk $0xffff, v33  }
0x4dd: {  	v61 =	vadd.s32 v30, v35;
	v33 =	vld [tilespmem:s21+$0x1D0];
	_ =	sdelay $0x4  }
0x4de: {  	[tilespmem:v61+s16+$0x0] =	vst.idx.msk $0xffff, v33  }
0x4df: {  	v62 =	vadd.s32 v31, v35;
	v33 =	vld [tilespmem:s21+$0x1E0];
	_ =	sdelay $0x4  }
0x4e0: {  	[tilespmem:v62+s16+$0x0] =	vst.idx.msk $0xffff, v33  }
0x4e1: {  	v63 =	vadd.s32 v32, v35;
	v33 =	vld [tilespmem:s21+$0x1F0]  }
0x4e2: {  	s20 =	sadd.s32 s6, s20  }
0x4e3: {  	s25 =	sshll.u32 s20, $0x7  }
0x4e4: {  	s20 =	sshll.u32 s20, $0xA;
	s21 =	sand.u32 $0xF80, s25  }
0x4e5: {  	s20 =	sand.u32 $0xFFF8000, s20;
	s21 =	sadd.s32 s2, s21  }
0x4e6: {  	s26 =	simm.s32 $0xC600;
	s21 =	sadd.s32 s20, s21;
	[tilespmem:v63+s16+$0x0] =	vst.idx.msk $0xffff, v33  }
0x4e7: {  	[hbm4b:s21+s3] =	stream.linear.scatter [tilespmem:s26], [sflag:$0x4], $0x80, $0x38;
	[tilespmem:$0xE800] =	vst v63  }
0x4e8: {  	s28 =	simm.s32 $0xC688;
	s29 =	sadd.s32 $0x10, s21  }
0x4e9: {  	[hbm4b:s29+s3] =	stream.linear.scatter [tilespmem:s28], [sflag:$0x4], $0x80, $0x38;
	[tilespmem:$0xE800] =	vst v63  }
0x4ea: {  	s23 =	simm.s32 $0xC798;
	s30 =	simm.s32 $0xC710;
	s31 =	sadd.s32 $0x20, s21  }
0x4eb: {  	[hbm4b:s31+s3] =	stream.linear.scatter [tilespmem:s30], [sflag:$0x4], $0x80, $0x38;
	[tilespmem:$0xE800] =	vst v63  }
0x4ec: {  	s22 =	simm.s32 $0x2200;
	s25 =	simm.s32 $0xC820;
	s24 =	sadd.s32 $0x30, s21  }
0x4ed: {  	[hbm4b:s24+s3] =	stream.linear.scatter [tilespmem:s23], [sflag:$0x4], $0x80, $0x38;
	[tilespmem:$0xE800] =	vst v63  }
0x4ee: {  	s20 =	simm.s32 $0x440;
	s26 =	sadd.s32 $0x40, s21;
	s28 =	simm.s32 $0xC8A8  }
0x4ef: {  	[hbm4b:s26+s3] =	stream.linear.scatter [tilespmem:s25], [sflag:$0x4], $0x80, $0x38;
	[tilespmem:$0xE800] =	vst v63  }
0x4f0: {  	s29 =	sadd.s32 $0x50, s21;
	s30 =	simm.s32 $0xC930;
	s31 =	sadd.s32 $0x60, s21  }
0x4f1: {  	[hbm4b:s29+s3] =	stream.linear.scatter [tilespmem:s28], [sflag:$0x4], $0x80, $0x38;
	[tilespmem:$0xE800] =	vst v63  }
0x4f2: {  	s23 =	simm.s32 $0xC9B8;
	s24 =	sadd.s32 $0x70, s21;
	s21 =	sadd.s32 $0x1000, s21  }
0x4f3: {  	[hbm4b:s31+s3] =	stream.linear.scatter [tilespmem:s30], [sflag:$0x4], $0x80, $0x38;
	[tilespmem:$0xE800] =	vst v63  }
.LBB2_13:
0x4f4: {  	[hbm4b:s24+s3] =	stream.linear.scatter [tilespmem:s23], [sflag:$0x4], $0x80, $0x38;
	[tilespmem:$0xE800] =	vst v63  }
0x4f5: {  	s23 =	smov.u32 s20;
	s20 =	smov.u32 s22  }
0x4f6: {  	s25 =	sadd.s32 $0x1100, s22;
	s20 =	sshra.s32 s20, $0x2;
	s24 =	sadd.s32 $0xC600, s23  }
0x4f7: {  	[hbm4b:s21+s3] =	stream.linear.scatter [tilespmem:s24], [sflag:$0x4], $0x80, $0x38;
	[tilespmem:$0xE800] =	vst v63  }
0x4f8: {  	p0 =	sne.s32 s22, $0x7700;
	s22 =	sadd.s32 $0xC688, s23;
	s24 =	sadd.s32 $0x10, s21  }
0x4f9: {  	[hbm4b:s24+s3] =	stream.linear.scatter [tilespmem:s22], [sflag:$0x4], $0x80, $0x38;
	[tilespmem:$0xE800] =	vst v63  }
0x4fa: {  	s22 =	sadd.s32 $0xC710, s23;
	s24 =	sadd.s32 $0x20, s21  }
0x4fb: {  	[hbm4b:s24+s3] =	stream.linear.scatter [tilespmem:s22], [sflag:$0x4], $0x80, $0x38;
	[tilespmem:$0xE800] =	vst v63  }
0x4fc: {  	s22 =	sadd.s32 $0xC798, s23;
	s24 =	sadd.s32 $0x30, s21  }
0x4fd: {  	[hbm4b:s24+s3] =	stream.linear.scatter [tilespmem:s22], [sflag:$0x4], $0x80, $0x38;
	[tilespmem:$0xE800] =	vst v63  }
0x4fe: {  	s22 =	sadd.s32 $0xC820, s23;
	s24 =	sadd.s32 $0x40, s21  }
0x4ff: {  	[hbm4b:s24+s3] =	stream.linear.scatter [tilespmem:s22], [sflag:$0x4], $0x80, $0x38;
	[tilespmem:$0xE800] =	vst v63  }
.Ltmp6:
0x500: {  	s22 =	sadd.s32 $0xC8A8, s23;
	s24 =	sadd.s32 $0x50, s21;
	(pc) =	sbr.rel @p0 .LBB2_13-.Ltmp6, $4  }
0x501: {  	[hbm4b:s24+s3] =	stream.linear.scatter [tilespmem:s22], [sflag:$0x4], $0x80, $0x38;
	[tilespmem:$0xE800] =	vst v63  }
0x502: {  	s22 =	sadd.s32 $0xC930, s23;
	s24 =	sadd.s32 $0x60, s21;
	s23 =	sadd.s32 $0xC9B8, s23  }
0x503: {  	[hbm4b:s24+s3] =	stream.linear.scatter [tilespmem:s22], [sflag:$0x4], $0x80, $0x38;
	[tilespmem:$0xE800] =	vst v63  }
0x504: {  	s24 =	sadd.s32 $0x70, s21;
	s21 =	sadd.s32 $0x1000, s21;
	s22 =	smov.u32 s25  }
0x505: {  	[hbm4b:s24+s3] =	stream.linear.scatter [tilespmem:s23], [sflag:$0x4], $0x80, $0x38;
	[tilespmem:$0xE800] =	vst v63  }
0x506: {  	s22 =	sadd.s32 $0xC600, s20  }
0x507: {  	[hbm4b:s21+s3] =	stream.linear.scatter [tilespmem:s22], [sflag:$0x4], $0x80, $0x38;
	[tilespmem:$0xE800] =	vst v63  }
0x508: {  	s25 =	sadd.s32 $0xC688, s20;
	s26 =	sadd.s32 $0x10, s21  }
0x509: {  	[hbm4b:s26+s3] =	stream.linear.scatter [tilespmem:s25], [sflag:$0x4], $0x80, $0x38;
	[tilespmem:$0xE800] =	vst v63  }
0x50a: {  	s28 =	sadd.s32 $0xC710, s20;
	s29 =	sadd.s32 $0x20, s21  }
0x50b: {  	[hbm4b:s29+s3] =	stream.linear.scatter [tilespmem:s28], [sflag:$0x4], $0x80, $0x38;
	[tilespmem:$0xE800] =	vst v63  }
0x50c: {  	s30 =	sadd.s32 $0xC798, s20;
	s31 =	sadd.s32 $0x30, s21  }
0x50d: {  	[hbm4b:s31+s3] =	stream.linear.scatter [tilespmem:s30], [sflag:$0x4], $0x80, $0x38;
	[tilespmem:$0xE800] =	vst v63  }
0x50e: {  	s23 =	sadd.s32 $0xC820, s20;
	s24 =	sadd.s32 $0x40, s21;
	s19 =	sadd.s32 $0x1, s19  }
0x50f: {  	[hbm4b:s24+s3] =	stream.linear.scatter [tilespmem:s23], [sflag:$0x4], $0x80, $0x38;
	[tilespmem:$0xE800] =	vst v63  }
0x510: {  	p0 =	sne.s32 s19, $0x64;
	s25 =	sadd.s32 $0xC8A8, s20;
	s26 =	sadd.s32 $0x50, s21  }
0x511: {  	[hbm4b:s26+s3] =	stream.linear.scatter [tilespmem:s25], [sflag:$0x4], $0x80, $0x38;
	[tilespmem:$0xE800] =	vst v63  }
.Ltmp7:
0x512: {  	_ = 	snop;
	(pc) =	sbr.rel @p0 .LBB2_2-.Ltmp7, $4  }
0x513: {  	s28 =	sadd.s32 $0xC930, s20;
	s29 =	sadd.s32 $0x60, s21  }
0x514: {  	[hbm4b:s29+s3] =	stream.linear.scatter [tilespmem:s28], [sflag:$0x4], $0x80, $0x38;
	[tilespmem:$0xE800] =	vst v63  }
0x515: {  	s30 =	sadd.s32 $0xC9B8, s20;
	s31 =	sadd.s32 $0x70, s21  }
0x516: {  	[hbm4b:s31+s3] =	stream.linear.scatter [tilespmem:s30], [sflag:$0x4], $0x80, $0x38;
	[tilespmem:$0xE800] =	vst v63  }
0x517: {  	s18 =	sadd.s32 $0x1, s18  }
0x518: {  	_ =	swait.ge [sflag:s17], $0x2000;
	p0 =	sne.s32 s18, s7  }
.Ltmp8:
0x519: {  	[sflag:s17] =	ssyncset.done $0x0;
	(pc) =	sbr.rel @p0 .LBB2_1-.Ltmp8, $4  }
0x51a: {  	[sflag:s17] =	ssyncadd.s32 $0xFFFFE000  }
0x51b: {  	_ =	swait.ge [sflag:s15], $0x2000  }
0x51c: {  	[sflag:s15] =	ssyncset.done $0x0  }
0x51d: {  	[sflag:s15] =	ssyncadd.s32 $0xFFFFE000  }
0x51e: {  	_ =	sfence.sel $0x180000  }
0x51f: {  	[bflag:$0x0] =	sbarrier.arrive $0xFFFF  }
0x520: {  	p0 =	sne.s32 s0, $0x0;
	_ =	strace $0x90000047  }
0x521: {  	s0 =	sadd.s32 @!p0 $0x100000, s1;
	[bflag:$0x2] =	sbarrier.arrive $0xFFFF  }
0x522: {  	[sflag:s0] =	ssyncadd.tile.s32 @!p0 $0x1;
	_ =	shalt  }
.Lfunc_end2:
_tile_overlayer_lowered:
.L_overlay_start_2:
0x523: {  	(tag) =	ssettag $0x2  }
0x524: {  	s0 =	rddreg [dreg:$0x0];
	s2 =	stileid.u32  }
0x525: {  	s1 =	rddreg [dreg:$0x1];
	p0 =	sne.s32 s2, $0x0  }
0x526: {  	s3 =	rddreg [dreg:$0x2];
	[bflag:$0x3] =	sbarrier.arrive $0xFFFF;
	s2 =	simm.s32 @!p0 $0x1C05  }
0x527: {  	[timem:s3], [sflag:s2] =	dma.local @!p0 [hbm:s0], s1  }
0x528: {  	s0 =	simm.s32 @!p0 $0x5  }
0x529: {  	_ =	swait.ge @!p0 [sflag:s0], s1  }
0x52a: {  	s1 =	ssub.s32 @!p0 $0x0, s1;
	[sflag:s0] =	ssyncset.done @!p0 $0x0  }
0x52b: {  	[sflag:s0] =	ssyncadd.s32 @!p0 s1  }
0x52c: {  	[bflag:$0x3] =	sbarrier.arrive $0xFFFF  }
0x52d: {  	_ =	shalt  }

</sc_bundles>
